<compile_context>
chip_gen: v7x
topology: tpu7x:2x2x1
jax: 0.10.2.dev20260603
libtpu: 0.0.44.dev20260713+nightly
codegen_flags: <defaults>
</compile_context>

<pallas_src>
import functools

import jax
import jax.numpy as jnp
from jax import lax
from jax.experimental import pallas as pl
from jax.experimental.pallas import tpu as pltpu
from jax.experimental.pallas import tpu_sc as plsc

EMBED_K = 64
DISEN_K = 4
D_K = EMBED_K // DISEN_K
TAU = 0.1
ROUTING_ITERS = 3
N_NEIGH = 4096
EPS = 1e-12

try:
    _info = plsc.get_sparse_core_info()
    _NC = _info.num_cores
    _NS = _info.num_subcores
except Exception:
    _NC, _NS = 2, 16
_NW = _NC * _NS
_BPW = N_NEIGH // _NW
_K = 4


def _sc_gather(gut, git, idx_nu, idx_ni, idx_cu, idx_ci):
    f32 = jnp.float32
    mesh = plsc.VectorSubcoreMesh(core_axis_name="c", subcore_axis_name="s")

    @functools.partial(
        pl.kernel,
        mesh=mesh,
        compiler_params=pltpu.CompilerParams(needs_layout_passes=False),
        out_type=[
            jax.ShapeDtypeStruct((EMBED_K, N_NEIGH), f32),
            jax.ShapeDtypeStruct((EMBED_K, N_NEIGH), f32),
            jax.ShapeDtypeStruct((EMBED_K, 8), f32),
        ],
        scratch_types=[
            pltpu.VMEM((2 * _K, EMBED_K, 128), f32),
            pltpu.VMEM((EMBED_K, _BPW), f32),
            pltpu.VMEM((EMBED_K, _BPW), f32),
            pltpu.VMEM((EMBED_K, 8), f32),
            pltpu.VMEM((_BPW + 16,), jnp.int32),
            pltpu.VMEM((_BPW + 16,), jnp.int32),
            pltpu.VMEM((16,), jnp.int32),
            pltpu.SemaphoreType.DMA,
            pltpu.SemaphoreType.DMA,
        ],
    )
    def gk(gut_h, git_h, inu_h, ini_h, icu_h, ici_h, oxu, oxi, oc,
           blks, cols_a, cols_b, ccols, idx_a, idx_b, cidx, sem_a, sem_b):
        wid = lax.axis_index("s") * _NC + lax.axis_index("c")
        base = wid * _BPW
        pltpu.sync_copy(inu_h.at[pl.ds(base, _BPW)], idx_a.at[pl.ds(0, _BPW)])
        pltpu.sync_copy(ini_h.at[pl.ds(base, _BPW)], idx_b.at[pl.ds(0, _BPW)])

        def scalar_at(idx_ref, i):
            return idx_ref[pl.ds(i, 16)][0]

        def fetch_block(tbl, ref_idx, slot, sem):
            blk = pl.multiple_of((ref_idx // 128) * 128, 128)
            pltpu.make_async_copy(
                tbl.at[:, pl.ds(blk, 128)], blks.at[slot], sem).start()

        def extract(ref_idx, slot, cols, i):
            lane = lax.rem(ref_idx, 128)
            lanev = jnp.zeros((16,), jnp.int32) + lane
            slotv = jnp.zeros((16,), jnp.int32) + slot
            iv = jnp.zeros((16,), jnp.int32) + i
            for g in range(EMBED_K // 16):
                rows = lax.iota(jnp.int32, 16) + (16 * g)
                v = plsc.load_gather(blks, [slotv, rows, lanev])
                plsc.store_scatter(cols, [rows, iv], v)

        def fire(i, s):
            fetch_block(git_h, scalar_at(idx_a, i), s, sem_a)
            fetch_block(gut_h, scalar_at(idx_b, i), _K + s, sem_b)

        for s in range(_K):
            fire(s, s)

        def group(g, carry):
            for s in range(_K):
                i = g * _K + s
                pltpu.make_async_copy(
                    git_h.at[:, pl.ds(0, 128)], blks.at[s], sem_a).wait()
                extract(scalar_at(idx_a, i), s, cols_a, i)
                pltpu.make_async_copy(
                    gut_h.at[:, pl.ds(0, 128)], blks.at[_K + s], sem_b).wait()
                extract(scalar_at(idx_b, i), _K + s, cols_b, i)

                @pl.when(i + _K < _BPW)
                def _refire():
                    fire(i + _K, s)
            return carry

        lax.fori_loop(0, _BPW // _K, group, 0)
        obase = pl.multiple_of(base, 128)
        pltpu.sync_copy(cols_a, oxu.at[:, pl.ds(obase, _BPW)])
        pltpu.sync_copy(cols_b, oxi.at[:, pl.ds(obase, _BPW)])

        @pl.when(wid == 0)
        def _():
            pltpu.sync_copy(icu_h.at[pl.ds(0, 16)], cidx)
            iu = scalar_at(cidx, 0)
            fetch_block(gut_h, iu, 0, sem_a)
            pltpu.make_async_copy(
                gut_h.at[:, pl.ds(0, 128)], blks.at[0], sem_a).wait()
            extract(iu, 0, ccols, 0)
            pltpu.sync_copy(ici_h.at[pl.ds(0, 16)], cidx)
            ii = scalar_at(cidx, 0)
            fetch_block(git_h, ii, 0, sem_a)
            pltpu.make_async_copy(
                git_h.at[:, pl.ds(0, 128)], blks.at[0], sem_a).wait()
            extract(ii, 0, ccols, 1)
            pltpu.sync_copy(ccols, oc)

    return gk(gut, git, idx_nu, idx_ni, idx_cu, idx_ci)


def _tc_body(xtu_ref, xti_ref, c_ref, wrt_ref, bc_ref, out_ref):
    f32 = jnp.float32
    wrt = wrt_ref[...]
    bc = bc_ref[:, 0:1]
    rr = lax.broadcasted_iota(jnp.int32, (EMBED_K, EMBED_K), 0) // D_K
    cc = lax.broadcasted_iota(jnp.int32, (EMBED_K, EMBED_K), 1) // D_K
    s_mat = (rr == cc).astype(f32)
    r4 = lax.broadcasted_iota(jnp.int32, (DISEN_K, EMBED_K), 0)
    c4 = lax.broadcasted_iota(jnp.int32, (DISEN_K, EMBED_K), 1) // D_K
    s4 = (r4 == c4).astype(f32)
    r4t = lax.broadcasted_iota(jnp.int32, (EMBED_K, DISEN_K), 0) // D_K
    c4t = lax.broadcasted_iota(jnp.int32, (EMBED_K, DISEN_K), 1)
    s4t = (r4t == c4t).astype(f32)

    def project(xt):
        h = jnp.maximum(
            jnp.dot(wrt, xt, preferred_element_type=f32) + bc, 0.0)
        ss = jnp.dot(s_mat, h * h, preferred_element_type=f32)
        return h / (jnp.sqrt(ss) + EPS)

    zt_u = project(xtu_ref[...])
    zt_i = project(xti_ref[...])
    zc = project(c_ref[...])
    e_u = zc[:, 0:1]
    e_i = zc[:, 1:2]

    def routing(zt, e):
        logits = jnp.dot(s4, zt * e, preferred_element_type=f32) * (1.0 / TAU)
        m = jnp.max(logits, axis=0, keepdims=True)
        ex = jnp.exp(logits - m)
        denom = jnp.sum(ex, axis=0, keepdims=True)
        p4 = ex / denom
        p = jnp.dot(s4t, p4, preferred_element_type=f32)
        agg = jnp.sum(p * zt, axis=1, keepdims=True)
        v = e + agg
        ss = jnp.dot(s_mat, v * v, preferred_element_type=f32)
        return v / (jnp.sqrt(ss) + EPS)

    for _ in range(ROUTING_ITERS):
        e_u = routing(zt_u, e_u)
        e_i = routing(zt_i, e_i)

    xui = jnp.sum(e_u * e_i)
    out_ref[:, 0:1] = e_u
    out_ref[:, 1:2] = e_i
    out_ref[:, 2:3] = jnp.zeros((EMBED_K, 1), f32) + xui
    out_ref[:, 3:8] = jnp.zeros((EMBED_K, 5), f32)


def kernel(Gu, Gi, W, b, user, item, neigh_user, neigh_item):
    gut = Gu.T
    git = Gi.T
    idx_cu = jnp.broadcast_to(user, (16,)).astype(jnp.int32)
    idx_ci = jnp.broadcast_to(item, (16,)).astype(jnp.int32)
    xtu, xti, c2 = _sc_gather(gut, git, neigh_user, neigh_item,
                              idx_cu, idx_ci)
    wrt = jnp.transpose(W, (0, 2, 1)).reshape(DISEN_K * D_K, EMBED_K)
    bc = jnp.broadcast_to(b.reshape(DISEN_K * D_K, 1), (DISEN_K * D_K, 8))
    out = pl.pallas_call(
        _tc_body,
        out_shape=jax.ShapeDtypeStruct((EMBED_K, 8), jnp.float32),
    )(xtu, xti, c2, wrt, bc)
    return (out[0:1, 2].reshape(1), out[:, 0], out[:, 1])

# --- scband reference (transcript-rebuilt; emitter-appended) ---
"""Pipeline reference for scband-disen-gcnmodel-9208409883325 (READ-ONLY COPY).

The authoritative reference and input builder live on the scoring server;
editing this copy changes nothing except your own understanding.
"""

import jax, jax.numpy as jnp
import numpy as np

NUM_USERS = 1000000
NUM_ITEMS = 1000000
EMBED_K = 64
DISEN_K = 4
D_K = EMBED_K // DISEN_K
TAU = 0.1
ROUTING_ITERS = 3
N_NEIGH = 4096


def _l2norm(x, eps=1e-12):
    return x / (jnp.linalg.norm(x, axis=-1, keepdims=True) + eps)


def setup_inputs(seed: int = 0) -> dict:
    key = jax.random.key(seed)
    ks = jax.random.split(key, 8)
    # Learned parameters (torch code zero-inits Gu/Gi; we use small random values
    # so forward/backward are numerically nontrivial).
    Gu = jax.random.normal(ks[0], (NUM_USERS, EMBED_K), dtype=jnp.float32) * 0.01
    Gi = jax.random.normal(ks[1], (NUM_ITEMS, EMBED_K), dtype=jnp.float32) * 0.01
    # FeatureProjection: per-channel linear EMBED_K -> D_K (DISEN_K channels)
    W = jax.random.normal(ks[2], (DISEN_K, EMBED_K, D_K), dtype=jnp.float32) * (1.0 / np.sqrt(EMBED_K))
    b = jnp.zeros((DISEN_K, D_K), dtype=jnp.float32)
    user = jax.random.randint(ks[3], (), 0, NUM_USERS, dtype=jnp.int32)
    item = jax.random.randint(ks[4], (), 0, NUM_ITEMS, dtype=jnp.int32)
    neigh_user = jax.random.randint(ks[5], (N_NEIGH,), 0, NUM_ITEMS, dtype=jnp.int32)
    neigh_item = jax.random.randint(ks[6], (N_NEIGH,), 0, NUM_USERS, dtype=jnp.int32)
    return {"Gu": Gu, "Gi": Gi, "W": W, "b": b, "user": user, "item": item,
            "neigh_user": neigh_user, "neigh_item": neigh_item}


def _project(x, W, b):
    # FeatureProjection: channel-wise linear + relu + L2 normalize -> [N, K, d_k]
    h = jnp.einsum('nd,kdf->nkf', x, W) + b[None, :, :]
    h = jax.nn.relu(h)
    return _l2norm(h)


def _routing_layer(z_all, n_nbr, tau):
    # DisenGCNLayer: one neighborhood-routing pass on the star ego-graph
    # edge_index = [[0]*n, [1..n]] -> node 0 aggregates from nodes 1..n
    z = _l2norm(z_all)
    src = jnp.arange(1, n_nbr + 1)
    dst = jnp.zeros((n_nbr,), dtype=jnp.int32)
    z_src = z[src]                                   # gather [E, K, d_k]
    logits = jnp.sum(z_src * z[dst], axis=-1) / tau  # [E, K]
    p = jax.nn.softmax(logits, axis=-1)              # softmax over channels
    msgs = p[:, :, None] * z_src
    agg = jnp.zeros_like(z).at[dst].add(msgs)        # scatter-add
    return _l2norm(z + agg)


def reference(Gu, Gi, W, b, user, item, neigh_user, neigh_item):
    users_emb = jnp.concatenate([Gu[user][None, :], Gu[neigh_item]], axis=0)
    items_emb = jnp.concatenate([Gi[item][None, :], Gi[neigh_user]], axis=0)
    zeta_u = jnp.concatenate([users_emb[0:1], items_emb[1:]], axis=0)
    zeta_i = jnp.concatenate([items_emb[0:1], users_emb[1:]], axis=0)
    zu = _project(zeta_u, W, b)
    zi = _project(zeta_i, W, b)
    n_u = neigh_user.shape[0]
    n_i = neigh_item.shape[0]
    for _ in range(ROUTING_ITERS):
        c_u = _routing_layer(zu, n_u, TAU)[0]
        c_i = _routing_layer(zi, n_i, TAU)[0]
        zu = zu.at[0].set(c_u)
        zi = zi.at[0].set(c_i)
    emb_u = zu.reshape(zu.shape[0], DISEN_K * D_K)
    emb_i = zi.reshape(zi.shape[0], DISEN_K * D_K)
    # message_dropout = 0.0 -> identity
    xui = jnp.sum(emb_u[0][None, :] * emb_i[0][None, :], axis=1)
    return (xui, emb_u[0], emb_i[0])

if __name__ == "__main__":
    import jax
    _d = setup_inputs()
    print(jax.jit(kernel)(*tuple(_d.values())))

</pallas_src>

<mosaic_0001>
#map = affine_map<(d0, d1) -> (0, 0)>
#map1 = affine_map<(d0, d1) -> (0)>
module attributes {stable_mosaic.version = 14 : i64} {
  func.func @gk(%arg0: i32, %arg1: i32, %arg2: memref<64x1000000xf32, #tpu.memory_space<hbm>>, %arg3: memref<64x1000000xf32, #tpu.memory_space<hbm>>, %arg4: memref<4096xi32, #tpu.memory_space<hbm>>, %arg5: memref<4096xi32, #tpu.memory_space<hbm>>, %arg6: memref<16xi32, #tpu.memory_space<hbm>>, %arg7: memref<16xi32, #tpu.memory_space<hbm>>, %arg8: memref<64x4096xf32, #tpu.memory_space<hbm>>, %arg9: memref<64x4096xf32, #tpu.memory_space<hbm>>, %arg10: memref<64x8xf32, #tpu.memory_space<hbm>>, %arg11: memref<8x64x128xf32, #tpu.memory_space<vmem>>, %arg12: memref<64x128xf32, #tpu.memory_space<vmem>>, %arg13: memref<64x128xf32, #tpu.memory_space<vmem>>, %arg14: memref<64x8xf32, #tpu.memory_space<vmem>>, %arg15: memref<144xi32, #tpu.memory_space<vmem>>, %arg16: memref<144xi32, #tpu.memory_space<vmem>>, %arg17: memref<16xi32, #tpu.memory_space<vmem>>, %arg18: memref<!tpu.dma_semaphore, #tpu.memory_space<semaphore_mem>>, %arg19: memref<!tpu.dma_semaphore, #tpu.memory_space<semaphore_mem>>) attributes {dimension_semantics = [#tpu.dimension_semantics<core_parallel>, #tpu.dimension_semantics<subcore_parallel>], iteration_bounds = array<i64: 2, 16>, scalar_prefetch = 0 : i64, scratch_operands = 9 : i64, tpu.core_type = #tpu.core_type<sc_vector_subcore>, window_params = [{transform_indices = #map}, {transform_indices = #map}, {transform_indices = #map1}, {transform_indices = #map1}, {transform_indices = #map1}, {transform_indices = #map1}, {transform_indices = #map}, {transform_indices = #map}, {transform_indices = #map}]} {
    %mul3A = arith.constant 2 : i32
    %mul3A_0 = arith.muli %arg1, %mul3A : i32
    %add3A = arith.addi %mul3A_0, %arg0 : i32
    %mul3A_1 = arith.constant 128 : i32
    %mul3A_2 = arith.muli %add3A, %mul3A_1 : i32
    "tpu.region"() ({
      %run_scoped3A = tpu.sem_alloc : memref<!tpu.dma_semaphore, #tpu.memory_space<semaphore_mem>>
      %dma_start3A_350 = arith.constant 0 : i32
      %dma_start3A_351 = tpu.memref_slice %arg15[%dma_start3A_350] : memref<144xi32, #tpu.memory_space<vmem>> -> memref<128xi32, #tpu.memory_space<vmem>>
      %dma_start3A_352 = tpu.memref_slice %arg4[%mul3A_2] : memref<4096xi32, #tpu.memory_space<hbm>> -> memref<128xi32, #tpu.memory_space<hbm>>
      %dma_start3A_353 = arith.constant 0 : i32
      %dma_start3A_354 = tpu.memref_slice %arg15[%dma_start3A_353] : memref<144xi32, #tpu.memory_space<vmem>> -> memref<128xi32, #tpu.memory_space<vmem>>
      %dma_start3A_355 = tpu.memref_slice %arg4[%mul3A_2] : memref<4096xi32, #tpu.memory_space<hbm>> -> memref<128xi32, #tpu.memory_space<hbm>>
      tpu.enqueue_dma source(%dma_start3A_355 : memref<128xi32, #tpu.memory_space<hbm>>) target(%dma_start3A_354 : memref<128xi32, #tpu.memory_space<vmem>>) target_semaphore(%run_scoped3A : memref<!tpu.dma_semaphore, #tpu.memory_space<semaphore_mem>>)
      %dma_wait3A = arith.constant 0 : i32
      %dma_wait3A_356 = tpu.memref_slice %arg15[%dma_wait3A] : memref<144xi32, #tpu.memory_space<vmem>> -> memref<128xi32, #tpu.memory_space<vmem>>
      %dma_wait3A_357 = tpu.memref_slice %arg4[%mul3A_2] : memref<4096xi32, #tpu.memory_space<hbm>> -> memref<128xi32, #tpu.memory_space<hbm>>
      %dma_wait3A_358 = arith.constant 0 : i32
      %dma_wait3A_359 = tpu.memref_slice %arg15[%dma_wait3A_358] : memref<144xi32, #tpu.memory_space<vmem>> -> memref<128xi32, #tpu.memory_space<vmem>>
      %dma_wait3A_360 = tpu.memref_slice %arg4[%mul3A_2] : memref<4096xi32, #tpu.memory_space<hbm>> -> memref<128xi32, #tpu.memory_space<hbm>>
      tpu.wait_dma2 semaphore(%run_scoped3A : memref<!tpu.dma_semaphore, #tpu.memory_space<semaphore_mem>>) src(%dma_wait3A_360 : memref<128xi32, #tpu.memory_space<hbm>>) dst(%dma_wait3A_359 : memref<128xi32, #tpu.memory_space<vmem>>)
      tpu.yield
    }) : () -> ()
    "tpu.region"() ({
      %run_scoped3A = tpu.sem_alloc : memref<!tpu.dma_semaphore, #tpu.memory_space<semaphore_mem>>
      %dma_start3A_350 = arith.constant 0 : i32
      %dma_start3A_351 = tpu.memref_slice %arg16[%dma_start3A_350] : memref<144xi32, #tpu.memory_space<vmem>> -> memref<128xi32, #tpu.memory_space<vmem>>
      %dma_start3A_352 = tpu.memref_slice %arg5[%mul3A_2] : memref<4096xi32, #tpu.memory_space<hbm>> -> memref<128xi32, #tpu.memory_space<hbm>>
      %dma_start3A_353 = arith.constant 0 : i32
      %dma_start3A_354 = tpu.memref_slice %arg16[%dma_start3A_353] : memref<144xi32, #tpu.memory_space<vmem>> -> memref<128xi32, #tpu.memory_space<vmem>>
      %dma_start3A_355 = tpu.memref_slice %arg5[%mul3A_2] : memref<4096xi32, #tpu.memory_space<hbm>> -> memref<128xi32, #tpu.memory_space<hbm>>
      tpu.enqueue_dma source(%dma_start3A_355 : memref<128xi32, #tpu.memory_space<hbm>>) target(%dma_start3A_354 : memref<128xi32, #tpu.memory_space<vmem>>) target_semaphore(%run_scoped3A : memref<!tpu.dma_semaphore, #tpu.memory_space<semaphore_mem>>)
      %dma_wait3A = arith.constant 0 : i32
      %dma_wait3A_356 = tpu.memref_slice %arg16[%dma_wait3A] : memref<144xi32, #tpu.memory_space<vmem>> -> memref<128xi32, #tpu.memory_space<vmem>>
      %dma_wait3A_357 = tpu.memref_slice %arg5[%mul3A_2] : memref<4096xi32, #tpu.memory_space<hbm>> -> memref<128xi32, #tpu.memory_space<hbm>>
      %dma_wait3A_358 = arith.constant 0 : i32
      %dma_wait3A_359 = tpu.memref_slice %arg16[%dma_wait3A_358] : memref<144xi32, #tpu.memory_space<vmem>> -> memref<128xi32, #tpu.memory_space<vmem>>
      %dma_wait3A_360 = tpu.memref_slice %arg5[%mul3A_2] : memref<4096xi32, #tpu.memory_space<hbm>> -> memref<128xi32, #tpu.memory_space<hbm>>
      tpu.wait_dma2 semaphore(%run_scoped3A : memref<!tpu.dma_semaphore, #tpu.memory_space<semaphore_mem>>) src(%dma_wait3A_360 : memref<128xi32, #tpu.memory_space<hbm>>) dst(%dma_wait3A_359 : memref<128xi32, #tpu.memory_space<vmem>>)
      tpu.yield
    }) : () -> ()
    %get3A = arith.constant 0 : index
    %get3A_3 = tpu.vector_load %arg15[%get3A] {strides = array<i32>} : memref<144xi32, #tpu.memory_space<vmem>>, vector<16xi32>,
    %slice3A = vector.extract_strided_slice %get3A_3 {offsets = [0], sizes = [1], strides = [1]} : vector<16xi32> to vector<1xi32>
    %squeeze3A = vector.extract %slice3A[0] : i32 from vector<1xi32>
    %jit3A = arith.constant 128 : i32
    %div3A = arith.divsi %squeeze3A, %jit3A : i32
    %sign3A = arith.constant 0 : i32
    %sign3A_4 = arith.cmpi sgt, %squeeze3A, %sign3A : i32
    %sign3A_5 = arith.extui %sign3A_4 : i1 to i32
    %sign3A_6 = arith.constant 0 : i32
    %sign3A_7 = arith.cmpi slt, %squeeze3A, %sign3A_6 : i32
    %sign3A_8 = arith.extui %sign3A_7 : i1 to i32
    %sign3A_9 = arith.subi %sign3A_5, %sign3A_8 : i32
    %sign3A_10 = arith.constant 0 : i32
    %sign3A_11 = arith.cmpi sgt, %jit3A, %sign3A_10 : i32
    %sign3A_12 = arith.extui %sign3A_11 : i1 to i32
    %sign3A_13 = arith.constant 0 : i32
    %sign3A_14 = arith.cmpi slt, %jit3A, %sign3A_13 : i32
    %sign3A_15 = arith.extui %sign3A_14 : i1 to i32
    %sign3A_16 = arith.subi %sign3A_12, %sign3A_15 : i32
    %ne3A = arith.cmpi ne, %sign3A_9, %sign3A_16 : i32
    %rem3A = arith.remsi %squeeze3A, %jit3A : i32
    %ne3A_17 = arith.constant 0 : i32
    %ne3A_18 = arith.cmpi ne, %rem3A, %ne3A_17 : i32
    %and3A = arith.andi %ne3A, %ne3A_18 : i1
    %sub3A = arith.constant 1 : i32
    %sub3A_19 = arith.subi %div3A, %sub3A : i32
    %select_n3A = arith.select %and3A, %sub3A_19, %div3A : i32
    %mul3A_20 = arith.constant 128 : i32
    %mul3A_21 = arith.muli %select_n3A, %mul3A_20 : i32
    %multiple_of3A = tpu.assume_multiple %mul3A_21, 128 : i32
    %dma_start3A = arith.constant 0 : i32
    %dma_start3A_22 = arith.constant 0 : i32
    %dma_start3A_23 = arith.constant 0 : i32
    %dma_start3A_24 = tpu.memref_slice %arg11[%dma_start3A, %dma_start3A_22, %dma_start3A_23] : memref<8x64x128xf32, #tpu.memory_space<vmem>> -> memref<1x64x128xf32, #tpu.memory_space<vmem>>
    %dma_start3A_25 = tpu.memref_squeeze %dma_start3A_24 : memref<1x64x128xf32, #tpu.memory_space<vmem>> -> memref<64x128xf32, #tpu.memory_space<vmem>>
    %dma_start3A_26 = arith.constant 0 : i32
    %dma_start3A_27 = tpu.memref_slice %arg3[%dma_start3A_26, %multiple_of3A] : memref<64x1000000xf32, #tpu.memory_space<hbm>> -> memref<64x128xf32, #tpu.memory_space<hbm>>
    %dma_start3A_28 = arith.constant 0 : i32
    %dma_start3A_29 = arith.constant 0 : i32
    %dma_start3A_30 = tpu.memref_slice %arg11[%dma_start3A, %dma_start3A_28, %dma_start3A_29] : memref<8x64x128xf32, #tpu.memory_space<vmem>> -> memref<1x64x128xf32, #tpu.memory_space<vmem>>
    %dma_start3A_31 = tpu.memref_squeeze %dma_start3A_30 : memref<1x64x128xf32, #tpu.memory_space<vmem>> -> memref<64x128xf32, #tpu.memory_space<vmem>>
    %dma_start3A_32 = arith.constant 0 : i32
    %dma_start3A_33 = tpu.memref_slice %arg3[%dma_start3A_32, %multiple_of3A] : memref<64x1000000xf32, #tpu.memory_space<hbm>> -> memref<64x128xf32, #tpu.memory_space<hbm>>
    tpu.enqueue_dma source(%dma_start3A_33 : memref<64x128xf32, #tpu.memory_space<hbm>>) target(%dma_start3A_31 : memref<64x128xf32, #tpu.memory_space<vmem>>) target_semaphore(%arg18 : memref<!tpu.dma_semaphore, #tpu.memory_space<semaphore_mem>>)
    %get3A_34 = arith.constant 0 : index
    %get3A_35 = tpu.vector_load %arg16[%get3A_34] {strides = array<i32>} : memref<144xi32, #tpu.memory_space<vmem>>, vector<16xi32>,
    %slice3A_36 = vector.extract_strided_slice %get3A_35 {offsets = [0], sizes = [1], strides = [1]} : vector<16xi32> to vector<1xi32>
    %squeeze3A_37 = vector.extract %slice3A_36[0] : i32 from vector<1xi32>
    %jit3A_38 = arith.constant 128 : i32
    %div3A_39 = arith.divsi %squeeze3A_37, %jit3A_38 : i32
    %sign3A_40 = arith.constant 0 : i32
    %sign3A_41 = arith.cmpi sgt, %squeeze3A_37, %sign3A_40 : i32
    %sign3A_42 = arith.extui %sign3A_41 : i1 to i32
    %sign3A_43 = arith.constant 0 : i32
    %sign3A_44 = arith.cmpi slt, %squeeze3A_37, %sign3A_43 : i32
    %sign3A_45 = arith.extui %sign3A_44 : i1 to i32
    %sign3A_46 = arith.subi %sign3A_42, %sign3A_45 : i32
    %sign3A_47 = arith.constant 0 : i32
    %sign3A_48 = arith.cmpi sgt, %jit3A_38, %sign3A_47 : i32
    %sign3A_49 = arith.extui %sign3A_48 : i1 to i32
    %sign3A_50 = arith.constant 0 : i32
    %sign3A_51 = arith.cmpi slt, %jit3A_38, %sign3A_50 : i32
    %sign3A_52 = arith.extui %sign3A_51 : i1 to i32
    %sign3A_53 = arith.subi %sign3A_49, %sign3A_52 : i32
    %ne3A_54 = arith.cmpi ne, %sign3A_46, %sign3A_53 : i32
    %rem3A_55 = arith.remsi %squeeze3A_37, %jit3A_38 : i32
    %ne3A_56 = arith.constant 0 : i32
    %ne3A_57 = arith.cmpi ne, %rem3A_55, %ne3A_56 : i32
    %and3A_58 = arith.andi %ne3A_54, %ne3A_57 : i1
    %sub3A_59 = arith.constant 1 : i32
    %sub3A_60 = arith.subi %div3A_39, %sub3A_59 : i32
    %select_n3A_61 = arith.select %and3A_58, %sub3A_60, %div3A_39 : i32
    %mul3A_62 = arith.constant 128 : i32
    %mul3A_63 = arith.muli %select_n3A_61, %mul3A_62 : i32
    %multiple_of3A_64 = tpu.assume_multiple %mul3A_63, 128 : i32
    %dma_start3A_65 = arith.constant 4 : i32
    %dma_start3A_66 = arith.constant 0 : i32
    %dma_start3A_67 = arith.constant 0 : i32
    %dma_start3A_68 = tpu.memref_slice %arg11[%dma_start3A_65, %dma_start3A_66, %dma_start3A_67] : memref<8x64x128xf32, #tpu.memory_space<vmem>> -> memref<1x64x128xf32, #tpu.memory_space<vmem>>
    %dma_start3A_69 = tpu.memref_squeeze %dma_start3A_68 : memref<1x64x128xf32, #tpu.memory_space<vmem>> -> memref<64x128xf32, #tpu.memory_space<vmem>>
    %dma_start3A_70 = arith.constant 0 : i32
    %dma_start3A_71 = tpu.memref_slice %arg2[%dma_start3A_70, %multiple_of3A_64] : memref<64x1000000xf32, #tpu.memory_space<hbm>> -> memref<64x128xf32, #tpu.memory_space<hbm>>
    %dma_start3A_72 = arith.constant 0 : i32
    %dma_start3A_73 = arith.constant 0 : i32
    %dma_start3A_74 = tpu.memref_slice %arg11[%dma_start3A_65, %dma_start3A_72, %dma_start3A_73] : memref<8x64x128xf32, #tpu.memory_space<vmem>> -> memref<1x64x128xf32, #tpu.memory_space<vmem>>
    %dma_start3A_75 = tpu.memref_squeeze %dma_start3A_74 : memref<1x64x128xf32, #tpu.memory_space<vmem>> -> memref<64x128xf32, #tpu.memory_space<vmem>>
    %dma_start3A_76 = arith.constant 0 : i32
    %dma_start3A_77 = tpu.memref_slice %arg2[%dma_start3A_76, %multiple_of3A_64] : memref<64x1000000xf32, #tpu.memory_space<hbm>> -> memref<64x128xf32, #tpu.memory_space<hbm>>
    tpu.enqueue_dma source(%dma_start3A_77 : memref<64x128xf32, #tpu.memory_space<hbm>>) target(%dma_start3A_75 : memref<64x128xf32, #tpu.memory_space<vmem>>) target_semaphore(%arg19 : memref<!tpu.dma_semaphore, #tpu.memory_space<semaphore_mem>>)
    %get3A_78 = arith.constant 1 : index
    %get3A_79 = tpu.vector_load %arg15[%get3A_78] {strides = array<i32>} : memref<144xi32, #tpu.memory_space<vmem>>, vector<16xi32>,
    %slice3A_80 = vector.extract_strided_slice %get3A_79 {offsets = [0], sizes = [1], strides = [1]} : vector<16xi32> to vector<1xi32>
    %squeeze3A_81 = vector.extract %slice3A_80[0] : i32 from vector<1xi32>
    %jit3A_82 = arith.constant 128 : i32
    %div3A_83 = arith.divsi %squeeze3A_81, %jit3A_82 : i32
    %sign3A_84 = arith.constant 0 : i32
    %sign3A_85 = arith.cmpi sgt, %squeeze3A_81, %sign3A_84 : i32
    %sign3A_86 = arith.extui %sign3A_85 : i1 to i32
    %sign3A_87 = arith.constant 0 : i32
    %sign3A_88 = arith.cmpi slt, %squeeze3A_81, %sign3A_87 : i32
    %sign3A_89 = arith.extui %sign3A_88 : i1 to i32
    %sign3A_90 = arith.subi %sign3A_86, %sign3A_89 : i32
    %sign3A_91 = arith.constant 0 : i32
    %sign3A_92 = arith.cmpi sgt, %jit3A_82, %sign3A_91 : i32
    %sign3A_93 = arith.extui %sign3A_92 : i1 to i32
    %sign3A_94 = arith.constant 0 : i32
    %sign3A_95 = arith.cmpi slt, %jit3A_82, %sign3A_94 : i32
    %sign3A_96 = arith.extui %sign3A_95 : i1 to i32
    %sign3A_97 = arith.subi %sign3A_93, %sign3A_96 : i32
    %ne3A_98 = arith.cmpi ne, %sign3A_90, %sign3A_97 : i32
    %rem3A_99 = arith.remsi %squeeze3A_81, %jit3A_82 : i32
    %ne3A_100 = arith.constant 0 : i32
    %ne3A_101 = arith.cmpi ne, %rem3A_99, %ne3A_100 : i32
    %and3A_102 = arith.andi %ne3A_98, %ne3A_101 : i1
    %sub3A_103 = arith.constant 1 : i32
    %sub3A_104 = arith.subi %div3A_83, %sub3A_103 : i32
    %select_n3A_105 = arith.select %and3A_102, %sub3A_104, %div3A_83 : i32
    %mul3A_106 = arith.constant 128 : i32
    %mul3A_107 = arith.muli %select_n3A_105, %mul3A_106 : i32
    %multiple_of3A_108 = tpu.assume_multiple %mul3A_107, 128 : i32
    %dma_start3A_109 = arith.constant 1 : i32
    %dma_start3A_110 = arith.constant 0 : i32
    %dma_start3A_111 = arith.constant 0 : i32
    %dma_start3A_112 = tpu.memref_slice %arg11[%dma_start3A_109, %dma_start3A_110, %dma_start3A_111] : memref<8x64x128xf32, #tpu.memory_space<vmem>> -> memref<1x64x128xf32, #tpu.memory_space<vmem>>
    %dma_start3A_113 = tpu.memref_squeeze %dma_start3A_112 : memref<1x64x128xf32, #tpu.memory_space<vmem>> -> memref<64x128xf32, #tpu.memory_space<vmem>>
    %dma_start3A_114 = arith.constant 0 : i32
    %dma_start3A_115 = tpu.memref_slice %arg3[%dma_start3A_114, %multiple_of3A_108] : memref<64x1000000xf32, #tpu.memory_space<hbm>> -> memref<64x128xf32, #tpu.memory_space<hbm>>
    %dma_start3A_116 = arith.constant 0 : i32
    %dma_start3A_117 = arith.constant 0 : i32
    %dma_start3A_118 = tpu.memref_slice %arg11[%dma_start3A_109, %dma_start3A_116, %dma_start3A_117] : memref<8x64x128xf32, #tpu.memory_space<vmem>> -> memref<1x64x128xf32, #tpu.memory_space<vmem>>
    %dma_start3A_119 = tpu.memref_squeeze %dma_start3A_118 : memref<1x64x128xf32, #tpu.memory_space<vmem>> -> memref<64x128xf32, #tpu.memory_space<vmem>>
    %dma_start3A_120 = arith.constant 0 : i32
    %dma_start3A_121 = tpu.memref_slice %arg3[%dma_start3A_120, %multiple_of3A_108] : memref<64x1000000xf32, #tpu.memory_space<hbm>> -> memref<64x128xf32, #tpu.memory_space<hbm>>
    tpu.enqueue_dma source(%dma_start3A_121 : memref<64x128xf32, #tpu.memory_space<hbm>>) target(%dma_start3A_119 : memref<64x128xf32, #tpu.memory_space<vmem>>) target_semaphore(%arg18 : memref<!tpu.dma_semaphore, #tpu.memory_space<semaphore_mem>>)
    %get3A_122 = arith.constant 1 : index
    %get3A_123 = tpu.vector_load %arg16[%get3A_122] {strides = array<i32>} : memref<144xi32, #tpu.memory_space<vmem>>, vector<16xi32>,
    %slice3A_124 = vector.extract_strided_slice %get3A_123 {offsets = [0], sizes = [1], strides = [1]} : vector<16xi32> to vector<1xi32>
    %squeeze3A_125 = vector.extract %slice3A_124[0] : i32 from vector<1xi32>
    %jit3A_126 = arith.constant 128 : i32
    %div3A_127 = arith.divsi %squeeze3A_125, %jit3A_126 : i32
    %sign3A_128 = arith.constant 0 : i32
    %sign3A_129 = arith.cmpi sgt, %squeeze3A_125, %sign3A_128 : i32
    %sign3A_130 = arith.extui %sign3A_129 : i1 to i32
    %sign3A_131 = arith.constant 0 : i32
    %sign3A_132 = arith.cmpi slt, %squeeze3A_125, %sign3A_131 : i32
    %sign3A_133 = arith.extui %sign3A_132 : i1 to i32
    %sign3A_134 = arith.subi %sign3A_130, %sign3A_133 : i32
    %sign3A_135 = arith.constant 0 : i32
    %sign3A_136 = arith.cmpi sgt, %jit3A_126, %sign3A_135 : i32
    %sign3A_137 = arith.extui %sign3A_136 : i1 to i32
    %sign3A_138 = arith.constant 0 : i32
    %sign3A_139 = arith.cmpi slt, %jit3A_126, %sign3A_138 : i32
    %sign3A_140 = arith.extui %sign3A_139 : i1 to i32
    %sign3A_141 = arith.subi %sign3A_137, %sign3A_140 : i32
    %ne3A_142 = arith.cmpi ne, %sign3A_134, %sign3A_141 : i32
    %rem3A_143 = arith.remsi %squeeze3A_125, %jit3A_126 : i32
    %ne3A_144 = arith.constant 0 : i32
    %ne3A_145 = arith.cmpi ne, %rem3A_143, %ne3A_144 : i32
    %and3A_146 = arith.andi %ne3A_142, %ne3A_145 : i1
    %sub3A_147 = arith.constant 1 : i32
    %sub3A_148 = arith.subi %div3A_127, %sub3A_147 : i32
    %select_n3A_149 = arith.select %and3A_146, %sub3A_148, %div3A_127 : i32
    %mul3A_150 = arith.constant 128 : i32
    %mul3A_151 = arith.muli %select_n3A_149, %mul3A_150 : i32
    %multiple_of3A_152 = tpu.assume_multiple %mul3A_151, 128 : i32
    %dma_start3A_153 = arith.constant 5 : i32
    %dma_start3A_154 = arith.constant 0 : i32
    %dma_start3A_155 = arith.constant 0 : i32
    %dma_start3A_156 = tpu.memref_slice %arg11[%dma_start3A_153, %dma_start3A_154, %dma_start3A_155] : memref<8x64x128xf32, #tpu.memory_space<vmem>> -> memref<1x64x128xf32, #tpu.memory_space<vmem>>
    %dma_start3A_157 = tpu.memref_squeeze %dma_start3A_156 : memref<1x64x128xf32, #tpu.memory_space<vmem>> -> memref<64x128xf32, #tpu.memory_space<vmem>>
    %dma_start3A_158 = arith.constant 0 : i32
    %dma_start3A_159 = tpu.memref_slice %arg2[%dma_start3A_158, %multiple_of3A_152] : memref<64x1000000xf32, #tpu.memory_space<hbm>> -> memref<64x128xf32, #tpu.memory_space<hbm>>
    %dma_start3A_160 = arith.constant 0 : i32
    %dma_start3A_161 = arith.constant 0 : i32
    %dma_start3A_162 = tpu.memref_slice %arg11[%dma_start3A_153, %dma_start3A_160, %dma_start3A_161] : memref<8x64x128xf32, #tpu.memory_space<vmem>> -> memref<1x64x128xf32, #tpu.memory_space<vmem>>
    %dma_start3A_163 = tpu.memref_squeeze %dma_start3A_162 : memref<1x64x128xf32, #tpu.memory_space<vmem>> -> memref<64x128xf32, #tpu.memory_space<vmem>>
    %dma_start3A_164 = arith.constant 0 : i32
    %dma_start3A_165 = tpu.memref_slice %arg2[%dma_start3A_164, %multiple_of3A_152] : memref<64x1000000xf32, #tpu.memory_space<hbm>> -> memref<64x128xf32, #tpu.memory_space<hbm>>
    tpu.enqueue_dma source(%dma_start3A_165 : memref<64x128xf32, #tpu.memory_space<hbm>>) target(%dma_start3A_163 : memref<64x128xf32, #tpu.memory_space<vmem>>) target_semaphore(%arg19 : memref<!tpu.dma_semaphore, #tpu.memory_space<semaphore_mem>>)
    %get3A_166 = arith.constant 2 : index
    %get3A_167 = tpu.vector_load %arg15[%get3A_166] {strides = array<i32>} : memref<144xi32, #tpu.memory_space<vmem>>, vector<16xi32>,
    %slice3A_168 = vector.extract_strided_slice %get3A_167 {offsets = [0], sizes = [1], strides = [1]} : vector<16xi32> to vector<1xi32>
    %squeeze3A_169 = vector.extract %slice3A_168[0] : i32 from vector<1xi32>
    %jit3A_170 = arith.constant 128 : i32
    %div3A_171 = arith.divsi %squeeze3A_169, %jit3A_170 : i32
    %sign3A_172 = arith.constant 0 : i32
    %sign3A_173 = arith.cmpi sgt, %squeeze3A_169, %sign3A_172 : i32
    %sign3A_174 = arith.extui %sign3A_173 : i1 to i32
    %sign3A_175 = arith.constant 0 : i32
    %sign3A_176 = arith.cmpi slt, %squeeze3A_169, %sign3A_175 : i32
    %sign3A_177 = arith.extui %sign3A_176 : i1 to i32
    %sign3A_178 = arith.subi %sign3A_174, %sign3A_177 : i32
    %sign3A_179 = arith.constant 0 : i32
    %sign3A_180 = arith.cmpi sgt, %jit3A_170, %sign3A_179 : i32
    %sign3A_181 = arith.extui %sign3A_180 : i1 to i32
    %sign3A_182 = arith.constant 0 : i32
    %sign3A_183 = arith.cmpi slt, %jit3A_170, %sign3A_182 : i32
    %sign3A_184 = arith.extui %sign3A_183 : i1 to i32
    %sign3A_185 = arith.subi %sign3A_181, %sign3A_184 : i32
    %ne3A_186 = arith.cmpi ne, %sign3A_178, %sign3A_185 : i32
    %rem3A_187 = arith.remsi %squeeze3A_169, %jit3A_170 : i32
    %ne3A_188 = arith.constant 0 : i32
    %ne3A_189 = arith.cmpi ne, %rem3A_187, %ne3A_188 : i32
    %and3A_190 = arith.andi %ne3A_186, %ne3A_189 : i1
    %sub3A_191 = arith.constant 1 : i32
    %sub3A_192 = arith.subi %div3A_171, %sub3A_191 : i32
    %select_n3A_193 = arith.select %and3A_190, %sub3A_192, %div3A_171 : i32
    %mul3A_194 = arith.constant 128 : i32
    %mul3A_195 = arith.muli %select_n3A_193, %mul3A_194 : i32
    %multiple_of3A_196 = tpu.assume_multiple %mul3A_195, 128 : i32
    %dma_start3A_197 = arith.constant 2 : i32
    %dma_start3A_198 = arith.constant 0 : i32
    %dma_start3A_199 = arith.constant 0 : i32
    %dma_start3A_200 = tpu.memref_slice %arg11[%dma_start3A_197, %dma_start3A_198, %dma_start3A_199] : memref<8x64x128xf32, #tpu.memory_space<vmem>> -> memref<1x64x128xf32, #tpu.memory_space<vmem>>
    %dma_start3A_201 = tpu.memref_squeeze %dma_start3A_200 : memref<1x64x128xf32, #tpu.memory_space<vmem>> -> memref<64x128xf32, #tpu.memory_space<vmem>>
    %dma_start3A_202 = arith.constant 0 : i32
    %dma_start3A_203 = tpu.memref_slice %arg3[%dma_start3A_202, %multiple_of3A_196] : memref<64x1000000xf32, #tpu.memory_space<hbm>> -> memref<64x128xf32, #tpu.memory_space<hbm>>
    %dma_start3A_204 = arith.constant 0 : i32
    %dma_start3A_205 = arith.constant 0 : i32
    %dma_start3A_206 = tpu.memref_slice %arg11[%dma_start3A_197, %dma_start3A_204, %dma_start3A_205] : memref<8x64x128xf32, #tpu.memory_space<vmem>> -> memref<1x64x128xf32, #tpu.memory_space<vmem>>
    %dma_start3A_207 = tpu.memref_squeeze %dma_start3A_206 : memref<1x64x128xf32, #tpu.memory_space<vmem>> -> memref<64x128xf32, #tpu.memory_space<vmem>>
    %dma_start3A_208 = arith.constant 0 : i32
    %dma_start3A_209 = tpu.memref_slice %arg3[%dma_start3A_208, %multiple_of3A_196] : memref<64x1000000xf32, #tpu.memory_space<hbm>> -> memref<64x128xf32, #tpu.memory_space<hbm>>
    tpu.enqueue_dma source(%dma_start3A_209 : memref<64x128xf32, #tpu.memory_space<hbm>>) target(%dma_start3A_207 : memref<64x128xf32, #tpu.memory_space<vmem>>) target_semaphore(%arg18 : memref<!tpu.dma_semaphore, #tpu.memory_space<semaphore_mem>>)
    %get3A_210 = arith.constant 2 : index
    %get3A_211 = tpu.vector_load %arg16[%get3A_210] {strides = array<i32>} : memref<144xi32, #tpu.memory_space<vmem>>, vector<16xi32>,
    %slice3A_212 = vector.extract_strided_slice %get3A_211 {offsets = [0], sizes = [1], strides = [1]} : vector<16xi32> to vector<1xi32>
    %squeeze3A_213 = vector.extract %slice3A_212[0] : i32 from vector<1xi32>
    %jit3A_214 = arith.constant 128 : i32
    %div3A_215 = arith.divsi %squeeze3A_213, %jit3A_214 : i32
    %sign3A_216 = arith.constant 0 : i32
    %sign3A_217 = arith.cmpi sgt, %squeeze3A_213, %sign3A_216 : i32
    %sign3A_218 = arith.extui %sign3A_217 : i1 to i32
    %sign3A_219 = arith.constant 0 : i32
    %sign3A_220 = arith.cmpi slt, %squeeze3A_213, %sign3A_219 : i32
    %sign3A_221 = arith.extui %sign3A_220 : i1 to i32
    %sign3A_222 = arith.subi %sign3A_218, %sign3A_221 : i32
    %sign3A_223 = arith.constant 0 : i32
    %sign3A_224 = arith.cmpi sgt, %jit3A_214, %sign3A_223 : i32
    %sign3A_225 = arith.extui %sign3A_224 : i1 to i32
    %sign3A_226 = arith.constant 0 : i32
    %sign3A_227 = arith.cmpi slt, %jit3A_214, %sign3A_226 : i32
    %sign3A_228 = arith.extui %sign3A_227 : i1 to i32
    %sign3A_229 = arith.subi %sign3A_225, %sign3A_228 : i32
    %ne3A_230 = arith.cmpi ne, %sign3A_222, %sign3A_229 : i32
    %rem3A_231 = arith.remsi %squeeze3A_213, %jit3A_214 : i32
    %ne3A_232 = arith.constant 0 : i32
    %ne3A_233 = arith.cmpi ne, %rem3A_231, %ne3A_232 : i32
    %and3A_234 = arith.andi %ne3A_230, %ne3A_233 : i1
    %sub3A_235 = arith.constant 1 : i32
    %sub3A_236 = arith.subi %div3A_215, %sub3A_235 : i32
    %select_n3A_237 = arith.select %and3A_234, %sub3A_236, %div3A_215 : i32
    %mul3A_238 = arith.constant 128 : i32
    %mul3A_239 = arith.muli %select_n3A_237, %mul3A_238 : i32
    %multiple_of3A_240 = tpu.assume_multiple %mul3A_239, 128 : i32
    %dma_start3A_241 = arith.constant 6 : i32
    %dma_start3A_242 = arith.constant 0 : i32
    %dma_start3A_243 = arith.constant 0 : i32
    %dma_start3A_244 = tpu.memref_slice %arg11[%dma_start3A_241, %dma_start3A_242, %dma_start3A_243] : memref<8x64x128xf32, #tpu.memory_space<vmem>> -> memref<1x64x128xf32, #tpu.memory_space<vmem>>
    %dma_start3A_245 = tpu.memref_squeeze %dma_start3A_244 : memref<1x64x128xf32, #tpu.memory_space<vmem>> -> memref<64x128xf32, #tpu.memory_space<vmem>>
    %dma_start3A_246 = arith.constant 0 : i32
    %dma_start3A_247 = tpu.memref_slice %arg2[%dma_start3A_246, %multiple_of3A_240] : memref<64x1000000xf32, #tpu.memory_space<hbm>> -> memref<64x128xf32, #tpu.memory_space<hbm>>
    %dma_start3A_248 = arith.constant 0 : i32
    %dma_start3A_249 = arith.constant 0 : i32
    %dma_start3A_250 = tpu.memref_slice %arg11[%dma_start3A_241, %dma_start3A_248, %dma_start3A_249] : memref<8x64x128xf32, #tpu.memory_space<vmem>> -> memref<1x64x128xf32, #tpu.memory_space<vmem>>
    %dma_start3A_251 = tpu.memref_squeeze %dma_start3A_250 : memref<1x64x128xf32, #tpu.memory_space<vmem>> -> memref<64x128xf32, #tpu.memory_space<vmem>>
    %dma_start3A_252 = arith.constant 0 : i32
    %dma_start3A_253 = tpu.memref_slice %arg2[%dma_start3A_252, %multiple_of3A_240] : memref<64x1000000xf32, #tpu.memory_space<hbm>> -> memref<64x128xf32, #tpu.memory_space<hbm>>
    tpu.enqueue_dma source(%dma_start3A_253 : memref<64x128xf32, #tpu.memory_space<hbm>>) target(%dma_start3A_251 : memref<64x128xf32, #tpu.memory_space<vmem>>) target_semaphore(%arg19 : memref<!tpu.dma_semaphore, #tpu.memory_space<semaphore_mem>>)
    %get3A_254 = arith.constant 3 : index
    %get3A_255 = tpu.vector_load %arg15[%get3A_254] {strides = array<i32>} : memref<144xi32, #tpu.memory_space<vmem>>, vector<16xi32>,
    %slice3A_256 = vector.extract_strided_slice %get3A_255 {offsets = [0], sizes = [1], strides = [1]} : vector<16xi32> to vector<1xi32>
    %squeeze3A_257 = vector.extract %slice3A_256[0] : i32 from vector<1xi32>
    %jit3A_258 = arith.constant 128 : i32
    %div3A_259 = arith.divsi %squeeze3A_257, %jit3A_258 : i32
    %sign3A_260 = arith.constant 0 : i32
    %sign3A_261 = arith.cmpi sgt, %squeeze3A_257, %sign3A_260 : i32
    %sign3A_262 = arith.extui %sign3A_261 : i1 to i32
    %sign3A_263 = arith.constant 0 : i32
    %sign3A_264 = arith.cmpi slt, %squeeze3A_257, %sign3A_263 : i32
    %sign3A_265 = arith.extui %sign3A_264 : i1 to i32
    %sign3A_266 = arith.subi %sign3A_262, %sign3A_265 : i32
    %sign3A_267 = arith.constant 0 : i32
    %sign3A_268 = arith.cmpi sgt, %jit3A_258, %sign3A_267 : i32
    %sign3A_269 = arith.extui %sign3A_268 : i1 to i32
    %sign3A_270 = arith.constant 0 : i32
    %sign3A_271 = arith.cmpi slt, %jit3A_258, %sign3A_270 : i32
    %sign3A_272 = arith.extui %sign3A_271 : i1 to i32
    %sign3A_273 = arith.subi %sign3A_269, %sign3A_272 : i32
    %ne3A_274 = arith.cmpi ne, %sign3A_266, %sign3A_273 : i32
    %rem3A_275 = arith.remsi %squeeze3A_257, %jit3A_258 : i32
    %ne3A_276 = arith.constant 0 : i32
    %ne3A_277 = arith.cmpi ne, %rem3A_275, %ne3A_276 : i32
    %and3A_278 = arith.andi %ne3A_274, %ne3A_277 : i1
    %sub3A_279 = arith.constant 1 : i32
    %sub3A_280 = arith.subi %div3A_259, %sub3A_279 : i32
    %select_n3A_281 = arith.select %and3A_278, %sub3A_280, %div3A_259 : i32
    %mul3A_282 = arith.constant 128 : i32
    %mul3A_283 = arith.muli %select_n3A_281, %mul3A_282 : i32
    %multiple_of3A_284 = tpu.assume_multiple %mul3A_283, 128 : i32
    %dma_start3A_285 = arith.constant 3 : i32
    %dma_start3A_286 = arith.constant 0 : i32
    %dma_start3A_287 = arith.constant 0 : i32
    %dma_start3A_288 = tpu.memref_slice %arg11[%dma_start3A_285, %dma_start3A_286, %dma_start3A_287] : memref<8x64x128xf32, #tpu.memory_space<vmem>> -> memref<1x64x128xf32, #tpu.memory_space<vmem>>
    %dma_start3A_289 = tpu.memref_squeeze %dma_start3A_288 : memref<1x64x128xf32, #tpu.memory_space<vmem>> -> memref<64x128xf32, #tpu.memory_space<vmem>>
    %dma_start3A_290 = arith.constant 0 : i32
    %dma_start3A_291 = tpu.memref_slice %arg3[%dma_start3A_290, %multiple_of3A_284] : memref<64x1000000xf32, #tpu.memory_space<hbm>> -> memref<64x128xf32, #tpu.memory_space<hbm>>
    %dma_start3A_292 = arith.constant 0 : i32
    %dma_start3A_293 = arith.constant 0 : i32
    %dma_start3A_294 = tpu.memref_slice %arg11[%dma_start3A_285, %dma_start3A_292, %dma_start3A_293] : memref<8x64x128xf32, #tpu.memory_space<vmem>> -> memref<1x64x128xf32, #tpu.memory_space<vmem>>
    %dma_start3A_295 = tpu.memref_squeeze %dma_start3A_294 : memref<1x64x128xf32, #tpu.memory_space<vmem>> -> memref<64x128xf32, #tpu.memory_space<vmem>>
    %dma_start3A_296 = arith.constant 0 : i32
    %dma_start3A_297 = tpu.memref_slice %arg3[%dma_start3A_296, %multiple_of3A_284] : memref<64x1000000xf32, #tpu.memory_space<hbm>> -> memref<64x128xf32, #tpu.memory_space<hbm>>
    tpu.enqueue_dma source(%dma_start3A_297 : memref<64x128xf32, #tpu.memory_space<hbm>>) target(%dma_start3A_295 : memref<64x128xf32, #tpu.memory_space<vmem>>) target_semaphore(%arg18 : memref<!tpu.dma_semaphore, #tpu.memory_space<semaphore_mem>>)
    %get3A_298 = arith.constant 3 : index
    %get3A_299 = tpu.vector_load %arg16[%get3A_298] {strides = array<i32>} : memref<144xi32, #tpu.memory_space<vmem>>, vector<16xi32>,
    %slice3A_300 = vector.extract_strided_slice %get3A_299 {offsets = [0], sizes = [1], strides = [1]} : vector<16xi32> to vector<1xi32>
    %squeeze3A_301 = vector.extract %slice3A_300[0] : i32 from vector<1xi32>
    %jit3A_302 = arith.constant 128 : i32
    %div3A_303 = arith.divsi %squeeze3A_301, %jit3A_302 : i32
    %sign3A_304 = arith.constant 0 : i32
    %sign3A_305 = arith.cmpi sgt, %squeeze3A_301, %sign3A_304 : i32
    %sign3A_306 = arith.extui %sign3A_305 : i1 to i32
    %sign3A_307 = arith.constant 0 : i32
    %sign3A_308 = arith.cmpi slt, %squeeze3A_301, %sign3A_307 : i32
    %sign3A_309 = arith.extui %sign3A_308 : i1 to i32
    %sign3A_310 = arith.subi %sign3A_306, %sign3A_309 : i32
    %sign3A_311 = arith.constant 0 : i32
    %sign3A_312 = arith.cmpi sgt, %jit3A_302, %sign3A_311 : i32
    %sign3A_313 = arith.extui %sign3A_312 : i1 to i32
    %sign3A_314 = arith.constant 0 : i32
    %sign3A_315 = arith.cmpi slt, %jit3A_302, %sign3A_314 : i32
    %sign3A_316 = arith.extui %sign3A_315 : i1 to i32
    %sign3A_317 = arith.subi %sign3A_313, %sign3A_316 : i32
    %ne3A_318 = arith.cmpi ne, %sign3A_310, %sign3A_317 : i32
    %rem3A_319 = arith.remsi %squeeze3A_301, %jit3A_302 : i32
    %ne3A_320 = arith.constant 0 : i32
    %ne3A_321 = arith.cmpi ne, %rem3A_319, %ne3A_320 : i32
    %and3A_322 = arith.andi %ne3A_318, %ne3A_321 : i1
    %sub3A_323 = arith.constant 1 : i32
    %sub3A_324 = arith.subi %div3A_303, %sub3A_323 : i32
    %select_n3A_325 = arith.select %and3A_322, %sub3A_324, %div3A_303 : i32
    %mul3A_326 = arith.constant 128 : i32
    %mul3A_327 = arith.muli %select_n3A_325, %mul3A_326 : i32
    %multiple_of3A_328 = tpu.assume_multiple %mul3A_327, 128 : i32
    %dma_start3A_329 = arith.constant 7 : i32
    %dma_start3A_330 = arith.constant 0 : i32
    %dma_start3A_331 = arith.constant 0 : i32
    %dma_start3A_332 = tpu.memref_slice %arg11[%dma_start3A_329, %dma_start3A_330, %dma_start3A_331] : memref<8x64x128xf32, #tpu.memory_space<vmem>> -> memref<1x64x128xf32, #tpu.memory_space<vmem>>
    %dma_start3A_333 = tpu.memref_squeeze %dma_start3A_332 : memref<1x64x128xf32, #tpu.memory_space<vmem>> -> memref<64x128xf32, #tpu.memory_space<vmem>>
    %dma_start3A_334 = arith.constant 0 : i32
    %dma_start3A_335 = tpu.memref_slice %arg2[%dma_start3A_334, %multiple_of3A_328] : memref<64x1000000xf32, #tpu.memory_space<hbm>> -> memref<64x128xf32, #tpu.memory_space<hbm>>
    %dma_start3A_336 = arith.constant 0 : i32
    %dma_start3A_337 = arith.constant 0 : i32
    %dma_start3A_338 = tpu.memref_slice %arg11[%dma_start3A_329, %dma_start3A_336, %dma_start3A_337] : memref<8x64x128xf32, #tpu.memory_space<vmem>> -> memref<1x64x128xf32, #tpu.memory_space<vmem>>
    %dma_start3A_339 = tpu.memref_squeeze %dma_start3A_338 : memref<1x64x128xf32, #tpu.memory_space<vmem>> -> memref<64x128xf32, #tpu.memory_space<vmem>>
    %dma_start3A_340 = arith.constant 0 : i32
    %dma_start3A_341 = tpu.memref_slice %arg2[%dma_start3A_340, %multiple_of3A_328] : memref<64x1000000xf32, #tpu.memory_space<hbm>> -> memref<64x128xf32, #tpu.memory_space<hbm>>
    tpu.enqueue_dma source(%dma_start3A_341 : memref<64x128xf32, #tpu.memory_space<hbm>>) target(%dma_start3A_339 : memref<64x128xf32, #tpu.memory_space<vmem>>) target_semaphore(%arg19 : memref<!tpu.dma_semaphore, #tpu.memory_space<semaphore_mem>>)
    %scan3A = arith.constant 0 : i32
    %scan3A_342 = arith.constant 0 : i32
    %scan3A_343 = arith.constant 32 : i32
    %scan3A_344 = arith.addi %scan3A_342, %scan3A_343 : i32
    %scan3A_345 = arith.constant 1 : i32
    scf.for %scan3A_350 = %scan3A_342 to %scan3A_344 step %scan3A_345  : i32 {
      %mul3A_351 = arith.constant 4 : i32
      %mul3A_352 = arith.muli %scan3A_350, %mul3A_351 : i32
      %add3A_353 = arith.constant 0 : i32
      %add3A_354 = arith.addi %mul3A_352, %add3A_353 : i32
      %dma_wait3A = arith.constant 0 : i32
      %dma_wait3A_355 = arith.constant 0 : i32
      %dma_wait3A_356 = arith.constant 0 : i32
      %dma_wait3A_357 = tpu.memref_slice %arg11[%dma_wait3A, %dma_wait3A_355, %dma_wait3A_356] : memref<8x64x128xf32, #tpu.memory_space<vmem>> -> memref<1x64x128xf32, #tpu.memory_space<vmem>>
      %dma_wait3A_358 = tpu.memref_squeeze %dma_wait3A_357 : memref<1x64x128xf32, #tpu.memory_space<vmem>> -> memref<64x128xf32, #tpu.memory_space<vmem>>
      %dma_wait3A_359 = arith.constant 0 : i32
      %dma_wait3A_360 = arith.constant 0 : i32
      %dma_wait3A_361 = tpu.memref_slice %arg3[%dma_wait3A_359, %dma_wait3A_360] : memref<64x1000000xf32, #tpu.memory_space<hbm>> -> memref<64x128xf32, #tpu.memory_space<hbm>>
      %dma_wait3A_362 = arith.constant 0 : i32
      %dma_wait3A_363 = arith.constant 0 : i32
      %dma_wait3A_364 = tpu.memref_slice %arg11[%dma_wait3A, %dma_wait3A_362, %dma_wait3A_363] : memref<8x64x128xf32, #tpu.memory_space<vmem>> -> memref<1x64x128xf32, #tpu.memory_space<vmem>>
      %dma_wait3A_365 = tpu.memref_squeeze %dma_wait3A_364 : memref<1x64x128xf32, #tpu.memory_space<vmem>> -> memref<64x128xf32, #tpu.memory_space<vmem>>
      %dma_wait3A_366 = arith.constant 0 : i32
      %dma_wait3A_367 = arith.constant 0 : i32
      %dma_wait3A_368 = tpu.memref_slice %arg3[%dma_wait3A_366, %dma_wait3A_367] : memref<64x1000000xf32, #tpu.memory_space<hbm>> -> memref<64x128xf32, #tpu.memory_space<hbm>>
      tpu.wait_dma2 semaphore(%arg18 : memref<!tpu.dma_semaphore, #tpu.memory_space<semaphore_mem>>) src(%dma_wait3A_368 : memref<64x128xf32, #tpu.memory_space<hbm>>) dst(%dma_wait3A_365 : memref<64x128xf32, #tpu.memory_space<vmem>>)
      %get3A_369 = arith.index_cast %add3A_354 : i32 to index
      %get3A_370 = tpu.vector_load %arg15[%get3A_369] {strides = array<i32>} : memref<144xi32, #tpu.memory_space<vmem>>, vector<16xi32>,
      %slice3A_371 = vector.extract_strided_slice %get3A_370 {offsets = [0], sizes = [1], strides = [1]} : vector<16xi32> to vector<1xi32>
      %squeeze3A_372 = vector.extract %slice3A_371[0] : i32 from vector<1xi32>
      %rem3A_373 = arith.constant 128 : i32
      %rem3A_374 = arith.remsi %squeeze3A_372, %rem3A_373 : i32
      %broadcast_in_dim3A = arith.constant 0 : i32
      %broadcast_in_dim3A_375 = vector.broadcast %broadcast_in_dim3A : i32 to vector<16xi32>
      %add3A_376 = vector.broadcast %rem3A_374 : i32 to vector<16xi32>
      %add3A_377 = arith.addi %broadcast_in_dim3A_375, %add3A_376 : vector<16xi32>
      %broadcast_in_dim3A_378 = arith.constant 0 : i32
      %broadcast_in_dim3A_379 = vector.broadcast %broadcast_in_dim3A_378 : i32 to vector<16xi32>
      %add3A_380 = arith.constant 0 : i32
      %add3A_381 = vector.broadcast %add3A_380 : i32 to vector<16xi32>
      %add3A_382 = arith.addi %broadcast_in_dim3A_379, %add3A_381 : vector<16xi32>
      %broadcast_in_dim3A_383 = arith.constant 0 : i32
      %broadcast_in_dim3A_384 = vector.broadcast %broadcast_in_dim3A_383 : i32 to vector<16xi32>
      %add3A_385 = vector.broadcast %add3A_354 : i32 to vector<16xi32>
      %add3A_386 = arith.addi %broadcast_in_dim3A_384, %add3A_385 : vector<16xi32>
      %iota3A = tpu.iota {dimensions = array<i32: 0>} : vector<16xi32>
      %add3A_387 = arith.constant 0 : i32
      %add3A_388 = vector.broadcast %add3A_387 : i32 to vector<16xi32>
      %add3A_389 = arith.addi %iota3A, %add3A_388 : vector<16xi32>
      %gather3A = tpu.vector_load_idx %arg11[%add3A_382, %add3A_389, %add3A_377] : memref<8x64x128xf32, #tpu.memory_space<vmem>>[vector<16xi32>, vector<16xi32>, vector<16xi32>], vector<16xf32>,
      tpu.vector_store_idx %arg12[%add3A_389, %add3A_386], %gather3A : memref<64x128xf32, #tpu.memory_space<vmem>>[vector<16xi32>, vector<16xi32>], vector<16xf32>,
      %iota3A_390 = tpu.iota {dimensions = array<i32: 0>} : vector<16xi32>
      %add3A_391 = arith.constant 16 : i32
      %add3A_392 = vector.broadcast %add3A_391 : i32 to vector<16xi32>
      %add3A_393 = arith.addi %iota3A_390, %add3A_392 : vector<16xi32>
      %gather3A_394 = tpu.vector_load_idx %arg11[%add3A_382, %add3A_393, %add3A_377] : memref<8x64x128xf32, #tpu.memory_space<vmem>>[vector<16xi32>, vector<16xi32>, vector<16xi32>], vector<16xf32>,
      tpu.vector_store_idx %arg12[%add3A_393, %add3A_386], %gather3A_394 : memref<64x128xf32, #tpu.memory_space<vmem>>[vector<16xi32>, vector<16xi32>], vector<16xf32>,
      %iota3A_395 = tpu.iota {dimensions = array<i32: 0>} : vector<16xi32>
      %add3A_396 = arith.constant 32 : i32
      %add3A_397 = vector.broadcast %add3A_396 : i32 to vector<16xi32>
      %add3A_398 = arith.addi %iota3A_395, %add3A_397 : vector<16xi32>
      %gather3A_399 = tpu.vector_load_idx %arg11[%add3A_382, %add3A_398, %add3A_377] : memref<8x64x128xf32, #tpu.memory_space<vmem>>[vector<16xi32>, vector<16xi32>, vector<16xi32>], vector<16xf32>,
      tpu.vector_store_idx %arg12[%add3A_398, %add3A_386], %gather3A_399 : memref<64x128xf32, #tpu.memory_space<vmem>>[vector<16xi32>, vector<16xi32>], vector<16xf32>,
      %iota3A_400 = tpu.iota {dimensions = array<i32: 0>} : vector<16xi32>
      %add3A_401 = arith.constant 48 : i32
      %add3A_402 = vector.broadcast %add3A_401 : i32 to vector<16xi32>
      %add3A_403 = arith.addi %iota3A_400, %add3A_402 : vector<16xi32>
      %gather3A_404 = tpu.vector_load_idx %arg11[%add3A_382, %add3A_403, %add3A_377] : memref<8x64x128xf32, #tpu.memory_space<vmem>>[vector<16xi32>, vector<16xi32>, vector<16xi32>], vector<16xf32>,
      tpu.vector_store_idx %arg12[%add3A_403, %add3A_386], %gather3A_404 : memref<64x128xf32, #tpu.memory_space<vmem>>[vector<16xi32>, vector<16xi32>], vector<16xf32>,
      %dma_wait3A_405 = arith.constant 4 : i32
      %dma_wait3A_406 = arith.constant 0 : i32
      %dma_wait3A_407 = arith.constant 0 : i32
      %dma_wait3A_408 = tpu.memref_slice %arg11[%dma_wait3A_405, %dma_wait3A_406, %dma_wait3A_407] : memref<8x64x128xf32, #tpu.memory_space<vmem>> -> memref<1x64x128xf32, #tpu.memory_space<vmem>>
      %dma_wait3A_409 = tpu.memref_squeeze %dma_wait3A_408 : memref<1x64x128xf32, #tpu.memory_space<vmem>> -> memref<64x128xf32, #tpu.memory_space<vmem>>
      %dma_wait3A_410 = arith.constant 0 : i32
      %dma_wait3A_411 = arith.constant 0 : i32
      %dma_wait3A_412 = tpu.memref_slice %arg2[%dma_wait3A_410, %dma_wait3A_411] : memref<64x1000000xf32, #tpu.memory_space<hbm>> -> memref<64x128xf32, #tpu.memory_space<hbm>>
      %dma_wait3A_413 = arith.constant 0 : i32
      %dma_wait3A_414 = arith.constant 0 : i32
      %dma_wait3A_415 = tpu.memref_slice %arg11[%dma_wait3A_405, %dma_wait3A_413, %dma_wait3A_414] : memref<8x64x128xf32, #tpu.memory_space<vmem>> -> memref<1x64x128xf32, #tpu.memory_space<vmem>>
      %dma_wait3A_416 = tpu.memref_squeeze %dma_wait3A_415 : memref<1x64x128xf32, #tpu.memory_space<vmem>> -> memref<64x128xf32, #tpu.memory_space<vmem>>
      %dma_wait3A_417 = arith.constant 0 : i32
      %dma_wait3A_418 = arith.constant 0 : i32
      %dma_wait3A_419 = tpu.memref_slice %arg2[%dma_wait3A_417, %dma_wait3A_418] : memref<64x1000000xf32, #tpu.memory_space<hbm>> -> memref<64x128xf32, #tpu.memory_space<hbm>>
      tpu.wait_dma2 semaphore(%arg19 : memref<!tpu.dma_semaphore, #tpu.memory_space<semaphore_mem>>) src(%dma_wait3A_419 : memref<64x128xf32, #tpu.memory_space<hbm>>) dst(%dma_wait3A_416 : memref<64x128xf32, #tpu.memory_space<vmem>>)
      %get3A_420 = arith.index_cast %add3A_354 : i32 to index
      %get3A_421 = tpu.vector_load %arg16[%get3A_420] {strides = array<i32>} : memref<144xi32, #tpu.memory_space<vmem>>, vector<16xi32>,
      %slice3A_422 = vector.extract_strided_slice %get3A_421 {offsets = [0], sizes = [1], strides = [1]} : vector<16xi32> to vector<1xi32>
      %squeeze3A_423 = vector.extract %slice3A_422[0] : i32 from vector<1xi32>
      %rem3A_424 = arith.constant 128 : i32
      %rem3A_425 = arith.remsi %squeeze3A_423, %rem3A_424 : i32
      %broadcast_in_dim3A_426 = arith.constant 0 : i32
      %broadcast_in_dim3A_427 = vector.broadcast %broadcast_in_dim3A_426 : i32 to vector<16xi32>
      %add3A_428 = vector.broadcast %rem3A_425 : i32 to vector<16xi32>
      %add3A_429 = arith.addi %broadcast_in_dim3A_427, %add3A_428 : vector<16xi32>
      %broadcast_in_dim3A_430 = arith.constant 0 : i32
      %broadcast_in_dim3A_431 = vector.broadcast %broadcast_in_dim3A_430 : i32 to vector<16xi32>
      %add3A_432 = arith.constant 4 : i32
      %add3A_433 = vector.broadcast %add3A_432 : i32 to vector<16xi32>
      %add3A_434 = arith.addi %broadcast_in_dim3A_431, %add3A_433 : vector<16xi32>
      %broadcast_in_dim3A_435 = arith.constant 0 : i32
      %broadcast_in_dim3A_436 = vector.broadcast %broadcast_in_dim3A_435 : i32 to vector<16xi32>
      %add3A_437 = vector.broadcast %add3A_354 : i32 to vector<16xi32>
      %add3A_438 = arith.addi %broadcast_in_dim3A_436, %add3A_437 : vector<16xi32>
      %iota3A_439 = tpu.iota {dimensions = array<i32: 0>} : vector<16xi32>
      %add3A_440 = arith.constant 0 : i32
      %add3A_441 = vector.broadcast %add3A_440 : i32 to vector<16xi32>
      %add3A_442 = arith.addi %iota3A_439, %add3A_441 : vector<16xi32>
      %gather3A_443 = tpu.vector_load_idx %arg11[%add3A_434, %add3A_442, %add3A_429] : memref<8x64x128xf32, #tpu.memory_space<vmem>>[vector<16xi32>, vector<16xi32>, vector<16xi32>], vector<16xf32>,
      tpu.vector_store_idx %arg13[%add3A_442, %add3A_438], %gather3A_443 : memref<64x128xf32, #tpu.memory_space<vmem>>[vector<16xi32>, vector<16xi32>], vector<16xf32>,
      %iota3A_444 = tpu.iota {dimensions = array<i32: 0>} : vector<16xi32>
      %add3A_445 = arith.constant 16 : i32
      %add3A_446 = vector.broadcast %add3A_445 : i32 to vector<16xi32>
      %add3A_447 = arith.addi %iota3A_444, %add3A_446 : vector<16xi32>
      %gather3A_448 = tpu.vector_load_idx %arg11[%add3A_434, %add3A_447, %add3A_429] : memref<8x64x128xf32, #tpu.memory_space<vmem>>[vector<16xi32>, vector<16xi32>, vector<16xi32>], vector<16xf32>,
      tpu.vector_store_idx %arg13[%add3A_447, %add3A_438], %gather3A_448 : memref<64x128xf32, #tpu.memory_space<vmem>>[vector<16xi32>, vector<16xi32>], vector<16xf32>,
      %iota3A_449 = tpu.iota {dimensions = array<i32: 0>} : vector<16xi32>
      %add3A_450 = arith.constant 32 : i32
      %add3A_451 = vector.broadcast %add3A_450 : i32 to vector<16xi32>
      %add3A_452 = arith.addi %iota3A_449, %add3A_451 : vector<16xi32>
      %gather3A_453 = tpu.vector_load_idx %arg11[%add3A_434, %add3A_452, %add3A_429] : memref<8x64x128xf32, #tpu.memory_space<vmem>>[vector<16xi32>, vector<16xi32>, vector<16xi32>], vector<16xf32>,
      tpu.vector_store_idx %arg13[%add3A_452, %add3A_438], %gather3A_453 : memref<64x128xf32, #tpu.memory_space<vmem>>[vector<16xi32>, vector<16xi32>], vector<16xf32>,
      %iota3A_454 = tpu.iota {dimensions = array<i32: 0>} : vector<16xi32>
      %add3A_455 = arith.constant 48 : i32
      %add3A_456 = vector.broadcast %add3A_455 : i32 to vector<16xi32>
      %add3A_457 = arith.addi %iota3A_454, %add3A_456 : vector<16xi32>
      %gather3A_458 = tpu.vector_load_idx %arg11[%add3A_434, %add3A_457, %add3A_429] : memref<8x64x128xf32, #tpu.memory_space<vmem>>[vector<16xi32>, vector<16xi32>, vector<16xi32>], vector<16xf32>,
      tpu.vector_store_idx %arg13[%add3A_457, %add3A_438], %gather3A_458 : memref<64x128xf32, #tpu.memory_space<vmem>>[vector<16xi32>, vector<16xi32>], vector<16xf32>,
      %add3A_459 = arith.constant 4 : i32
      %add3A_460 = arith.addi %add3A_354, %add3A_459 : i32
      %lt3A = arith.constant 128 : i32
      %lt3A_461 = arith.cmpi slt, %add3A_460, %lt3A : i32
      %convert_element_type3A_462 = arith.extui %lt3A_461 : i1 to i32
      %cond3A_463 = arith.constant 0 : i32
      %cond3A_464 = arith.cmpi ne, %convert_element_type3A_462, %cond3A_463 : i32
      scf.if %cond3A_464 {
        %add3A_822 = arith.constant 4 : i32
        %add3A_823 = arith.addi %add3A_354, %add3A_822 : i32
        %get3A_824 = arith.index_cast %add3A_823 : i32 to index
        %get3A_825 = tpu.vector_load %arg15[%get3A_824] {strides = array<i32>} : memref<144xi32, #tpu.memory_space<vmem>>, vector<16xi32>,
        %slice3A_826 = vector.extract_strided_slice %get3A_825 {offsets = [0], sizes = [1], strides = [1]} : vector<16xi32> to vector<1xi32>
        %squeeze3A_827 = vector.extract %slice3A_826[0] : i32 from vector<1xi32>
        %jit3A_828 = arith.constant 128 : i32
        %div3A_829 = arith.divsi %squeeze3A_827, %jit3A_828 : i32
        %sign3A_830 = arith.constant 0 : i32
        %sign3A_831 = arith.cmpi sgt, %squeeze3A_827, %sign3A_830 : i32
        %sign3A_832 = arith.extui %sign3A_831 : i1 to i32
        %sign3A_833 = arith.constant 0 : i32
        %sign3A_834 = arith.cmpi slt, %squeeze3A_827, %sign3A_833 : i32
        %sign3A_835 = arith.extui %sign3A_834 : i1 to i32
        %sign3A_836 = arith.subi %sign3A_832, %sign3A_835 : i32
        %sign3A_837 = arith.constant 0 : i32
        %sign3A_838 = arith.cmpi sgt, %jit3A_828, %sign3A_837 : i32
        %sign3A_839 = arith.extui %sign3A_838 : i1 to i32
        %sign3A_840 = arith.constant 0 : i32
        %sign3A_841 = arith.cmpi slt, %jit3A_828, %sign3A_840 : i32
        %sign3A_842 = arith.extui %sign3A_841 : i1 to i32
        %sign3A_843 = arith.subi %sign3A_839, %sign3A_842 : i32
        %ne3A_844 = arith.cmpi ne, %sign3A_836, %sign3A_843 : i32
        %rem3A_845 = arith.remsi %squeeze3A_827, %jit3A_828 : i32
        %ne3A_846 = arith.constant 0 : i32
        %ne3A_847 = arith.cmpi ne, %rem3A_845, %ne3A_846 : i32
        %and3A_848 = arith.andi %ne3A_844, %ne3A_847 : i1
        %sub3A_849 = arith.constant 1 : i32
        %sub3A_850 = arith.subi %div3A_829, %sub3A_849 : i32
        %select_n3A_851 = arith.select %and3A_848, %sub3A_850, %div3A_829 : i32
        %mul3A_852 = arith.constant 128 : i32
        %mul3A_853 = arith.muli %select_n3A_851, %mul3A_852 : i32
        %multiple_of3A_854 = tpu.assume_multiple %mul3A_853, 128 : i32
        %dma_start3A_855 = arith.constant 0 : i32
        %dma_start3A_856 = arith.constant 0 : i32
        %dma_start3A_857 = arith.constant 0 : i32
        %dma_start3A_858 = tpu.memref_slice %arg11[%dma_start3A_855, %dma_start3A_856, %dma_start3A_857] : memref<8x64x128xf32, #tpu.memory_space<vmem>> -> memref<1x64x128xf32, #tpu.memory_space<vmem>>
        %dma_start3A_859 = tpu.memref_squeeze %dma_start3A_858 : memref<1x64x128xf32, #tpu.memory_space<vmem>> -> memref<64x128xf32, #tpu.memory_space<vmem>>
        %dma_start3A_860 = arith.constant 0 : i32
        %dma_start3A_861 = tpu.memref_slice %arg3[%dma_start3A_860, %multiple_of3A_854] : memref<64x1000000xf32, #tpu.memory_space<hbm>> -> memref<64x128xf32, #tpu.memory_space<hbm>>
        %dma_start3A_862 = arith.constant 0 : i32
        %dma_start3A_863 = arith.constant 0 : i32
        %dma_start3A_864 = tpu.memref_slice %arg11[%dma_start3A_855, %dma_start3A_862, %dma_start3A_863] : memref<8x64x128xf32, #tpu.memory_space<vmem>> -> memref<1x64x128xf32, #tpu.memory_space<vmem>>
        %dma_start3A_865 = tpu.memref_squeeze %dma_start3A_864 : memref<1x64x128xf32, #tpu.memory_space<vmem>> -> memref<64x128xf32, #tpu.memory_space<vmem>>
        %dma_start3A_866 = arith.constant 0 : i32
        %dma_start3A_867 = tpu.memref_slice %arg3[%dma_start3A_866, %multiple_of3A_854] : memref<64x1000000xf32, #tpu.memory_space<hbm>> -> memref<64x128xf32, #tpu.memory_space<hbm>>
        tpu.enqueue_dma source(%dma_start3A_867 : memref<64x128xf32, #tpu.memory_space<hbm>>) target(%dma_start3A_865 : memref<64x128xf32, #tpu.memory_space<vmem>>) target_semaphore(%arg18 : memref<!tpu.dma_semaphore, #tpu.memory_space<semaphore_mem>>)
        %get3A_868 = arith.index_cast %add3A_823 : i32 to index
        %get3A_869 = tpu.vector_load %arg16[%get3A_868] {strides = array<i32>} : memref<144xi32, #tpu.memory_space<vmem>>, vector<16xi32>,
        %slice3A_870 = vector.extract_strided_slice %get3A_869 {offsets = [0], sizes = [1], strides = [1]} : vector<16xi32> to vector<1xi32>
        %squeeze3A_871 = vector.extract %slice3A_870[0] : i32 from vector<1xi32>
        %jit3A_872 = arith.constant 128 : i32
        %div3A_873 = arith.divsi %squeeze3A_871, %jit3A_872 : i32
        %sign3A_874 = arith.constant 0 : i32
        %sign3A_875 = arith.cmpi sgt, %squeeze3A_871, %sign3A_874 : i32
        %sign3A_876 = arith.extui %sign3A_875 : i1 to i32
        %sign3A_877 = arith.constant 0 : i32
        %sign3A_878 = arith.cmpi slt, %squeeze3A_871, %sign3A_877 : i32
        %sign3A_879 = arith.extui %sign3A_878 : i1 to i32
        %sign3A_880 = arith.subi %sign3A_876, %sign3A_879 : i32
        %sign3A_881 = arith.constant 0 : i32
        %sign3A_882 = arith.cmpi sgt, %jit3A_872, %sign3A_881 : i32
        %sign3A_883 = arith.extui %sign3A_882 : i1 to i32
        %sign3A_884 = arith.constant 0 : i32
        %sign3A_885 = arith.cmpi slt, %jit3A_872, %sign3A_884 : i32
        %sign3A_886 = arith.extui %sign3A_885 : i1 to i32
        %sign3A_887 = arith.subi %sign3A_883, %sign3A_886 : i32
        %ne3A_888 = arith.cmpi ne, %sign3A_880, %sign3A_887 : i32
        %rem3A_889 = arith.remsi %squeeze3A_871, %jit3A_872 : i32
        %ne3A_890 = arith.constant 0 : i32
        %ne3A_891 = arith.cmpi ne, %rem3A_889, %ne3A_890 : i32
        %and3A_892 = arith.andi %ne3A_888, %ne3A_891 : i1
        %sub3A_893 = arith.constant 1 : i32
        %sub3A_894 = arith.subi %div3A_873, %sub3A_893 : i32
        %select_n3A_895 = arith.select %and3A_892, %sub3A_894, %div3A_873 : i32
        %mul3A_896 = arith.constant 128 : i32
        %mul3A_897 = arith.muli %select_n3A_895, %mul3A_896 : i32
        %multiple_of3A_898 = tpu.assume_multiple %mul3A_897, 128 : i32
        %dma_start3A_899 = arith.constant 4 : i32
        %dma_start3A_900 = arith.constant 0 : i32
        %dma_start3A_901 = arith.constant 0 : i32
        %dma_start3A_902 = tpu.memref_slice %arg11[%dma_start3A_899, %dma_start3A_900, %dma_start3A_901] : memref<8x64x128xf32, #tpu.memory_space<vmem>> -> memref<1x64x128xf32, #tpu.memory_space<vmem>>
        %dma_start3A_903 = tpu.memref_squeeze %dma_start3A_902 : memref<1x64x128xf32, #tpu.memory_space<vmem>> -> memref<64x128xf32, #tpu.memory_space<vmem>>
        %dma_start3A_904 = arith.constant 0 : i32
        %dma_start3A_905 = tpu.memref_slice %arg2[%dma_start3A_904, %multiple_of3A_898] : memref<64x1000000xf32, #tpu.memory_space<hbm>> -> memref<64x128xf32, #tpu.memory_space<hbm>>
        %dma_start3A_906 = arith.constant 0 : i32
        %dma_start3A_907 = arith.constant 0 : i32
        %dma_start3A_908 = tpu.memref_slice %arg11[%dma_start3A_899, %dma_start3A_906, %dma_start3A_907] : memref<8x64x128xf32, #tpu.memory_space<vmem>> -> memref<1x64x128xf32, #tpu.memory_space<vmem>>
        %dma_start3A_909 = tpu.memref_squeeze %dma_start3A_908 : memref<1x64x128xf32, #tpu.memory_space<vmem>> -> memref<64x128xf32, #tpu.memory_space<vmem>>
        %dma_start3A_910 = arith.constant 0 : i32
        %dma_start3A_911 = tpu.memref_slice %arg2[%dma_start3A_910, %multiple_of3A_898] : memref<64x1000000xf32, #tpu.memory_space<hbm>> -> memref<64x128xf32, #tpu.memory_space<hbm>>
        tpu.enqueue_dma source(%dma_start3A_911 : memref<64x128xf32, #tpu.memory_space<hbm>>) target(%dma_start3A_909 : memref<64x128xf32, #tpu.memory_space<vmem>>) target_semaphore(%arg19 : memref<!tpu.dma_semaphore, #tpu.memory_space<semaphore_mem>>)
      } else {
      }
      %mul3A_465 = arith.constant 4 : i32
      %mul3A_466 = arith.muli %scan3A_350, %mul3A_465 : i32
      %add3A_467 = arith.constant 1 : i32
      %add3A_468 = arith.addi %mul3A_466, %add3A_467 : i32
      %dma_wait3A_469 = arith.constant 1 : i32
      %dma_wait3A_470 = arith.constant 0 : i32
      %dma_wait3A_471 = arith.constant 0 : i32
      %dma_wait3A_472 = tpu.memref_slice %arg11[%dma_wait3A_469, %dma_wait3A_470, %dma_wait3A_471] : memref<8x64x128xf32, #tpu.memory_space<vmem>> -> memref<1x64x128xf32, #tpu.memory_space<vmem>>
      %dma_wait3A_473 = tpu.memref_squeeze %dma_wait3A_472 : memref<1x64x128xf32, #tpu.memory_space<vmem>> -> memref<64x128xf32, #tpu.memory_space<vmem>>
      %dma_wait3A_474 = arith.constant 0 : i32
      %dma_wait3A_475 = arith.constant 0 : i32
      %dma_wait3A_476 = tpu.memref_slice %arg3[%dma_wait3A_474, %dma_wait3A_475] : memref<64x1000000xf32, #tpu.memory_space<hbm>> -> memref<64x128xf32, #tpu.memory_space<hbm>>
      %dma_wait3A_477 = arith.constant 0 : i32
      %dma_wait3A_478 = arith.constant 0 : i32
      %dma_wait3A_479 = tpu.memref_slice %arg11[%dma_wait3A_469, %dma_wait3A_477, %dma_wait3A_478] : memref<8x64x128xf32, #tpu.memory_space<vmem>> -> memref<1x64x128xf32, #tpu.memory_space<vmem>>
      %dma_wait3A_480 = tpu.memref_squeeze %dma_wait3A_479 : memref<1x64x128xf32, #tpu.memory_space<vmem>> -> memref<64x128xf32, #tpu.memory_space<vmem>>
      %dma_wait3A_481 = arith.constant 0 : i32
      %dma_wait3A_482 = arith.constant 0 : i32
      %dma_wait3A_483 = tpu.memref_slice %arg3[%dma_wait3A_481, %dma_wait3A_482] : memref<64x1000000xf32, #tpu.memory_space<hbm>> -> memref<64x128xf32, #tpu.memory_space<hbm>>
      tpu.wait_dma2 semaphore(%arg18 : memref<!tpu.dma_semaphore, #tpu.memory_space<semaphore_mem>>) src(%dma_wait3A_483 : memref<64x128xf32, #tpu.memory_space<hbm>>) dst(%dma_wait3A_480 : memref<64x128xf32, #tpu.memory_space<vmem>>)
      %get3A_484 = arith.index_cast %add3A_468 : i32 to index
      %get3A_485 = tpu.vector_load %arg15[%get3A_484] {strides = array<i32>} : memref<144xi32, #tpu.memory_space<vmem>>, vector<16xi32>,
      %slice3A_486 = vector.extract_strided_slice %get3A_485 {offsets = [0], sizes = [1], strides = [1]} : vector<16xi32> to vector<1xi32>
      %squeeze3A_487 = vector.extract %slice3A_486[0] : i32 from vector<1xi32>
      %rem3A_488 = arith.constant 128 : i32
      %rem3A_489 = arith.remsi %squeeze3A_487, %rem3A_488 : i32
      %broadcast_in_dim3A_490 = arith.constant 0 : i32
      %broadcast_in_dim3A_491 = vector.broadcast %broadcast_in_dim3A_490 : i32 to vector<16xi32>
      %add3A_492 = vector.broadcast %rem3A_489 : i32 to vector<16xi32>
      %add3A_493 = arith.addi %broadcast_in_dim3A_491, %add3A_492 : vector<16xi32>
      %broadcast_in_dim3A_494 = arith.constant 0 : i32
      %broadcast_in_dim3A_495 = vector.broadcast %broadcast_in_dim3A_494 : i32 to vector<16xi32>
      %add3A_496 = arith.constant 1 : i32
      %add3A_497 = vector.broadcast %add3A_496 : i32 to vector<16xi32>
      %add3A_498 = arith.addi %broadcast_in_dim3A_495, %add3A_497 : vector<16xi32>
      %broadcast_in_dim3A_499 = arith.constant 0 : i32
      %broadcast_in_dim3A_500 = vector.broadcast %broadcast_in_dim3A_499 : i32 to vector<16xi32>
      %add3A_501 = vector.broadcast %add3A_468 : i32 to vector<16xi32>
      %add3A_502 = arith.addi %broadcast_in_dim3A_500, %add3A_501 : vector<16xi32>
      %iota3A_503 = tpu.iota {dimensions = array<i32: 0>} : vector<16xi32>
      %add3A_504 = arith.constant 0 : i32
      %add3A_505 = vector.broadcast %add3A_504 : i32 to vector<16xi32>
      %add3A_506 = arith.addi %iota3A_503, %add3A_505 : vector<16xi32>
      %gather3A_507 = tpu.vector_load_idx %arg11[%add3A_498, %add3A_506, %add3A_493] : memref<8x64x128xf32, #tpu.memory_space<vmem>>[vector<16xi32>, vector<16xi32>, vector<16xi32>], vector<16xf32>,
      tpu.vector_store_idx %arg12[%add3A_506, %add3A_502], %gather3A_507 : memref<64x128xf32, #tpu.memory_space<vmem>>[vector<16xi32>, vector<16xi32>], vector<16xf32>,
      %iota3A_508 = tpu.iota {dimensions = array<i32: 0>} : vector<16xi32>
      %add3A_509 = arith.constant 16 : i32
      %add3A_510 = vector.broadcast %add3A_509 : i32 to vector<16xi32>
      %add3A_511 = arith.addi %iota3A_508, %add3A_510 : vector<16xi32>
      %gather3A_512 = tpu.vector_load_idx %arg11[%add3A_498, %add3A_511, %add3A_493] : memref<8x64x128xf32, #tpu.memory_space<vmem>>[vector<16xi32>, vector<16xi32>, vector<16xi32>], vector<16xf32>,
      tpu.vector_store_idx %arg12[%add3A_511, %add3A_502], %gather3A_512 : memref<64x128xf32, #tpu.memory_space<vmem>>[vector<16xi32>, vector<16xi32>], vector<16xf32>,
      %iota3A_513 = tpu.iota {dimensions = array<i32: 0>} : vector<16xi32>
      %add3A_514 = arith.constant 32 : i32
      %add3A_515 = vector.broadcast %add3A_514 : i32 to vector<16xi32>
      %add3A_516 = arith.addi %iota3A_513, %add3A_515 : vector<16xi32>
      %gather3A_517 = tpu.vector_load_idx %arg11[%add3A_498, %add3A_516, %add3A_493] : memref<8x64x128xf32, #tpu.memory_space<vmem>>[vector<16xi32>, vector<16xi32>, vector<16xi32>], vector<16xf32>,
      tpu.vector_store_idx %arg12[%add3A_516, %add3A_502], %gather3A_517 : memref<64x128xf32, #tpu.memory_space<vmem>>[vector<16xi32>, vector<16xi32>], vector<16xf32>,
      %iota3A_518 = tpu.iota {dimensions = array<i32: 0>} : vector<16xi32>
      %add3A_519 = arith.constant 48 : i32
      %add3A_520 = vector.broadcast %add3A_519 : i32 to vector<16xi32>
      %add3A_521 = arith.addi %iota3A_518, %add3A_520 : vector<16xi32>
      %gather3A_522 = tpu.vector_load_idx %arg11[%add3A_498, %add3A_521, %add3A_493] : memref<8x64x128xf32, #tpu.memory_space<vmem>>[vector<16xi32>, vector<16xi32>, vector<16xi32>], vector<16xf32>,
      tpu.vector_store_idx %arg12[%add3A_521, %add3A_502], %gather3A_522 : memref<64x128xf32, #tpu.memory_space<vmem>>[vector<16xi32>, vector<16xi32>], vector<16xf32>,
      %dma_wait3A_523 = arith.constant 5 : i32
      %dma_wait3A_524 = arith.constant 0 : i32
      %dma_wait3A_525 = arith.constant 0 : i32
      %dma_wait3A_526 = tpu.memref_slice %arg11[%dma_wait3A_523, %dma_wait3A_524, %dma_wait3A_525] : memref<8x64x128xf32, #tpu.memory_space<vmem>> -> memref<1x64x128xf32, #tpu.memory_space<vmem>>
      %dma_wait3A_527 = tpu.memref_squeeze %dma_wait3A_526 : memref<1x64x128xf32, #tpu.memory_space<vmem>> -> memref<64x128xf32, #tpu.memory_space<vmem>>
      %dma_wait3A_528 = arith.constant 0 : i32
      %dma_wait3A_529 = arith.constant 0 : i32
      %dma_wait3A_530 = tpu.memref_slice %arg2[%dma_wait3A_528, %dma_wait3A_529] : memref<64x1000000xf32, #tpu.memory_space<hbm>> -> memref<64x128xf32, #tpu.memory_space<hbm>>
      %dma_wait3A_531 = arith.constant 0 : i32
      %dma_wait3A_532 = arith.constant 0 : i32
      %dma_wait3A_533 = tpu.memref_slice %arg11[%dma_wait3A_523, %dma_wait3A_531, %dma_wait3A_532] : memref<8x64x128xf32, #tpu.memory_space<vmem>> -> memref<1x64x128xf32, #tpu.memory_space<vmem>>
      %dma_wait3A_534 = tpu.memref_squeeze %dma_wait3A_533 : memref<1x64x128xf32, #tpu.memory_space<vmem>> -> memref<64x128xf32, #tpu.memory_space<vmem>>
      %dma_wait3A_535 = arith.constant 0 : i32
      %dma_wait3A_536 = arith.constant 0 : i32
      %dma_wait3A_537 = tpu.memref_slice %arg2[%dma_wait3A_535, %dma_wait3A_536] : memref<64x1000000xf32, #tpu.memory_space<hbm>> -> memref<64x128xf32, #tpu.memory_space<hbm>>
      tpu.wait_dma2 semaphore(%arg19 : memref<!tpu.dma_semaphore, #tpu.memory_space<semaphore_mem>>) src(%dma_wait3A_537 : memref<64x128xf32, #tpu.memory_space<hbm>>) dst(%dma_wait3A_534 : memref<64x128xf32, #tpu.memory_space<vmem>>)
      %get3A_538 = arith.index_cast %add3A_468 : i32 to index
      %get3A_539 = tpu.vector_load %arg16[%get3A_538] {strides = array<i32>} : memref<144xi32, #tpu.memory_space<vmem>>, vector<16xi32>,
      %slice3A_540 = vector.extract_strided_slice %get3A_539 {offsets = [0], sizes = [1], strides = [1]} : vector<16xi32> to vector<1xi32>
      %squeeze3A_541 = vector.extract %slice3A_540[0] : i32 from vector<1xi32>
      %rem3A_542 = arith.constant 128 : i32
      %rem3A_543 = arith.remsi %squeeze3A_541, %rem3A_542 : i32
      %broadcast_in_dim3A_544 = arith.constant 0 : i32
      %broadcast_in_dim3A_545 = vector.broadcast %broadcast_in_dim3A_544 : i32 to vector<16xi32>
      %add3A_546 = vector.broadcast %rem3A_543 : i32 to vector<16xi32>
      %add3A_547 = arith.addi %broadcast_in_dim3A_545, %add3A_546 : vector<16xi32>
      %broadcast_in_dim3A_548 = arith.constant 0 : i32
      %broadcast_in_dim3A_549 = vector.broadcast %broadcast_in_dim3A_548 : i32 to vector<16xi32>
      %add3A_550 = arith.constant 5 : i32
      %add3A_551 = vector.broadcast %add3A_550 : i32 to vector<16xi32>
      %add3A_552 = arith.addi %broadcast_in_dim3A_549, %add3A_551 : vector<16xi32>
      %broadcast_in_dim3A_553 = arith.constant 0 : i32
      %broadcast_in_dim3A_554 = vector.broadcast %broadcast_in_dim3A_553 : i32 to vector<16xi32>
      %add3A_555 = vector.broadcast %add3A_468 : i32 to vector<16xi32>
      %add3A_556 = arith.addi %broadcast_in_dim3A_554, %add3A_555 : vector<16xi32>
      %iota3A_557 = tpu.iota {dimensions = array<i32: 0>} : vector<16xi32>
      %add3A_558 = arith.constant 0 : i32
      %add3A_559 = vector.broadcast %add3A_558 : i32 to vector<16xi32>
      %add3A_560 = arith.addi %iota3A_557, %add3A_559 : vector<16xi32>
      %gather3A_561 = tpu.vector_load_idx %arg11[%add3A_552, %add3A_560, %add3A_547] : memref<8x64x128xf32, #tpu.memory_space<vmem>>[vector<16xi32>, vector<16xi32>, vector<16xi32>], vector<16xf32>,
      tpu.vector_store_idx %arg13[%add3A_560, %add3A_556], %gather3A_561 : memref<64x128xf32, #tpu.memory_space<vmem>>[vector<16xi32>, vector<16xi32>], vector<16xf32>,
      %iota3A_562 = tpu.iota {dimensions = array<i32: 0>} : vector<16xi32>
      %add3A_563 = arith.constant 16 : i32
      %add3A_564 = vector.broadcast %add3A_563 : i32 to vector<16xi32>
      %add3A_565 = arith.addi %iota3A_562, %add3A_564 : vector<16xi32>
      %gather3A_566 = tpu.vector_load_idx %arg11[%add3A_552, %add3A_565, %add3A_547] : memref<8x64x128xf32, #tpu.memory_space<vmem>>[vector<16xi32>, vector<16xi32>, vector<16xi32>], vector<16xf32>,
      tpu.vector_store_idx %arg13[%add3A_565, %add3A_556], %gather3A_566 : memref<64x128xf32, #tpu.memory_space<vmem>>[vector<16xi32>, vector<16xi32>], vector<16xf32>,
      %iota3A_567 = tpu.iota {dimensions = array<i32: 0>} : vector<16xi32>
      %add3A_568 = arith.constant 32 : i32
      %add3A_569 = vector.broadcast %add3A_568 : i32 to vector<16xi32>
      %add3A_570 = arith.addi %iota3A_567, %add3A_569 : vector<16xi32>
      %gather3A_571 = tpu.vector_load_idx %arg11[%add3A_552, %add3A_570, %add3A_547] : memref<8x64x128xf32, #tpu.memory_space<vmem>>[vector<16xi32>, vector<16xi32>, vector<16xi32>], vector<16xf32>,
      tpu.vector_store_idx %arg13[%add3A_570, %add3A_556], %gather3A_571 : memref<64x128xf32, #tpu.memory_space<vmem>>[vector<16xi32>, vector<16xi32>], vector<16xf32>,
      %iota3A_572 = tpu.iota {dimensions = array<i32: 0>} : vector<16xi32>
      %add3A_573 = arith.constant 48 : i32
      %add3A_574 = vector.broadcast %add3A_573 : i32 to vector<16xi32>
      %add3A_575 = arith.addi %iota3A_572, %add3A_574 : vector<16xi32>
      %gather3A_576 = tpu.vector_load_idx %arg11[%add3A_552, %add3A_575, %add3A_547] : memref<8x64x128xf32, #tpu.memory_space<vmem>>[vector<16xi32>, vector<16xi32>, vector<16xi32>], vector<16xf32>,
      tpu.vector_store_idx %arg13[%add3A_575, %add3A_556], %gather3A_576 : memref<64x128xf32, #tpu.memory_space<vmem>>[vector<16xi32>, vector<16xi32>], vector<16xf32>,
      %add3A_577 = arith.constant 4 : i32
      %add3A_578 = arith.addi %add3A_468, %add3A_577 : i32
      %lt3A_579 = arith.constant 128 : i32
      %lt3A_580 = arith.cmpi slt, %add3A_578, %lt3A_579 : i32
      %convert_element_type3A_581 = arith.extui %lt3A_580 : i1 to i32
      %cond3A_582 = arith.constant 0 : i32
      %cond3A_583 = arith.cmpi ne, %convert_element_type3A_581, %cond3A_582 : i32
      scf.if %cond3A_583 {
        %add3A_822 = arith.constant 4 : i32
        %add3A_823 = arith.addi %add3A_468, %add3A_822 : i32
        %get3A_824 = arith.index_cast %add3A_823 : i32 to index
        %get3A_825 = tpu.vector_load %arg15[%get3A_824] {strides = array<i32>} : memref<144xi32, #tpu.memory_space<vmem>>, vector<16xi32>,
        %slice3A_826 = vector.extract_strided_slice %get3A_825 {offsets = [0], sizes = [1], strides = [1]} : vector<16xi32> to vector<1xi32>
        %squeeze3A_827 = vector.extract %slice3A_826[0] : i32 from vector<1xi32>
        %jit3A_828 = arith.constant 128 : i32
        %div3A_829 = arith.divsi %squeeze3A_827, %jit3A_828 : i32
        %sign3A_830 = arith.constant 0 : i32
        %sign3A_831 = arith.cmpi sgt, %squeeze3A_827, %sign3A_830 : i32
        %sign3A_832 = arith.extui %sign3A_831 : i1 to i32
        %sign3A_833 = arith.constant 0 : i32
        %sign3A_834 = arith.cmpi slt, %squeeze3A_827, %sign3A_833 : i32
        %sign3A_835 = arith.extui %sign3A_834 : i1 to i32
        %sign3A_836 = arith.subi %sign3A_832, %sign3A_835 : i32
        %sign3A_837 = arith.constant 0 : i32
        %sign3A_838 = arith.cmpi sgt, %jit3A_828, %sign3A_837 : i32
        %sign3A_839 = arith.extui %sign3A_838 : i1 to i32
        %sign3A_840 = arith.constant 0 : i32
        %sign3A_841 = arith.cmpi slt, %jit3A_828, %sign3A_840 : i32
        %sign3A_842 = arith.extui %sign3A_841 : i1 to i32
        %sign3A_843 = arith.subi %sign3A_839, %sign3A_842 : i32
        %ne3A_844 = arith.cmpi ne, %sign3A_836, %sign3A_843 : i32
        %rem3A_845 = arith.remsi %squeeze3A_827, %jit3A_828 : i32
        %ne3A_846 = arith.constant 0 : i32
        %ne3A_847 = arith.cmpi ne, %rem3A_845, %ne3A_846 : i32
        %and3A_848 = arith.andi %ne3A_844, %ne3A_847 : i1
        %sub3A_849 = arith.constant 1 : i32
        %sub3A_850 = arith.subi %div3A_829, %sub3A_849 : i32
        %select_n3A_851 = arith.select %and3A_848, %sub3A_850, %div3A_829 : i32
        %mul3A_852 = arith.constant 128 : i32
        %mul3A_853 = arith.muli %select_n3A_851, %mul3A_852 : i32
        %multiple_of3A_854 = tpu.assume_multiple %mul3A_853, 128 : i32
        %dma_start3A_855 = arith.constant 1 : i32
        %dma_start3A_856 = arith.constant 0 : i32
        %dma_start3A_857 = arith.constant 0 : i32
        %dma_start3A_858 = tpu.memref_slice %arg11[%dma_start3A_855, %dma_start3A_856, %dma_start3A_857] : memref<8x64x128xf32, #tpu.memory_space<vmem>> -> memref<1x64x128xf32, #tpu.memory_space<vmem>>
        %dma_start3A_859 = tpu.memref_squeeze %dma_start3A_858 : memref<1x64x128xf32, #tpu.memory_space<vmem>> -> memref<64x128xf32, #tpu.memory_space<vmem>>
        %dma_start3A_860 = arith.constant 0 : i32
        %dma_start3A_861 = tpu.memref_slice %arg3[%dma_start3A_860, %multiple_of3A_854] : memref<64x1000000xf32, #tpu.memory_space<hbm>> -> memref<64x128xf32, #tpu.memory_space<hbm>>
        %dma_start3A_862 = arith.constant 0 : i32
        %dma_start3A_863 = arith.constant 0 : i32
        %dma_start3A_864 = tpu.memref_slice %arg11[%dma_start3A_855, %dma_start3A_862, %dma_start3A_863] : memref<8x64x128xf32, #tpu.memory_space<vmem>> -> memref<1x64x128xf32, #tpu.memory_space<vmem>>
        %dma_start3A_865 = tpu.memref_squeeze %dma_start3A_864 : memref<1x64x128xf32, #tpu.memory_space<vmem>> -> memref<64x128xf32, #tpu.memory_space<vmem>>
        %dma_start3A_866 = arith.constant 0 : i32
        %dma_start3A_867 = tpu.memref_slice %arg3[%dma_start3A_866, %multiple_of3A_854] : memref<64x1000000xf32, #tpu.memory_space<hbm>> -> memref<64x128xf32, #tpu.memory_space<hbm>>
        tpu.enqueue_dma source(%dma_start3A_867 : memref<64x128xf32, #tpu.memory_space<hbm>>) target(%dma_start3A_865 : memref<64x128xf32, #tpu.memory_space<vmem>>) target_semaphore(%arg18 : memref<!tpu.dma_semaphore, #tpu.memory_space<semaphore_mem>>)
        %get3A_868 = arith.index_cast %add3A_823 : i32 to index
        %get3A_869 = tpu.vector_load %arg16[%get3A_868] {strides = array<i32>} : memref<144xi32, #tpu.memory_space<vmem>>, vector<16xi32>,
        %slice3A_870 = vector.extract_strided_slice %get3A_869 {offsets = [0], sizes = [1], strides = [1]} : vector<16xi32> to vector<1xi32>
        %squeeze3A_871 = vector.extract %slice3A_870[0] : i32 from vector<1xi32>
        %jit3A_872 = arith.constant 128 : i32
        %div3A_873 = arith.divsi %squeeze3A_871, %jit3A_872 : i32
        %sign3A_874 = arith.constant 0 : i32
        %sign3A_875 = arith.cmpi sgt, %squeeze3A_871, %sign3A_874 : i32
        %sign3A_876 = arith.extui %sign3A_875 : i1 to i32
        %sign3A_877 = arith.constant 0 : i32
        %sign3A_878 = arith.cmpi slt, %squeeze3A_871, %sign3A_877 : i32
        %sign3A_879 = arith.extui %sign3A_878 : i1 to i32
        %sign3A_880 = arith.subi %sign3A_876, %sign3A_879 : i32
        %sign3A_881 = arith.constant 0 : i32
        %sign3A_882 = arith.cmpi sgt, %jit3A_872, %sign3A_881 : i32
        %sign3A_883 = arith.extui %sign3A_882 : i1 to i32
        %sign3A_884 = arith.constant 0 : i32
        %sign3A_885 = arith.cmpi slt, %jit3A_872, %sign3A_884 : i32
        %sign3A_886 = arith.extui %sign3A_885 : i1 to i32
        %sign3A_887 = arith.subi %sign3A_883, %sign3A_886 : i32
        %ne3A_888 = arith.cmpi ne, %sign3A_880, %sign3A_887 : i32
        %rem3A_889 = arith.remsi %squeeze3A_871, %jit3A_872 : i32
        %ne3A_890 = arith.constant 0 : i32
        %ne3A_891 = arith.cmpi ne, %rem3A_889, %ne3A_890 : i32
        %and3A_892 = arith.andi %ne3A_888, %ne3A_891 : i1
        %sub3A_893 = arith.constant 1 : i32
        %sub3A_894 = arith.subi %div3A_873, %sub3A_893 : i32
        %select_n3A_895 = arith.select %and3A_892, %sub3A_894, %div3A_873 : i32
        %mul3A_896 = arith.constant 128 : i32
        %mul3A_897 = arith.muli %select_n3A_895, %mul3A_896 : i32
        %multiple_of3A_898 = tpu.assume_multiple %mul3A_897, 128 : i32
        %dma_start3A_899 = arith.constant 5 : i32
        %dma_start3A_900 = arith.constant 0 : i32
        %dma_start3A_901 = arith.constant 0 : i32
        %dma_start3A_902 = tpu.memref_slice %arg11[%dma_start3A_899, %dma_start3A_900, %dma_start3A_901] : memref<8x64x128xf32, #tpu.memory_space<vmem>> -> memref<1x64x128xf32, #tpu.memory_space<vmem>>
        %dma_start3A_903 = tpu.memref_squeeze %dma_start3A_902 : memref<1x64x128xf32, #tpu.memory_space<vmem>> -> memref<64x128xf32, #tpu.memory_space<vmem>>
        %dma_start3A_904 = arith.constant 0 : i32
        %dma_start3A_905 = tpu.memref_slice %arg2[%dma_start3A_904, %multiple_of3A_898] : memref<64x1000000xf32, #tpu.memory_space<hbm>> -> memref<64x128xf32, #tpu.memory_space<hbm>>
        %dma_start3A_906 = arith.constant 0 : i32
        %dma_start3A_907 = arith.constant 0 : i32
        %dma_start3A_908 = tpu.memref_slice %arg11[%dma_start3A_899, %dma_start3A_906, %dma_start3A_907] : memref<8x64x128xf32, #tpu.memory_space<vmem>> -> memref<1x64x128xf32, #tpu.memory_space<vmem>>
        %dma_start3A_909 = tpu.memref_squeeze %dma_start3A_908 : memref<1x64x128xf32, #tpu.memory_space<vmem>> -> memref<64x128xf32, #tpu.memory_space<vmem>>
        %dma_start3A_910 = arith.constant 0 : i32
        %dma_start3A_911 = tpu.memref_slice %arg2[%dma_start3A_910, %multiple_of3A_898] : memref<64x1000000xf32, #tpu.memory_space<hbm>> -> memref<64x128xf32, #tpu.memory_space<hbm>>
        tpu.enqueue_dma source(%dma_start3A_911 : memref<64x128xf32, #tpu.memory_space<hbm>>) target(%dma_start3A_909 : memref<64x128xf32, #tpu.memory_space<vmem>>) target_semaphore(%arg19 : memref<!tpu.dma_semaphore, #tpu.memory_space<semaphore_mem>>)
      } else {
      }
      %mul3A_584 = arith.constant 4 : i32
      %mul3A_585 = arith.muli %scan3A_350, %mul3A_584 : i32
      %add3A_586 = arith.constant 2 : i32
      %add3A_587 = arith.addi %mul3A_585, %add3A_586 : i32
      %dma_wait3A_588 = arith.constant 2 : i32
      %dma_wait3A_589 = arith.constant 0 : i32
      %dma_wait3A_590 = arith.constant 0 : i32
      %dma_wait3A_591 = tpu.memref_slice %arg11[%dma_wait3A_588, %dma_wait3A_589, %dma_wait3A_590] : memref<8x64x128xf32, #tpu.memory_space<vmem>> -> memref<1x64x128xf32, #tpu.memory_space<vmem>>
      %dma_wait3A_592 = tpu.memref_squeeze %dma_wait3A_591 : memref<1x64x128xf32, #tpu.memory_space<vmem>> -> memref<64x128xf32, #tpu.memory_space<vmem>>
      %dma_wait3A_593 = arith.constant 0 : i32
      %dma_wait3A_594 = arith.constant 0 : i32
      %dma_wait3A_595 = tpu.memref_slice %arg3[%dma_wait3A_593, %dma_wait3A_594] : memref<64x1000000xf32, #tpu.memory_space<hbm>> -> memref<64x128xf32, #tpu.memory_space<hbm>>
      %dma_wait3A_596 = arith.constant 0 : i32
      %dma_wait3A_597 = arith.constant 0 : i32
      %dma_wait3A_598 = tpu.memref_slice %arg11[%dma_wait3A_588, %dma_wait3A_596, %dma_wait3A_597] : memref<8x64x128xf32, #tpu.memory_space<vmem>> -> memref<1x64x128xf32, #tpu.memory_space<vmem>>
      %dma_wait3A_599 = tpu.memref_squeeze %dma_wait3A_598 : memref<1x64x128xf32, #tpu.memory_space<vmem>> -> memref<64x128xf32, #tpu.memory_space<vmem>>
      %dma_wait3A_600 = arith.constant 0 : i32
      %dma_wait3A_601 = arith.constant 0 : i32
      %dma_wait3A_602 = tpu.memref_slice %arg3[%dma_wait3A_600, %dma_wait3A_601] : memref<64x1000000xf32, #tpu.memory_space<hbm>> -> memref<64x128xf32, #tpu.memory_space<hbm>>
      tpu.wait_dma2 semaphore(%arg18 : memref<!tpu.dma_semaphore, #tpu.memory_space<semaphore_mem>>) src(%dma_wait3A_602 : memref<64x128xf32, #tpu.memory_space<hbm>>) dst(%dma_wait3A_599 : memref<64x128xf32, #tpu.memory_space<vmem>>)
      %get3A_603 = arith.index_cast %add3A_587 : i32 to index
      %get3A_604 = tpu.vector_load %arg15[%get3A_603] {strides = array<i32>} : memref<144xi32, #tpu.memory_space<vmem>>, vector<16xi32>,
      %slice3A_605 = vector.extract_strided_slice %get3A_604 {offsets = [0], sizes = [1], strides = [1]} : vector<16xi32> to vector<1xi32>
      %squeeze3A_606 = vector.extract %slice3A_605[0] : i32 from vector<1xi32>
      %rem3A_607 = arith.constant 128 : i32
      %rem3A_608 = arith.remsi %squeeze3A_606, %rem3A_607 : i32
      %broadcast_in_dim3A_609 = arith.constant 0 : i32
      %broadcast_in_dim3A_610 = vector.broadcast %broadcast_in_dim3A_609 : i32 to vector<16xi32>
      %add3A_611 = vector.broadcast %rem3A_608 : i32 to vector<16xi32>
      %add3A_612 = arith.addi %broadcast_in_dim3A_610, %add3A_611 : vector<16xi32>
      %broadcast_in_dim3A_613 = arith.constant 0 : i32
      %broadcast_in_dim3A_614 = vector.broadcast %broadcast_in_dim3A_613 : i32 to vector<16xi32>
      %add3A_615 = arith.constant 2 : i32
      %add3A_616 = vector.broadcast %add3A_615 : i32 to vector<16xi32>
      %add3A_617 = arith.addi %broadcast_in_dim3A_614, %add3A_616 : vector<16xi32>
      %broadcast_in_dim3A_618 = arith.constant 0 : i32
      %broadcast_in_dim3A_619 = vector.broadcast %broadcast_in_dim3A_618 : i32 to vector<16xi32>
      %add3A_620 = vector.broadcast %add3A_587 : i32 to vector<16xi32>
      %add3A_621 = arith.addi %broadcast_in_dim3A_619, %add3A_620 : vector<16xi32>
      %iota3A_622 = tpu.iota {dimensions = array<i32: 0>} : vector<16xi32>
      %add3A_623 = arith.constant 0 : i32
      %add3A_624 = vector.broadcast %add3A_623 : i32 to vector<16xi32>
      %add3A_625 = arith.addi %iota3A_622, %add3A_624 : vector<16xi32>
      %gather3A_626 = tpu.vector_load_idx %arg11[%add3A_617, %add3A_625, %add3A_612] : memref<8x64x128xf32, #tpu.memory_space<vmem>>[vector<16xi32>, vector<16xi32>, vector<16xi32>], vector<16xf32>,
      tpu.vector_store_idx %arg12[%add3A_625, %add3A_621], %gather3A_626 : memref<64x128xf32, #tpu.memory_space<vmem>>[vector<16xi32>, vector<16xi32>], vector<16xf32>,
      %iota3A_627 = tpu.iota {dimensions = array<i32: 0>} : vector<16xi32>
      %add3A_628 = arith.constant 16 : i32
      %add3A_629 = vector.broadcast %add3A_628 : i32 to vector<16xi32>
      %add3A_630 = arith.addi %iota3A_627, %add3A_629 : vector<16xi32>
      %gather3A_631 = tpu.vector_load_idx %arg11[%add3A_617, %add3A_630, %add3A_612] : memref<8x64x128xf32, #tpu.memory_space<vmem>>[vector<16xi32>, vector<16xi32>, vector<16xi32>], vector<16xf32>,
      tpu.vector_store_idx %arg12[%add3A_630, %add3A_621], %gather3A_631 : memref<64x128xf32, #tpu.memory_space<vmem>>[vector<16xi32>, vector<16xi32>], vector<16xf32>,
      %iota3A_632 = tpu.iota {dimensions = array<i32: 0>} : vector<16xi32>
      %add3A_633 = arith.constant 32 : i32
      %add3A_634 = vector.broadcast %add3A_633 : i32 to vector<16xi32>
      %add3A_635 = arith.addi %iota3A_632, %add3A_634 : vector<16xi32>
      %gather3A_636 = tpu.vector_load_idx %arg11[%add3A_617, %add3A_635, %add3A_612] : memref<8x64x128xf32, #tpu.memory_space<vmem>>[vector<16xi32>, vector<16xi32>, vector<16xi32>], vector<16xf32>,
      tpu.vector_store_idx %arg12[%add3A_635, %add3A_621], %gather3A_636 : memref<64x128xf32, #tpu.memory_space<vmem>>[vector<16xi32>, vector<16xi32>], vector<16xf32>,
      %iota3A_637 = tpu.iota {dimensions = array<i32: 0>} : vector<16xi32>
      %add3A_638 = arith.constant 48 : i32
      %add3A_639 = vector.broadcast %add3A_638 : i32 to vector<16xi32>
      %add3A_640 = arith.addi %iota3A_637, %add3A_639 : vector<16xi32>
      %gather3A_641 = tpu.vector_load_idx %arg11[%add3A_617, %add3A_640, %add3A_612] : memref<8x64x128xf32, #tpu.memory_space<vmem>>[vector<16xi32>, vector<16xi32>, vector<16xi32>], vector<16xf32>,
      tpu.vector_store_idx %arg12[%add3A_640, %add3A_621], %gather3A_641 : memref<64x128xf32, #tpu.memory_space<vmem>>[vector<16xi32>, vector<16xi32>], vector<16xf32>,
      %dma_wait3A_642 = arith.constant 6 : i32
      %dma_wait3A_643 = arith.constant 0 : i32
      %dma_wait3A_644 = arith.constant 0 : i32
      %dma_wait3A_645 = tpu.memref_slice %arg11[%dma_wait3A_642, %dma_wait3A_643, %dma_wait3A_644] : memref<8x64x128xf32, #tpu.memory_space<vmem>> -> memref<1x64x128xf32, #tpu.memory_space<vmem>>
      %dma_wait3A_646 = tpu.memref_squeeze %dma_wait3A_645 : memref<1x64x128xf32, #tpu.memory_space<vmem>> -> memref<64x128xf32, #tpu.memory_space<vmem>>
      %dma_wait3A_647 = arith.constant 0 : i32
      %dma_wait3A_648 = arith.constant 0 : i32
      %dma_wait3A_649 = tpu.memref_slice %arg2[%dma_wait3A_647, %dma_wait3A_648] : memref<64x1000000xf32, #tpu.memory_space<hbm>> -> memref<64x128xf32, #tpu.memory_space<hbm>>
      %dma_wait3A_650 = arith.constant 0 : i32
      %dma_wait3A_651 = arith.constant 0 : i32
      %dma_wait3A_652 = tpu.memref_slice %arg11[%dma_wait3A_642, %dma_wait3A_650, %dma_wait3A_651] : memref<8x64x128xf32, #tpu.memory_space<vmem>> -> memref<1x64x128xf32, #tpu.memory_space<vmem>>
      %dma_wait3A_653 = tpu.memref_squeeze %dma_wait3A_652 : memref<1x64x128xf32, #tpu.memory_space<vmem>> -> memref<64x128xf32, #tpu.memory_space<vmem>>
      %dma_wait3A_654 = arith.constant 0 : i32
      %dma_wait3A_655 = arith.constant 0 : i32
      %dma_wait3A_656 = tpu.memref_slice %arg2[%dma_wait3A_654, %dma_wait3A_655] : memref<64x1000000xf32, #tpu.memory_space<hbm>> -> memref<64x128xf32, #tpu.memory_space<hbm>>
      tpu.wait_dma2 semaphore(%arg19 : memref<!tpu.dma_semaphore, #tpu.memory_space<semaphore_mem>>) src(%dma_wait3A_656 : memref<64x128xf32, #tpu.memory_space<hbm>>) dst(%dma_wait3A_653 : memref<64x128xf32, #tpu.memory_space<vmem>>)
      %get3A_657 = arith.index_cast %add3A_587 : i32 to index
      %get3A_658 = tpu.vector_load %arg16[%get3A_657] {strides = array<i32>} : memref<144xi32, #tpu.memory_space<vmem>>, vector<16xi32>,
      %slice3A_659 = vector.extract_strided_slice %get3A_658 {offsets = [0], sizes = [1], strides = [1]} : vector<16xi32> to vector<1xi32>
      %squeeze3A_660 = vector.extract %slice3A_659[0] : i32 from vector<1xi32>
      %rem3A_661 = arith.constant 128 : i32
      %rem3A_662 = arith.remsi %squeeze3A_660, %rem3A_661 : i32
      %broadcast_in_dim3A_663 = arith.constant 0 : i32
      %broadcast_in_dim3A_664 = vector.broadcast %broadcast_in_dim3A_663 : i32 to vector<16xi32>
      %add3A_665 = vector.broadcast %rem3A_662 : i32 to vector<16xi32>
      %add3A_666 = arith.addi %broadcast_in_dim3A_664, %add3A_665 : vector<16xi32>
      %broadcast_in_dim3A_667 = arith.constant 0 : i32
      %broadcast_in_dim3A_668 = vector.broadcast %broadcast_in_dim3A_667 : i32 to vector<16xi32>
      %add3A_669 = arith.constant 6 : i32
      %add3A_670 = vector.broadcast %add3A_669 : i32 to vector<16xi32>
      %add3A_671 = arith.addi %broadcast_in_dim3A_668, %add3A_670 : vector<16xi32>
      %broadcast_in_dim3A_672 = arith.constant 0 : i32
      %broadcast_in_dim3A_673 = vector.broadcast %broadcast_in_dim3A_672 : i32 to vector<16xi32>
      %add3A_674 = vector.broadcast %add3A_587 : i32 to vector<16xi32>
      %add3A_675 = arith.addi %broadcast_in_dim3A_673, %add3A_674 : vector<16xi32>
      %iota3A_676 = tpu.iota {dimensions = array<i32: 0>} : vector<16xi32>
      %add3A_677 = arith.constant 0 : i32
      %add3A_678 = vector.broadcast %add3A_677 : i32 to vector<16xi32>
      %add3A_679 = arith.addi %iota3A_676, %add3A_678 : vector<16xi32>
      %gather3A_680 = tpu.vector_load_idx %arg11[%add3A_671, %add3A_679, %add3A_666] : memref<8x64x128xf32, #tpu.memory_space<vmem>>[vector<16xi32>, vector<16xi32>, vector<16xi32>], vector<16xf32>,
      tpu.vector_store_idx %arg13[%add3A_679, %add3A_675], %gather3A_680 : memref<64x128xf32, #tpu.memory_space<vmem>>[vector<16xi32>, vector<16xi32>], vector<16xf32>,
      %iota3A_681 = tpu.iota {dimensions = array<i32: 0>} : vector<16xi32>
      %add3A_682 = arith.constant 16 : i32
      %add3A_683 = vector.broadcast %add3A_682 : i32 to vector<16xi32>
      %add3A_684 = arith.addi %iota3A_681, %add3A_683 : vector<16xi32>
      %gather3A_685 = tpu.vector_load_idx %arg11[%add3A_671, %add3A_684, %add3A_666] : memref<8x64x128xf32, #tpu.memory_space<vmem>>[vector<16xi32>, vector<16xi32>, vector<16xi32>], vector<16xf32>,
      tpu.vector_store_idx %arg13[%add3A_684, %add3A_675], %gather3A_685 : memref<64x128xf32, #tpu.memory_space<vmem>>[vector<16xi32>, vector<16xi32>], vector<16xf32>,
      %iota3A_686 = tpu.iota {dimensions = array<i32: 0>} : vector<16xi32>
      %add3A_687 = arith.constant 32 : i32
      %add3A_688 = vector.broadcast %add3A_687 : i32 to vector<16xi32>
      %add3A_689 = arith.addi %iota3A_686, %add3A_688 : vector<16xi32>
      %gather3A_690 = tpu.vector_load_idx %arg11[%add3A_671, %add3A_689, %add3A_666] : memref<8x64x128xf32, #tpu.memory_space<vmem>>[vector<16xi32>, vector<16xi32>, vector<16xi32>], vector<16xf32>,
      tpu.vector_store_idx %arg13[%add3A_689, %add3A_675], %gather3A_690 : memref<64x128xf32, #tpu.memory_space<vmem>>[vector<16xi32>, vector<16xi32>], vector<16xf32>,
      %iota3A_691 = tpu.iota {dimensions = array<i32: 0>} : vector<16xi32>
      %add3A_692 = arith.constant 48 : i32
      %add3A_693 = vector.broadcast %add3A_692 : i32 to vector<16xi32>
      %add3A_694 = arith.addi %iota3A_691, %add3A_693 : vector<16xi32>
      %gather3A_695 = tpu.vector_load_idx %arg11[%add3A_671, %add3A_694, %add3A_666] : memref<8x64x128xf32, #tpu.memory_space<vmem>>[vector<16xi32>, vector<16xi32>, vector<16xi32>], vector<16xf32>,
      tpu.vector_store_idx %arg13[%add3A_694, %add3A_675], %gather3A_695 : memref<64x128xf32, #tpu.memory_space<vmem>>[vector<16xi32>, vector<16xi32>], vector<16xf32>,
      %add3A_696 = arith.constant 4 : i32
      %add3A_697 = arith.addi %add3A_587, %add3A_696 : i32
      %lt3A_698 = arith.constant 128 : i32
      %lt3A_699 = arith.cmpi slt, %add3A_697, %lt3A_698 : i32
      %convert_element_type3A_700 = arith.extui %lt3A_699 : i1 to i32
      %cond3A_701 = arith.constant 0 : i32
      %cond3A_702 = arith.cmpi ne, %convert_element_type3A_700, %cond3A_701 : i32
      scf.if %cond3A_702 {
        %add3A_822 = arith.constant 4 : i32
        %add3A_823 = arith.addi %add3A_587, %add3A_822 : i32
        %get3A_824 = arith.index_cast %add3A_823 : i32 to index
        %get3A_825 = tpu.vector_load %arg15[%get3A_824] {strides = array<i32>} : memref<144xi32, #tpu.memory_space<vmem>>, vector<16xi32>,
        %slice3A_826 = vector.extract_strided_slice %get3A_825 {offsets = [0], sizes = [1], strides = [1]} : vector<16xi32> to vector<1xi32>
        %squeeze3A_827 = vector.extract %slice3A_826[0] : i32 from vector<1xi32>
        %jit3A_828 = arith.constant 128 : i32
        %div3A_829 = arith.divsi %squeeze3A_827, %jit3A_828 : i32
        %sign3A_830 = arith.constant 0 : i32
        %sign3A_831 = arith.cmpi sgt, %squeeze3A_827, %sign3A_830 : i32
        %sign3A_832 = arith.extui %sign3A_831 : i1 to i32
        %sign3A_833 = arith.constant 0 : i32
        %sign3A_834 = arith.cmpi slt, %squeeze3A_827, %sign3A_833 : i32
        %sign3A_835 = arith.extui %sign3A_834 : i1 to i32
        %sign3A_836 = arith.subi %sign3A_832, %sign3A_835 : i32
        %sign3A_837 = arith.constant 0 : i32
        %sign3A_838 = arith.cmpi sgt, %jit3A_828, %sign3A_837 : i32
        %sign3A_839 = arith.extui %sign3A_838 : i1 to i32
        %sign3A_840 = arith.constant 0 : i32
        %sign3A_841 = arith.cmpi slt, %jit3A_828, %sign3A_840 : i32
        %sign3A_842 = arith.extui %sign3A_841 : i1 to i32
        %sign3A_843 = arith.subi %sign3A_839, %sign3A_842 : i32
        %ne3A_844 = arith.cmpi ne, %sign3A_836, %sign3A_843 : i32
        %rem3A_845 = arith.remsi %squeeze3A_827, %jit3A_828 : i32
        %ne3A_846 = arith.constant 0 : i32
        %ne3A_847 = arith.cmpi ne, %rem3A_845, %ne3A_846 : i32
        %and3A_848 = arith.andi %ne3A_844, %ne3A_847 : i1
        %sub3A_849 = arith.constant 1 : i32
        %sub3A_850 = arith.subi %div3A_829, %sub3A_849 : i32
        %select_n3A_851 = arith.select %and3A_848, %sub3A_850, %div3A_829 : i32
        %mul3A_852 = arith.constant 128 : i32
        %mul3A_853 = arith.muli %select_n3A_851, %mul3A_852 : i32
        %multiple_of3A_854 = tpu.assume_multiple %mul3A_853, 128 : i32
        %dma_start3A_855 = arith.constant 2 : i32
        %dma_start3A_856 = arith.constant 0 : i32
        %dma_start3A_857 = arith.constant 0 : i32
        %dma_start3A_858 = tpu.memref_slice %arg11[%dma_start3A_855, %dma_start3A_856, %dma_start3A_857] : memref<8x64x128xf32, #tpu.memory_space<vmem>> -> memref<1x64x128xf32, #tpu.memory_space<vmem>>
        %dma_start3A_859 = tpu.memref_squeeze %dma_start3A_858 : memref<1x64x128xf32, #tpu.memory_space<vmem>> -> memref<64x128xf32, #tpu.memory_space<vmem>>
        %dma_start3A_860 = arith.constant 0 : i32
        %dma_start3A_861 = tpu.memref_slice %arg3[%dma_start3A_860, %multiple_of3A_854] : memref<64x1000000xf32, #tpu.memory_space<hbm>> -> memref<64x128xf32, #tpu.memory_space<hbm>>
        %dma_start3A_862 = arith.constant 0 : i32
        %dma_start3A_863 = arith.constant 0 : i32
        %dma_start3A_864 = tpu.memref_slice %arg11[%dma_start3A_855, %dma_start3A_862, %dma_start3A_863] : memref<8x64x128xf32, #tpu.memory_space<vmem>> -> memref<1x64x128xf32, #tpu.memory_space<vmem>>
        %dma_start3A_865 = tpu.memref_squeeze %dma_start3A_864 : memref<1x64x128xf32, #tpu.memory_space<vmem>> -> memref<64x128xf32, #tpu.memory_space<vmem>>
        %dma_start3A_866 = arith.constant 0 : i32
        %dma_start3A_867 = tpu.memref_slice %arg3[%dma_start3A_866, %multiple_of3A_854] : memref<64x1000000xf32, #tpu.memory_space<hbm>> -> memref<64x128xf32, #tpu.memory_space<hbm>>
        tpu.enqueue_dma source(%dma_start3A_867 : memref<64x128xf32, #tpu.memory_space<hbm>>) target(%dma_start3A_865 : memref<64x128xf32, #tpu.memory_space<vmem>>) target_semaphore(%arg18 : memref<!tpu.dma_semaphore, #tpu.memory_space<semaphore_mem>>)
        %get3A_868 = arith.index_cast %add3A_823 : i32 to index
        %get3A_869 = tpu.vector_load %arg16[%get3A_868] {strides = array<i32>} : memref<144xi32, #tpu.memory_space<vmem>>, vector<16xi32>,
        %slice3A_870 = vector.extract_strided_slice %get3A_869 {offsets = [0], sizes = [1], strides = [1]} : vector<16xi32> to vector<1xi32>
        %squeeze3A_871 = vector.extract %slice3A_870[0] : i32 from vector<1xi32>
        %jit3A_872 = arith.constant 128 : i32
        %div3A_873 = arith.divsi %squeeze3A_871, %jit3A_872 : i32
        %sign3A_874 = arith.constant 0 : i32
        %sign3A_875 = arith.cmpi sgt, %squeeze3A_871, %sign3A_874 : i32
        %sign3A_876 = arith.extui %sign3A_875 : i1 to i32
        %sign3A_877 = arith.constant 0 : i32
        %sign3A_878 = arith.cmpi slt, %squeeze3A_871, %sign3A_877 : i32
        %sign3A_879 = arith.extui %sign3A_878 : i1 to i32
        %sign3A_880 = arith.subi %sign3A_876, %sign3A_879 : i32
        %sign3A_881 = arith.constant 0 : i32
        %sign3A_882 = arith.cmpi sgt, %jit3A_872, %sign3A_881 : i32
        %sign3A_883 = arith.extui %sign3A_882 : i1 to i32
        %sign3A_884 = arith.constant 0 : i32
        %sign3A_885 = arith.cmpi slt, %jit3A_872, %sign3A_884 : i32
        %sign3A_886 = arith.extui %sign3A_885 : i1 to i32
        %sign3A_887 = arith.subi %sign3A_883, %sign3A_886 : i32
        %ne3A_888 = arith.cmpi ne, %sign3A_880, %sign3A_887 : i32
        %rem3A_889 = arith.remsi %squeeze3A_871, %jit3A_872 : i32
        %ne3A_890 = arith.constant 0 : i32
        %ne3A_891 = arith.cmpi ne, %rem3A_889, %ne3A_890 : i32
        %and3A_892 = arith.andi %ne3A_888, %ne3A_891 : i1
        %sub3A_893 = arith.constant 1 : i32
        %sub3A_894 = arith.subi %div3A_873, %sub3A_893 : i32
        %select_n3A_895 = arith.select %and3A_892, %sub3A_894, %div3A_873 : i32
        %mul3A_896 = arith.constant 128 : i32
        %mul3A_897 = arith.muli %select_n3A_895, %mul3A_896 : i32
        %multiple_of3A_898 = tpu.assume_multiple %mul3A_897, 128 : i32
        %dma_start3A_899 = arith.constant 6 : i32
        %dma_start3A_900 = arith.constant 0 : i32
        %dma_start3A_901 = arith.constant 0 : i32
        %dma_start3A_902 = tpu.memref_slice %arg11[%dma_start3A_899, %dma_start3A_900, %dma_start3A_901] : memref<8x64x128xf32, #tpu.memory_space<vmem>> -> memref<1x64x128xf32, #tpu.memory_space<vmem>>
        %dma_start3A_903 = tpu.memref_squeeze %dma_start3A_902 : memref<1x64x128xf32, #tpu.memory_space<vmem>> -> memref<64x128xf32, #tpu.memory_space<vmem>>
        %dma_start3A_904 = arith.constant 0 : i32
        %dma_start3A_905 = tpu.memref_slice %arg2[%dma_start3A_904, %multiple_of3A_898] : memref<64x1000000xf32, #tpu.memory_space<hbm>> -> memref<64x128xf32, #tpu.memory_space<hbm>>
        %dma_start3A_906 = arith.constant 0 : i32
        %dma_start3A_907 = arith.constant 0 : i32
        %dma_start3A_908 = tpu.memref_slice %arg11[%dma_start3A_899, %dma_start3A_906, %dma_start3A_907] : memref<8x64x128xf32, #tpu.memory_space<vmem>> -> memref<1x64x128xf32, #tpu.memory_space<vmem>>
        %dma_start3A_909 = tpu.memref_squeeze %dma_start3A_908 : memref<1x64x128xf32, #tpu.memory_space<vmem>> -> memref<64x128xf32, #tpu.memory_space<vmem>>
        %dma_start3A_910 = arith.constant 0 : i32
        %dma_start3A_911 = tpu.memref_slice %arg2[%dma_start3A_910, %multiple_of3A_898] : memref<64x1000000xf32, #tpu.memory_space<hbm>> -> memref<64x128xf32, #tpu.memory_space<hbm>>
        tpu.enqueue_dma source(%dma_start3A_911 : memref<64x128xf32, #tpu.memory_space<hbm>>) target(%dma_start3A_909 : memref<64x128xf32, #tpu.memory_space<vmem>>) target_semaphore(%arg19 : memref<!tpu.dma_semaphore, #tpu.memory_space<semaphore_mem>>)
      } else {
      }
      %mul3A_703 = arith.constant 4 : i32
      %mul3A_704 = arith.muli %scan3A_350, %mul3A_703 : i32
      %add3A_705 = arith.constant 3 : i32
      %add3A_706 = arith.addi %mul3A_704, %add3A_705 : i32
      %dma_wait3A_707 = arith.constant 3 : i32
      %dma_wait3A_708 = arith.constant 0 : i32
      %dma_wait3A_709 = arith.constant 0 : i32
      %dma_wait3A_710 = tpu.memref_slice %arg11[%dma_wait3A_707, %dma_wait3A_708, %dma_wait3A_709] : memref<8x64x128xf32, #tpu.memory_space<vmem>> -> memref<1x64x128xf32, #tpu.memory_space<vmem>>
      %dma_wait3A_711 = tpu.memref_squeeze %dma_wait3A_710 : memref<1x64x128xf32, #tpu.memory_space<vmem>> -> memref<64x128xf32, #tpu.memory_space<vmem>>
      %dma_wait3A_712 = arith.constant 0 : i32
      %dma_wait3A_713 = arith.constant 0 : i32
      %dma_wait3A_714 = tpu.memref_slice %arg3[%dma_wait3A_712, %dma_wait3A_713] : memref<64x1000000xf32, #tpu.memory_space<hbm>> -> memref<64x128xf32, #tpu.memory_space<hbm>>
      %dma_wait3A_715 = arith.constant 0 : i32
      %dma_wait3A_716 = arith.constant 0 : i32
      %dma_wait3A_717 = tpu.memref_slice %arg11[%dma_wait3A_707, %dma_wait3A_715, %dma_wait3A_716] : memref<8x64x128xf32, #tpu.memory_space<vmem>> -> memref<1x64x128xf32, #tpu.memory_space<vmem>>
      %dma_wait3A_718 = tpu.memref_squeeze %dma_wait3A_717 : memref<1x64x128xf32, #tpu.memory_space<vmem>> -> memref<64x128xf32, #tpu.memory_space<vmem>>
      %dma_wait3A_719 = arith.constant 0 : i32
      %dma_wait3A_720 = arith.constant 0 : i32
      %dma_wait3A_721 = tpu.memref_slice %arg3[%dma_wait3A_719, %dma_wait3A_720] : memref<64x1000000xf32, #tpu.memory_space<hbm>> -> memref<64x128xf32, #tpu.memory_space<hbm>>
      tpu.wait_dma2 semaphore(%arg18 : memref<!tpu.dma_semaphore, #tpu.memory_space<semaphore_mem>>) src(%dma_wait3A_721 : memref<64x128xf32, #tpu.memory_space<hbm>>) dst(%dma_wait3A_718 : memref<64x128xf32, #tpu.memory_space<vmem>>)
      %get3A_722 = arith.index_cast %add3A_706 : i32 to index
      %get3A_723 = tpu.vector_load %arg15[%get3A_722] {strides = array<i32>} : memref<144xi32, #tpu.memory_space<vmem>>, vector<16xi32>,
      %slice3A_724 = vector.extract_strided_slice %get3A_723 {offsets = [0], sizes = [1], strides = [1]} : vector<16xi32> to vector<1xi32>
      %squeeze3A_725 = vector.extract %slice3A_724[0] : i32 from vector<1xi32>
      %rem3A_726 = arith.constant 128 : i32
      %rem3A_727 = arith.remsi %squeeze3A_725, %rem3A_726 : i32
      %broadcast_in_dim3A_728 = arith.constant 0 : i32
      %broadcast_in_dim3A_729 = vector.broadcast %broadcast_in_dim3A_728 : i32 to vector<16xi32>
      %add3A_730 = vector.broadcast %rem3A_727 : i32 to vector<16xi32>
      %add3A_731 = arith.addi %broadcast_in_dim3A_729, %add3A_730 : vector<16xi32>
      %broadcast_in_dim3A_732 = arith.constant 0 : i32
      %broadcast_in_dim3A_733 = vector.broadcast %broadcast_in_dim3A_732 : i32 to vector<16xi32>
      %add3A_734 = arith.constant 3 : i32
      %add3A_735 = vector.broadcast %add3A_734 : i32 to vector<16xi32>
      %add3A_736 = arith.addi %broadcast_in_dim3A_733, %add3A_735 : vector<16xi32>
      %broadcast_in_dim3A_737 = arith.constant 0 : i32
      %broadcast_in_dim3A_738 = vector.broadcast %broadcast_in_dim3A_737 : i32 to vector<16xi32>
      %add3A_739 = vector.broadcast %add3A_706 : i32 to vector<16xi32>
      %add3A_740 = arith.addi %broadcast_in_dim3A_738, %add3A_739 : vector<16xi32>
      %iota3A_741 = tpu.iota {dimensions = array<i32: 0>} : vector<16xi32>
      %add3A_742 = arith.constant 0 : i32
      %add3A_743 = vector.broadcast %add3A_742 : i32 to vector<16xi32>
      %add3A_744 = arith.addi %iota3A_741, %add3A_743 : vector<16xi32>
      %gather3A_745 = tpu.vector_load_idx %arg11[%add3A_736, %add3A_744, %add3A_731] : memref<8x64x128xf32, #tpu.memory_space<vmem>>[vector<16xi32>, vector<16xi32>, vector<16xi32>], vector<16xf32>,
      tpu.vector_store_idx %arg12[%add3A_744, %add3A_740], %gather3A_745 : memref<64x128xf32, #tpu.memory_space<vmem>>[vector<16xi32>, vector<16xi32>], vector<16xf32>,
      %iota3A_746 = tpu.iota {dimensions = array<i32: 0>} : vector<16xi32>
      %add3A_747 = arith.constant 16 : i32
      %add3A_748 = vector.broadcast %add3A_747 : i32 to vector<16xi32>
      %add3A_749 = arith.addi %iota3A_746, %add3A_748 : vector<16xi32>
      %gather3A_750 = tpu.vector_load_idx %arg11[%add3A_736, %add3A_749, %add3A_731] : memref<8x64x128xf32, #tpu.memory_space<vmem>>[vector<16xi32>, vector<16xi32>, vector<16xi32>], vector<16xf32>,
      tpu.vector_store_idx %arg12[%add3A_749, %add3A_740], %gather3A_750 : memref<64x128xf32, #tpu.memory_space<vmem>>[vector<16xi32>, vector<16xi32>], vector<16xf32>,
      %iota3A_751 = tpu.iota {dimensions = array<i32: 0>} : vector<16xi32>
      %add3A_752 = arith.constant 32 : i32
      %add3A_753 = vector.broadcast %add3A_752 : i32 to vector<16xi32>
      %add3A_754 = arith.addi %iota3A_751, %add3A_753 : vector<16xi32>
      %gather3A_755 = tpu.vector_load_idx %arg11[%add3A_736, %add3A_754, %add3A_731] : memref<8x64x128xf32, #tpu.memory_space<vmem>>[vector<16xi32>, vector<16xi32>, vector<16xi32>], vector<16xf32>,
      tpu.vector_store_idx %arg12[%add3A_754, %add3A_740], %gather3A_755 : memref<64x128xf32, #tpu.memory_space<vmem>>[vector<16xi32>, vector<16xi32>], vector<16xf32>,
      %iota3A_756 = tpu.iota {dimensions = array<i32: 0>} : vector<16xi32>
      %add3A_757 = arith.constant 48 : i32
      %add3A_758 = vector.broadcast %add3A_757 : i32 to vector<16xi32>
      %add3A_759 = arith.addi %iota3A_756, %add3A_758 : vector<16xi32>
      %gather3A_760 = tpu.vector_load_idx %arg11[%add3A_736, %add3A_759, %add3A_731] : memref<8x64x128xf32, #tpu.memory_space<vmem>>[vector<16xi32>, vector<16xi32>, vector<16xi32>], vector<16xf32>,
      tpu.vector_store_idx %arg12[%add3A_759, %add3A_740], %gather3A_760 : memref<64x128xf32, #tpu.memory_space<vmem>>[vector<16xi32>, vector<16xi32>], vector<16xf32>,
      %dma_wait3A_761 = arith.constant 7 : i32
      %dma_wait3A_762 = arith.constant 0 : i32
      %dma_wait3A_763 = arith.constant 0 : i32
      %dma_wait3A_764 = tpu.memref_slice %arg11[%dma_wait3A_761, %dma_wait3A_762, %dma_wait3A_763] : memref<8x64x128xf32, #tpu.memory_space<vmem>> -> memref<1x64x128xf32, #tpu.memory_space<vmem>>
      %dma_wait3A_765 = tpu.memref_squeeze %dma_wait3A_764 : memref<1x64x128xf32, #tpu.memory_space<vmem>> -> memref<64x128xf32, #tpu.memory_space<vmem>>
      %dma_wait3A_766 = arith.constant 0 : i32
      %dma_wait3A_767 = arith.constant 0 : i32
      %dma_wait3A_768 = tpu.memref_slice %arg2[%dma_wait3A_766, %dma_wait3A_767] : memref<64x1000000xf32, #tpu.memory_space<hbm>> -> memref<64x128xf32, #tpu.memory_space<hbm>>
      %dma_wait3A_769 = arith.constant 0 : i32
      %dma_wait3A_770 = arith.constant 0 : i32
      %dma_wait3A_771 = tpu.memref_slice %arg11[%dma_wait3A_761, %dma_wait3A_769, %dma_wait3A_770] : memref<8x64x128xf32, #tpu.memory_space<vmem>> -> memref<1x64x128xf32, #tpu.memory_space<vmem>>
      %dma_wait3A_772 = tpu.memref_squeeze %dma_wait3A_771 : memref<1x64x128xf32, #tpu.memory_space<vmem>> -> memref<64x128xf32, #tpu.memory_space<vmem>>
      %dma_wait3A_773 = arith.constant 0 : i32
      %dma_wait3A_774 = arith.constant 0 : i32
      %dma_wait3A_775 = tpu.memref_slice %arg2[%dma_wait3A_773, %dma_wait3A_774] : memref<64x1000000xf32, #tpu.memory_space<hbm>> -> memref<64x128xf32, #tpu.memory_space<hbm>>
      tpu.wait_dma2 semaphore(%arg19 : memref<!tpu.dma_semaphore, #tpu.memory_space<semaphore_mem>>) src(%dma_wait3A_775 : memref<64x128xf32, #tpu.memory_space<hbm>>) dst(%dma_wait3A_772 : memref<64x128xf32, #tpu.memory_space<vmem>>)
      %get3A_776 = arith.index_cast %add3A_706 : i32 to index
      %get3A_777 = tpu.vector_load %arg16[%get3A_776] {strides = array<i32>} : memref<144xi32, #tpu.memory_space<vmem>>, vector<16xi32>,
      %slice3A_778 = vector.extract_strided_slice %get3A_777 {offsets = [0], sizes = [1], strides = [1]} : vector<16xi32> to vector<1xi32>
      %squeeze3A_779 = vector.extract %slice3A_778[0] : i32 from vector<1xi32>
      %rem3A_780 = arith.constant 128 : i32
      %rem3A_781 = arith.remsi %squeeze3A_779, %rem3A_780 : i32
      %broadcast_in_dim3A_782 = arith.constant 0 : i32
      %broadcast_in_dim3A_783 = vector.broadcast %broadcast_in_dim3A_782 : i32 to vector<16xi32>
      %add3A_784 = vector.broadcast %rem3A_781 : i32 to vector<16xi32>
      %add3A_785 = arith.addi %broadcast_in_dim3A_783, %add3A_784 : vector<16xi32>
      %broadcast_in_dim3A_786 = arith.constant 0 : i32
      %broadcast_in_dim3A_787 = vector.broadcast %broadcast_in_dim3A_786 : i32 to vector<16xi32>
      %add3A_788 = arith.constant 7 : i32
      %add3A_789 = vector.broadcast %add3A_788 : i32 to vector<16xi32>
      %add3A_790 = arith.addi %broadcast_in_dim3A_787, %add3A_789 : vector<16xi32>
      %broadcast_in_dim3A_791 = arith.constant 0 : i32
      %broadcast_in_dim3A_792 = vector.broadcast %broadcast_in_dim3A_791 : i32 to vector<16xi32>
      %add3A_793 = vector.broadcast %add3A_706 : i32 to vector<16xi32>
      %add3A_794 = arith.addi %broadcast_in_dim3A_792, %add3A_793 : vector<16xi32>
      %iota3A_795 = tpu.iota {dimensions = array<i32: 0>} : vector<16xi32>
      %add3A_796 = arith.constant 0 : i32
      %add3A_797 = vector.broadcast %add3A_796 : i32 to vector<16xi32>
      %add3A_798 = arith.addi %iota3A_795, %add3A_797 : vector<16xi32>
      %gather3A_799 = tpu.vector_load_idx %arg11[%add3A_790, %add3A_798, %add3A_785] : memref<8x64x128xf32, #tpu.memory_space<vmem>>[vector<16xi32>, vector<16xi32>, vector<16xi32>], vector<16xf32>,
      tpu.vector_store_idx %arg13[%add3A_798, %add3A_794], %gather3A_799 : memref<64x128xf32, #tpu.memory_space<vmem>>[vector<16xi32>, vector<16xi32>], vector<16xf32>,
      %iota3A_800 = tpu.iota {dimensions = array<i32: 0>} : vector<16xi32>
      %add3A_801 = arith.constant 16 : i32
      %add3A_802 = vector.broadcast %add3A_801 : i32 to vector<16xi32>
      %add3A_803 = arith.addi %iota3A_800, %add3A_802 : vector<16xi32>
      %gather3A_804 = tpu.vector_load_idx %arg11[%add3A_790, %add3A_803, %add3A_785] : memref<8x64x128xf32, #tpu.memory_space<vmem>>[vector<16xi32>, vector<16xi32>, vector<16xi32>], vector<16xf32>,
      tpu.vector_store_idx %arg13[%add3A_803, %add3A_794], %gather3A_804 : memref<64x128xf32, #tpu.memory_space<vmem>>[vector<16xi32>, vector<16xi32>], vector<16xf32>,
      %iota3A_805 = tpu.iota {dimensions = array<i32: 0>} : vector<16xi32>
      %add3A_806 = arith.constant 32 : i32
      %add3A_807 = vector.broadcast %add3A_806 : i32 to vector<16xi32>
      %add3A_808 = arith.addi %iota3A_805, %add3A_807 : vector<16xi32>
      %gather3A_809 = tpu.vector_load_idx %arg11[%add3A_790, %add3A_808, %add3A_785] : memref<8x64x128xf32, #tpu.memory_space<vmem>>[vector<16xi32>, vector<16xi32>, vector<16xi32>], vector<16xf32>,
      tpu.vector_store_idx %arg13[%add3A_808, %add3A_794], %gather3A_809 : memref<64x128xf32, #tpu.memory_space<vmem>>[vector<16xi32>, vector<16xi32>], vector<16xf32>,
      %iota3A_810 = tpu.iota {dimensions = array<i32: 0>} : vector<16xi32>
      %add3A_811 = arith.constant 48 : i32
      %add3A_812 = vector.broadcast %add3A_811 : i32 to vector<16xi32>
      %add3A_813 = arith.addi %iota3A_810, %add3A_812 : vector<16xi32>
      %gather3A_814 = tpu.vector_load_idx %arg11[%add3A_790, %add3A_813, %add3A_785] : memref<8x64x128xf32, #tpu.memory_space<vmem>>[vector<16xi32>, vector<16xi32>, vector<16xi32>], vector<16xf32>,
      tpu.vector_store_idx %arg13[%add3A_813, %add3A_794], %gather3A_814 : memref<64x128xf32, #tpu.memory_space<vmem>>[vector<16xi32>, vector<16xi32>], vector<16xf32>,
      %add3A_815 = arith.constant 4 : i32
      %add3A_816 = arith.addi %add3A_706, %add3A_815 : i32
      %lt3A_817 = arith.constant 128 : i32
      %lt3A_818 = arith.cmpi slt, %add3A_816, %lt3A_817 : i32
      %convert_element_type3A_819 = arith.extui %lt3A_818 : i1 to i32
      %cond3A_820 = arith.constant 0 : i32
      %cond3A_821 = arith.cmpi ne, %convert_element_type3A_819, %cond3A_820 : i32
      scf.if %cond3A_821 {
        %add3A_822 = arith.constant 4 : i32
        %add3A_823 = arith.addi %add3A_706, %add3A_822 : i32
        %get3A_824 = arith.index_cast %add3A_823 : i32 to index
        %get3A_825 = tpu.vector_load %arg15[%get3A_824] {strides = array<i32>} : memref<144xi32, #tpu.memory_space<vmem>>, vector<16xi32>,
        %slice3A_826 = vector.extract_strided_slice %get3A_825 {offsets = [0], sizes = [1], strides = [1]} : vector<16xi32> to vector<1xi32>
        %squeeze3A_827 = vector.extract %slice3A_826[0] : i32 from vector<1xi32>
        %jit3A_828 = arith.constant 128 : i32
        %div3A_829 = arith.divsi %squeeze3A_827, %jit3A_828 : i32
        %sign3A_830 = arith.constant 0 : i32
        %sign3A_831 = arith.cmpi sgt, %squeeze3A_827, %sign3A_830 : i32
        %sign3A_832 = arith.extui %sign3A_831 : i1 to i32
        %sign3A_833 = arith.constant 0 : i32
        %sign3A_834 = arith.cmpi slt, %squeeze3A_827, %sign3A_833 : i32
        %sign3A_835 = arith.extui %sign3A_834 : i1 to i32
        %sign3A_836 = arith.subi %sign3A_832, %sign3A_835 : i32
        %sign3A_837 = arith.constant 0 : i32
        %sign3A_838 = arith.cmpi sgt, %jit3A_828, %sign3A_837 : i32
        %sign3A_839 = arith.extui %sign3A_838 : i1 to i32
        %sign3A_840 = arith.constant 0 : i32
        %sign3A_841 = arith.cmpi slt, %jit3A_828, %sign3A_840 : i32
        %sign3A_842 = arith.extui %sign3A_841 : i1 to i32
        %sign3A_843 = arith.subi %sign3A_839, %sign3A_842 : i32
        %ne3A_844 = arith.cmpi ne, %sign3A_836, %sign3A_843 : i32
        %rem3A_845 = arith.remsi %squeeze3A_827, %jit3A_828 : i32
        %ne3A_846 = arith.constant 0 : i32
        %ne3A_847 = arith.cmpi ne, %rem3A_845, %ne3A_846 : i32
        %and3A_848 = arith.andi %ne3A_844, %ne3A_847 : i1
        %sub3A_849 = arith.constant 1 : i32
        %sub3A_850 = arith.subi %div3A_829, %sub3A_849 : i32
        %select_n3A_851 = arith.select %and3A_848, %sub3A_850, %div3A_829 : i32
        %mul3A_852 = arith.constant 128 : i32
        %mul3A_853 = arith.muli %select_n3A_851, %mul3A_852 : i32
        %multiple_of3A_854 = tpu.assume_multiple %mul3A_853, 128 : i32
        %dma_start3A_855 = arith.constant 3 : i32
        %dma_start3A_856 = arith.constant 0 : i32
        %dma_start3A_857 = arith.constant 0 : i32
        %dma_start3A_858 = tpu.memref_slice %arg11[%dma_start3A_855, %dma_start3A_856, %dma_start3A_857] : memref<8x64x128xf32, #tpu.memory_space<vmem>> -> memref<1x64x128xf32, #tpu.memory_space<vmem>>
        %dma_start3A_859 = tpu.memref_squeeze %dma_start3A_858 : memref<1x64x128xf32, #tpu.memory_space<vmem>> -> memref<64x128xf32, #tpu.memory_space<vmem>>
        %dma_start3A_860 = arith.constant 0 : i32
        %dma_start3A_861 = tpu.memref_slice %arg3[%dma_start3A_860, %multiple_of3A_854] : memref<64x1000000xf32, #tpu.memory_space<hbm>> -> memref<64x128xf32, #tpu.memory_space<hbm>>
        %dma_start3A_862 = arith.constant 0 : i32
        %dma_start3A_863 = arith.constant 0 : i32
        %dma_start3A_864 = tpu.memref_slice %arg11[%dma_start3A_855, %dma_start3A_862, %dma_start3A_863] : memref<8x64x128xf32, #tpu.memory_space<vmem>> -> memref<1x64x128xf32, #tpu.memory_space<vmem>>
        %dma_start3A_865 = tpu.memref_squeeze %dma_start3A_864 : memref<1x64x128xf32, #tpu.memory_space<vmem>> -> memref<64x128xf32, #tpu.memory_space<vmem>>
        %dma_start3A_866 = arith.constant 0 : i32
        %dma_start3A_867 = tpu.memref_slice %arg3[%dma_start3A_866, %multiple_of3A_854] : memref<64x1000000xf32, #tpu.memory_space<hbm>> -> memref<64x128xf32, #tpu.memory_space<hbm>>
        tpu.enqueue_dma source(%dma_start3A_867 : memref<64x128xf32, #tpu.memory_space<hbm>>) target(%dma_start3A_865 : memref<64x128xf32, #tpu.memory_space<vmem>>) target_semaphore(%arg18 : memref<!tpu.dma_semaphore, #tpu.memory_space<semaphore_mem>>)
        %get3A_868 = arith.index_cast %add3A_823 : i32 to index
        %get3A_869 = tpu.vector_load %arg16[%get3A_868] {strides = array<i32>} : memref<144xi32, #tpu.memory_space<vmem>>, vector<16xi32>,
        %slice3A_870 = vector.extract_strided_slice %get3A_869 {offsets = [0], sizes = [1], strides = [1]} : vector<16xi32> to vector<1xi32>
        %squeeze3A_871 = vector.extract %slice3A_870[0] : i32 from vector<1xi32>
        %jit3A_872 = arith.constant 128 : i32
        %div3A_873 = arith.divsi %squeeze3A_871, %jit3A_872 : i32
        %sign3A_874 = arith.constant 0 : i32
        %sign3A_875 = arith.cmpi sgt, %squeeze3A_871, %sign3A_874 : i32
        %sign3A_876 = arith.extui %sign3A_875 : i1 to i32
        %sign3A_877 = arith.constant 0 : i32
        %sign3A_878 = arith.cmpi slt, %squeeze3A_871, %sign3A_877 : i32
        %sign3A_879 = arith.extui %sign3A_878 : i1 to i32
        %sign3A_880 = arith.subi %sign3A_876, %sign3A_879 : i32
        %sign3A_881 = arith.constant 0 : i32
        %sign3A_882 = arith.cmpi sgt, %jit3A_872, %sign3A_881 : i32
        %sign3A_883 = arith.extui %sign3A_882 : i1 to i32
        %sign3A_884 = arith.constant 0 : i32
        %sign3A_885 = arith.cmpi slt, %jit3A_872, %sign3A_884 : i32
        %sign3A_886 = arith.extui %sign3A_885 : i1 to i32
        %sign3A_887 = arith.subi %sign3A_883, %sign3A_886 : i32
        %ne3A_888 = arith.cmpi ne, %sign3A_880, %sign3A_887 : i32
        %rem3A_889 = arith.remsi %squeeze3A_871, %jit3A_872 : i32
        %ne3A_890 = arith.constant 0 : i32
        %ne3A_891 = arith.cmpi ne, %rem3A_889, %ne3A_890 : i32
        %and3A_892 = arith.andi %ne3A_888, %ne3A_891 : i1
        %sub3A_893 = arith.constant 1 : i32
        %sub3A_894 = arith.subi %div3A_873, %sub3A_893 : i32
        %select_n3A_895 = arith.select %and3A_892, %sub3A_894, %div3A_873 : i32
        %mul3A_896 = arith.constant 128 : i32
        %mul3A_897 = arith.muli %select_n3A_895, %mul3A_896 : i32
        %multiple_of3A_898 = tpu.assume_multiple %mul3A_897, 128 : i32
        %dma_start3A_899 = arith.constant 7 : i32
        %dma_start3A_900 = arith.constant 0 : i32
        %dma_start3A_901 = arith.constant 0 : i32
        %dma_start3A_902 = tpu.memref_slice %arg11[%dma_start3A_899, %dma_start3A_900, %dma_start3A_901] : memref<8x64x128xf32, #tpu.memory_space<vmem>> -> memref<1x64x128xf32, #tpu.memory_space<vmem>>
        %dma_start3A_903 = tpu.memref_squeeze %dma_start3A_902 : memref<1x64x128xf32, #tpu.memory_space<vmem>> -> memref<64x128xf32, #tpu.memory_space<vmem>>
        %dma_start3A_904 = arith.constant 0 : i32
        %dma_start3A_905 = tpu.memref_slice %arg2[%dma_start3A_904, %multiple_of3A_898] : memref<64x1000000xf32, #tpu.memory_space<hbm>> -> memref<64x128xf32, #tpu.memory_space<hbm>>
        %dma_start3A_906 = arith.constant 0 : i32
        %dma_start3A_907 = arith.constant 0 : i32
        %dma_start3A_908 = tpu.memref_slice %arg11[%dma_start3A_899, %dma_start3A_906, %dma_start3A_907] : memref<8x64x128xf32, #tpu.memory_space<vmem>> -> memref<1x64x128xf32, #tpu.memory_space<vmem>>
        %dma_start3A_909 = tpu.memref_squeeze %dma_start3A_908 : memref<1x64x128xf32, #tpu.memory_space<vmem>> -> memref<64x128xf32, #tpu.memory_space<vmem>>
        %dma_start3A_910 = arith.constant 0 : i32
        %dma_start3A_911 = tpu.memref_slice %arg2[%dma_start3A_910, %multiple_of3A_898] : memref<64x1000000xf32, #tpu.memory_space<hbm>> -> memref<64x128xf32, #tpu.memory_space<hbm>>
        tpu.enqueue_dma source(%dma_start3A_911 : memref<64x128xf32, #tpu.memory_space<hbm>>) target(%dma_start3A_909 : memref<64x128xf32, #tpu.memory_space<vmem>>) target_semaphore(%arg19 : memref<!tpu.dma_semaphore, #tpu.memory_space<semaphore_mem>>)
      } else {
      }
    }
    %scan3A_346 = arith.constant 32 : i32
    %multiple_of3A_347 = tpu.assume_multiple %mul3A_2, 128 : i32
    "tpu.region"() ({
      %run_scoped3A = tpu.sem_alloc : memref<!tpu.dma_semaphore, #tpu.memory_space<semaphore_mem>>
      %dma_start3A_350 = arith.constant 0 : i32
      %dma_start3A_351 = tpu.memref_slice %arg8[%dma_start3A_350, %multiple_of3A_347] : memref<64x4096xf32, #tpu.memory_space<hbm>> -> memref<64x128xf32, #tpu.memory_space<hbm>>
      %dma_start3A_352 = arith.constant 0 : i32
      %dma_start3A_353 = tpu.memref_slice %arg8[%dma_start3A_352, %multiple_of3A_347] : memref<64x4096xf32, #tpu.memory_space<hbm>> -> memref<64x128xf32, #tpu.memory_space<hbm>>
      tpu.enqueue_dma source(%arg12 : memref<64x128xf32, #tpu.memory_space<vmem>>) target(%dma_start3A_353 : memref<64x128xf32, #tpu.memory_space<hbm>>) target_semaphore(%run_scoped3A : memref<!tpu.dma_semaphore, #tpu.memory_space<semaphore_mem>>)
      %dma_wait3A = arith.constant 0 : i32
      %dma_wait3A_354 = tpu.memref_slice %arg8[%dma_wait3A, %multiple_of3A_347] : memref<64x4096xf32, #tpu.memory_space<hbm>> -> memref<64x128xf32, #tpu.memory_space<hbm>>
      %dma_wait3A_355 = arith.constant 0 : i32
      %dma_wait3A_356 = tpu.memref_slice %arg8[%dma_wait3A_355, %multiple_of3A_347] : memref<64x4096xf32, #tpu.memory_space<hbm>> -> memref<64x128xf32, #tpu.memory_space<hbm>>
      tpu.wait_dma2 semaphore(%run_scoped3A : memref<!tpu.dma_semaphore, #tpu.memory_space<semaphore_mem>>) src(%arg12 : memref<64x128xf32, #tpu.memory_space<vmem>>) dst(%dma_wait3A_356 : memref<64x128xf32, #tpu.memory_space<hbm>>)
      tpu.yield
    }) : () -> ()
    "tpu.region"() ({
      %run_scoped3A = tpu.sem_alloc : memref<!tpu.dma_semaphore, #tpu.memory_space<semaphore_mem>>
      %dma_start3A_350 = arith.constant 0 : i32
      %dma_start3A_351 = tpu.memref_slice %arg9[%dma_start3A_350, %multiple_of3A_347] : memref<64x4096xf32, #tpu.memory_space<hbm>> -> memref<64x128xf32, #tpu.memory_space<hbm>>
      %dma_start3A_352 = arith.constant 0 : i32
      %dma_start3A_353 = tpu.memref_slice %arg9[%dma_start3A_352, %multiple_of3A_347] : memref<64x4096xf32, #tpu.memory_space<hbm>> -> memref<64x128xf32, #tpu.memory_space<hbm>>
      tpu.enqueue_dma source(%arg13 : memref<64x128xf32, #tpu.memory_space<vmem>>) target(%dma_start3A_353 : memref<64x128xf32, #tpu.memory_space<hbm>>) target_semaphore(%run_scoped3A : memref<!tpu.dma_semaphore, #tpu.memory_space<semaphore_mem>>)
      %dma_wait3A = arith.constant 0 : i32
      %dma_wait3A_354 = tpu.memref_slice %arg9[%dma_wait3A, %multiple_of3A_347] : memref<64x4096xf32, #tpu.memory_space<hbm>> -> memref<64x128xf32, #tpu.memory_space<hbm>>
      %dma_wait3A_355 = arith.constant 0 : i32
      %dma_wait3A_356 = tpu.memref_slice %arg9[%dma_wait3A_355, %multiple_of3A_347] : memref<64x4096xf32, #tpu.memory_space<hbm>> -> memref<64x128xf32, #tpu.memory_space<hbm>>
      tpu.wait_dma2 semaphore(%run_scoped3A : memref<!tpu.dma_semaphore, #tpu.memory_space<semaphore_mem>>) src(%arg13 : memref<64x128xf32, #tpu.memory_space<vmem>>) dst(%dma_wait3A_356 : memref<64x128xf32, #tpu.memory_space<hbm>>)
      tpu.yield
    }) : () -> ()
    %eq3A = arith.constant 0 : i32
    %eq3A_348 = arith.cmpi eq, %add3A, %eq3A : i32
    %convert_element_type3A = arith.extui %eq3A_348 : i1 to i32
    %cond3A = arith.constant 0 : i32
    %cond3A_349 = arith.cmpi ne, %convert_element_type3A, %cond3A : i32
    scf.if %cond3A_349 {
      "tpu.region"() ({
        %run_scoped3A = tpu.sem_alloc : memref<!tpu.dma_semaphore, #tpu.memory_space<semaphore_mem>>
        %dma_start3A_536 = arith.constant 0 : i32
        %dma_start3A_537 = tpu.memref_slice %arg6[%dma_start3A_536] : memref<16xi32, #tpu.memory_space<hbm>> -> memref<16xi32, #tpu.memory_space<hbm>>
        %dma_start3A_538 = arith.constant 0 : i32
        %dma_start3A_539 = tpu.memref_slice %arg6[%dma_start3A_538] : memref<16xi32, #tpu.memory_space<hbm>> -> memref<16xi32, #tpu.memory_space<hbm>>
        tpu.enqueue_dma source(%dma_start3A_539 : memref<16xi32, #tpu.memory_space<hbm>>) target(%arg17 : memref<16xi32, #tpu.memory_space<vmem>>) target_semaphore(%run_scoped3A : memref<!tpu.dma_semaphore, #tpu.memory_space<semaphore_mem>>)
        %dma_wait3A_540 = arith.constant 0 : i32
        %dma_wait3A_541 = tpu.memref_slice %arg6[%dma_wait3A_540] : memref<16xi32, #tpu.memory_space<hbm>> -> memref<16xi32, #tpu.memory_space<hbm>>
        %dma_wait3A_542 = arith.constant 0 : i32
        %dma_wait3A_543 = tpu.memref_slice %arg6[%dma_wait3A_542] : memref<16xi32, #tpu.memory_space<hbm>> -> memref<16xi32, #tpu.memory_space<hbm>>
        tpu.wait_dma2 semaphore(%run_scoped3A : memref<!tpu.dma_semaphore, #tpu.memory_space<semaphore_mem>>) src(%dma_wait3A_543 : memref<16xi32, #tpu.memory_space<hbm>>) dst(%arg17 : memref<16xi32, #tpu.memory_space<vmem>>)
        tpu.yield
      }) : () -> ()
      %get3A_350 = arith.constant 0 : index
      %get3A_351 = tpu.vector_load %arg17[%get3A_350] {strides = array<i32>} : memref<16xi32, #tpu.memory_space<vmem>>, vector<16xi32>,
      %slice3A_352 = vector.extract_strided_slice %get3A_351 {offsets = [0], sizes = [1], strides = [1]} : vector<16xi32> to vector<1xi32>
      %squeeze3A_353 = vector.extract %slice3A_352[0] : i32 from vector<1xi32>
      %jit3A_354 = arith.constant 128 : i32
      %div3A_355 = arith.divsi %squeeze3A_353, %jit3A_354 : i32
      %sign3A_356 = arith.constant 0 : i32
      %sign3A_357 = arith.cmpi sgt, %squeeze3A_353, %sign3A_356 : i32
      %sign3A_358 = arith.extui %sign3A_357 : i1 to i32
      %sign3A_359 = arith.constant 0 : i32
      %sign3A_360 = arith.cmpi slt, %squeeze3A_353, %sign3A_359 : i32
      %sign3A_361 = arith.extui %sign3A_360 : i1 to i32
      %sign3A_362 = arith.subi %sign3A_358, %sign3A_361 : i32
      %sign3A_363 = arith.constant 0 : i32
      %sign3A_364 = arith.cmpi sgt, %jit3A_354, %sign3A_363 : i32
      %sign3A_365 = arith.extui %sign3A_364 : i1 to i32
      %sign3A_366 = arith.constant 0 : i32
      %sign3A_367 = arith.cmpi slt, %jit3A_354, %sign3A_366 : i32
      %sign3A_368 = arith.extui %sign3A_367 : i1 to i32
      %sign3A_369 = arith.subi %sign3A_365, %sign3A_368 : i32
      %ne3A_370 = arith.cmpi ne, %sign3A_362, %sign3A_369 : i32
      %rem3A_371 = arith.remsi %squeeze3A_353, %jit3A_354 : i32
      %ne3A_372 = arith.constant 0 : i32
      %ne3A_373 = arith.cmpi ne, %rem3A_371, %ne3A_372 : i32
      %and3A_374 = arith.andi %ne3A_370, %ne3A_373 : i1
      %sub3A_375 = arith.constant 1 : i32
      %sub3A_376 = arith.subi %div3A_355, %sub3A_375 : i32
      %select_n3A_377 = arith.select %and3A_374, %sub3A_376, %div3A_355 : i32
      %mul3A_378 = arith.constant 128 : i32
      %mul3A_379 = arith.muli %select_n3A_377, %mul3A_378 : i32
      %multiple_of3A_380 = tpu.assume_multiple %mul3A_379, 128 : i32
      %dma_start3A_381 = arith.constant 0 : i32
      %dma_start3A_382 = arith.constant 0 : i32
      %dma_start3A_383 = arith.constant 0 : i32
      %dma_start3A_384 = tpu.memref_slice %arg11[%dma_start3A_381, %dma_start3A_382, %dma_start3A_383] : memref<8x64x128xf32, #tpu.memory_space<vmem>> -> memref<1x64x128xf32, #tpu.memory_space<vmem>>
      %dma_start3A_385 = tpu.memref_squeeze %dma_start3A_384 : memref<1x64x128xf32, #tpu.memory_space<vmem>> -> memref<64x128xf32, #tpu.memory_space<vmem>>
      %dma_start3A_386 = arith.constant 0 : i32
      %dma_start3A_387 = tpu.memref_slice %arg2[%dma_start3A_386, %multiple_of3A_380] : memref<64x1000000xf32, #tpu.memory_space<hbm>> -> memref<64x128xf32, #tpu.memory_space<hbm>>
      %dma_start3A_388 = arith.constant 0 : i32
      %dma_start3A_389 = arith.constant 0 : i32
      %dma_start3A_390 = tpu.memref_slice %arg11[%dma_start3A_381, %dma_start3A_388, %dma_start3A_389] : memref<8x64x128xf32, #tpu.memory_space<vmem>> -> memref<1x64x128xf32, #tpu.memory_space<vmem>>
      %dma_start3A_391 = tpu.memref_squeeze %dma_start3A_390 : memref<1x64x128xf32, #tpu.memory_space<vmem>> -> memref<64x128xf32, #tpu.memory_space<vmem>>
      %dma_start3A_392 = arith.constant 0 : i32
      %dma_start3A_393 = tpu.memref_slice %arg2[%dma_start3A_392, %multiple_of3A_380] : memref<64x1000000xf32, #tpu.memory_space<hbm>> -> memref<64x128xf32, #tpu.memory_space<hbm>>
      tpu.enqueue_dma source(%dma_start3A_393 : memref<64x128xf32, #tpu.memory_space<hbm>>) target(%dma_start3A_391 : memref<64x128xf32, #tpu.memory_space<vmem>>) target_semaphore(%arg18 : memref<!tpu.dma_semaphore, #tpu.memory_space<semaphore_mem>>)
      %dma_wait3A = arith.constant 0 : i32
      %dma_wait3A_394 = arith.constant 0 : i32
      %dma_wait3A_395 = arith.constant 0 : i32
      %dma_wait3A_396 = tpu.memref_slice %arg11[%dma_wait3A, %dma_wait3A_394, %dma_wait3A_395] : memref<8x64x128xf32, #tpu.memory_space<vmem>> -> memref<1x64x128xf32, #tpu.memory_space<vmem>>
      %dma_wait3A_397 = tpu.memref_squeeze %dma_wait3A_396 : memref<1x64x128xf32, #tpu.memory_space<vmem>> -> memref<64x128xf32, #tpu.memory_space<vmem>>
      %dma_wait3A_398 = arith.constant 0 : i32
      %dma_wait3A_399 = arith.constant 0 : i32
      %dma_wait3A_400 = tpu.memref_slice %arg2[%dma_wait3A_398, %dma_wait3A_399] : memref<64x1000000xf32, #tpu.memory_space<hbm>> -> memref<64x128xf32, #tpu.memory_space<hbm>>
      %dma_wait3A_401 = arith.constant 0 : i32
      %dma_wait3A_402 = arith.constant 0 : i32
      %dma_wait3A_403 = tpu.memref_slice %arg11[%dma_wait3A, %dma_wait3A_401, %dma_wait3A_402] : memref<8x64x128xf32, #tpu.memory_space<vmem>> -> memref<1x64x128xf32, #tpu.memory_space<vmem>>
      %dma_wait3A_404 = tpu.memref_squeeze %dma_wait3A_403 : memref<1x64x128xf32, #tpu.memory_space<vmem>> -> memref<64x128xf32, #tpu.memory_space<vmem>>
      %dma_wait3A_405 = arith.constant 0 : i32
      %dma_wait3A_406 = arith.constant 0 : i32
      %dma_wait3A_407 = tpu.memref_slice %arg2[%dma_wait3A_405, %dma_wait3A_406] : memref<64x1000000xf32, #tpu.memory_space<hbm>> -> memref<64x128xf32, #tpu.memory_space<hbm>>
      tpu.wait_dma2 semaphore(%arg18 : memref<!tpu.dma_semaphore, #tpu.memory_space<semaphore_mem>>) src(%dma_wait3A_407 : memref<64x128xf32, #tpu.memory_space<hbm>>) dst(%dma_wait3A_404 : memref<64x128xf32, #tpu.memory_space<vmem>>)
      %rem3A_408 = arith.constant 128 : i32
      %rem3A_409 = arith.remsi %squeeze3A_353, %rem3A_408 : i32
      %broadcast_in_dim3A = arith.constant 0 : i32
      %broadcast_in_dim3A_410 = vector.broadcast %broadcast_in_dim3A : i32 to vector<16xi32>
      %add3A_411 = vector.broadcast %rem3A_409 : i32 to vector<16xi32>
      %add3A_412 = arith.addi %broadcast_in_dim3A_410, %add3A_411 : vector<16xi32>
      %broadcast_in_dim3A_413 = arith.constant 0 : i32
      %broadcast_in_dim3A_414 = vector.broadcast %broadcast_in_dim3A_413 : i32 to vector<16xi32>
      %add3A_415 = arith.constant 0 : i32
      %add3A_416 = vector.broadcast %add3A_415 : i32 to vector<16xi32>
      %add3A_417 = arith.addi %broadcast_in_dim3A_414, %add3A_416 : vector<16xi32>
      %broadcast_in_dim3A_418 = arith.constant 0 : i32
      %broadcast_in_dim3A_419 = vector.broadcast %broadcast_in_dim3A_418 : i32 to vector<16xi32>
      %add3A_420 = arith.constant 0 : i32
      %add3A_421 = vector.broadcast %add3A_420 : i32 to vector<16xi32>
      %add3A_422 = arith.addi %broadcast_in_dim3A_419, %add3A_421 : vector<16xi32>
      %iota3A = tpu.iota {dimensions = array<i32: 0>} : vector<16xi32>
      %add3A_423 = arith.constant 0 : i32
      %add3A_424 = vector.broadcast %add3A_423 : i32 to vector<16xi32>
      %add3A_425 = arith.addi %iota3A, %add3A_424 : vector<16xi32>
      %gather3A = tpu.vector_load_idx %arg11[%add3A_417, %add3A_425, %add3A_412] : memref<8x64x128xf32, #tpu.memory_space<vmem>>[vector<16xi32>, vector<16xi32>, vector<16xi32>], vector<16xf32>,
      tpu.vector_store_idx %arg14[%add3A_425, %add3A_422], %gather3A : memref<64x8xf32, #tpu.memory_space<vmem>>[vector<16xi32>, vector<16xi32>], vector<16xf32>,
      %iota3A_426 = tpu.iota {dimensions = array<i32: 0>} : vector<16xi32>
      %add3A_427 = arith.constant 16 : i32
      %add3A_428 = vector.broadcast %add3A_427 : i32 to vector<16xi32>
      %add3A_429 = arith.addi %iota3A_426, %add3A_428 : vector<16xi32>
      %gather3A_430 = tpu.vector_load_idx %arg11[%add3A_417, %add3A_429, %add3A_412] : memref<8x64x128xf32, #tpu.memory_space<vmem>>[vector<16xi32>, vector<16xi32>, vector<16xi32>], vector<16xf32>,
      tpu.vector_store_idx %arg14[%add3A_429, %add3A_422], %gather3A_430 : memref<64x8xf32, #tpu.memory_space<vmem>>[vector<16xi32>, vector<16xi32>], vector<16xf32>,
      %iota3A_431 = tpu.iota {dimensions = array<i32: 0>} : vector<16xi32>
      %add3A_432 = arith.constant 32 : i32
      %add3A_433 = vector.broadcast %add3A_432 : i32 to vector<16xi32>
      %add3A_434 = arith.addi %iota3A_431, %add3A_433 : vector<16xi32>
      %gather3A_435 = tpu.vector_load_idx %arg11[%add3A_417, %add3A_434, %add3A_412] : memref<8x64x128xf32, #tpu.memory_space<vmem>>[vector<16xi32>, vector<16xi32>, vector<16xi32>], vector<16xf32>,
      tpu.vector_store_idx %arg14[%add3A_434, %add3A_422], %gather3A_435 : memref<64x8xf32, #tpu.memory_space<vmem>>[vector<16xi32>, vector<16xi32>], vector<16xf32>,
      %iota3A_436 = tpu.iota {dimensions = array<i32: 0>} : vector<16xi32>
      %add3A_437 = arith.constant 48 : i32
      %add3A_438 = vector.broadcast %add3A_437 : i32 to vector<16xi32>
      %add3A_439 = arith.addi %iota3A_436, %add3A_438 : vector<16xi32>
      %gather3A_440 = tpu.vector_load_idx %arg11[%add3A_417, %add3A_439, %add3A_412] : memref<8x64x128xf32, #tpu.memory_space<vmem>>[vector<16xi32>, vector<16xi32>, vector<16xi32>], vector<16xf32>,
      tpu.vector_store_idx %arg14[%add3A_439, %add3A_422], %gather3A_440 : memref<64x8xf32, #tpu.memory_space<vmem>>[vector<16xi32>, vector<16xi32>], vector<16xf32>,
      "tpu.region"() ({
        %run_scoped3A = tpu.sem_alloc : memref<!tpu.dma_semaphore, #tpu.memory_space<semaphore_mem>>
        %dma_start3A_536 = arith.constant 0 : i32
        %dma_start3A_537 = tpu.memref_slice %arg7[%dma_start3A_536] : memref<16xi32, #tpu.memory_space<hbm>> -> memref<16xi32, #tpu.memory_space<hbm>>
        %dma_start3A_538 = arith.constant 0 : i32
        %dma_start3A_539 = tpu.memref_slice %arg7[%dma_start3A_538] : memref<16xi32, #tpu.memory_space<hbm>> -> memref<16xi32, #tpu.memory_space<hbm>>
        tpu.enqueue_dma source(%dma_start3A_539 : memref<16xi32, #tpu.memory_space<hbm>>) target(%arg17 : memref<16xi32, #tpu.memory_space<vmem>>) target_semaphore(%run_scoped3A : memref<!tpu.dma_semaphore, #tpu.memory_space<semaphore_mem>>)
        %dma_wait3A_540 = arith.constant 0 : i32
        %dma_wait3A_541 = tpu.memref_slice %arg7[%dma_wait3A_540] : memref<16xi32, #tpu.memory_space<hbm>> -> memref<16xi32, #tpu.memory_space<hbm>>
        %dma_wait3A_542 = arith.constant 0 : i32
        %dma_wait3A_543 = tpu.memref_slice %arg7[%dma_wait3A_542] : memref<16xi32, #tpu.memory_space<hbm>> -> memref<16xi32, #tpu.memory_space<hbm>>
        tpu.wait_dma2 semaphore(%run_scoped3A : memref<!tpu.dma_semaphore, #tpu.memory_space<semaphore_mem>>) src(%dma_wait3A_543 : memref<16xi32, #tpu.memory_space<hbm>>) dst(%arg17 : memref<16xi32, #tpu.memory_space<vmem>>)
        tpu.yield
      }) : () -> ()
      %get3A_441 = arith.constant 0 : index
      %get3A_442 = tpu.vector_load %arg17[%get3A_441] {strides = array<i32>} : memref<16xi32, #tpu.memory_space<vmem>>, vector<16xi32>,
      %slice3A_443 = vector.extract_strided_slice %get3A_442 {offsets = [0], sizes = [1], strides = [1]} : vector<16xi32> to vector<1xi32>
      %squeeze3A_444 = vector.extract %slice3A_443[0] : i32 from vector<1xi32>
      %jit3A_445 = arith.constant 128 : i32
      %div3A_446 = arith.divsi %squeeze3A_444, %jit3A_445 : i32
      %sign3A_447 = arith.constant 0 : i32
      %sign3A_448 = arith.cmpi sgt, %squeeze3A_444, %sign3A_447 : i32
      %sign3A_449 = arith.extui %sign3A_448 : i1 to i32
      %sign3A_450 = arith.constant 0 : i32
      %sign3A_451 = arith.cmpi slt, %squeeze3A_444, %sign3A_450 : i32
      %sign3A_452 = arith.extui %sign3A_451 : i1 to i32
      %sign3A_453 = arith.subi %sign3A_449, %sign3A_452 : i32
      %sign3A_454 = arith.constant 0 : i32
      %sign3A_455 = arith.cmpi sgt, %jit3A_445, %sign3A_454 : i32
      %sign3A_456 = arith.extui %sign3A_455 : i1 to i32
      %sign3A_457 = arith.constant 0 : i32
      %sign3A_458 = arith.cmpi slt, %jit3A_445, %sign3A_457 : i32
      %sign3A_459 = arith.extui %sign3A_458 : i1 to i32
      %sign3A_460 = arith.subi %sign3A_456, %sign3A_459 : i32
      %ne3A_461 = arith.cmpi ne, %sign3A_453, %sign3A_460 : i32
      %rem3A_462 = arith.remsi %squeeze3A_444, %jit3A_445 : i32
      %ne3A_463 = arith.constant 0 : i32
      %ne3A_464 = arith.cmpi ne, %rem3A_462, %ne3A_463 : i32
      %and3A_465 = arith.andi %ne3A_461, %ne3A_464 : i1
      %sub3A_466 = arith.constant 1 : i32
      %sub3A_467 = arith.subi %div3A_446, %sub3A_466 : i32
      %select_n3A_468 = arith.select %and3A_465, %sub3A_467, %div3A_446 : i32
      %mul3A_469 = arith.constant 128 : i32
      %mul3A_470 = arith.muli %select_n3A_468, %mul3A_469 : i32
      %multiple_of3A_471 = tpu.assume_multiple %mul3A_470, 128 : i32
      %dma_start3A_472 = arith.constant 0 : i32
      %dma_start3A_473 = arith.constant 0 : i32
      %dma_start3A_474 = arith.constant 0 : i32
      %dma_start3A_475 = tpu.memref_slice %arg11[%dma_start3A_472, %dma_start3A_473, %dma_start3A_474] : memref<8x64x128xf32, #tpu.memory_space<vmem>> -> memref<1x64x128xf32, #tpu.memory_space<vmem>>
      %dma_start3A_476 = tpu.memref_squeeze %dma_start3A_475 : memref<1x64x128xf32, #tpu.memory_space<vmem>> -> memref<64x128xf32, #tpu.memory_space<vmem>>
      %dma_start3A_477 = arith.constant 0 : i32
      %dma_start3A_478 = tpu.memref_slice %arg3[%dma_start3A_477, %multiple_of3A_471] : memref<64x1000000xf32, #tpu.memory_space<hbm>> -> memref<64x128xf32, #tpu.memory_space<hbm>>
      %dma_start3A_479 = arith.constant 0 : i32
      %dma_start3A_480 = arith.constant 0 : i32
      %dma_start3A_481 = tpu.memref_slice %arg11[%dma_start3A_472, %dma_start3A_479, %dma_start3A_480] : memref<8x64x128xf32, #tpu.memory_space<vmem>> -> memref<1x64x128xf32, #tpu.memory_space<vmem>>
      %dma_start3A_482 = tpu.memref_squeeze %dma_start3A_481 : memref<1x64x128xf32, #tpu.memory_space<vmem>> -> memref<64x128xf32, #tpu.memory_space<vmem>>
      %dma_start3A_483 = arith.constant 0 : i32
      %dma_start3A_484 = tpu.memref_slice %arg3[%dma_start3A_483, %multiple_of3A_471] : memref<64x1000000xf32, #tpu.memory_space<hbm>> -> memref<64x128xf32, #tpu.memory_space<hbm>>
      tpu.enqueue_dma source(%dma_start3A_484 : memref<64x128xf32, #tpu.memory_space<hbm>>) target(%dma_start3A_482 : memref<64x128xf32, #tpu.memory_space<vmem>>) target_semaphore(%arg18 : memref<!tpu.dma_semaphore, #tpu.memory_space<semaphore_mem>>)
      %dma_wait3A_485 = arith.constant 0 : i32
      %dma_wait3A_486 = arith.constant 0 : i32
      %dma_wait3A_487 = arith.constant 0 : i32
      %dma_wait3A_488 = tpu.memref_slice %arg11[%dma_wait3A_485, %dma_wait3A_486, %dma_wait3A_487] : memref<8x64x128xf32, #tpu.memory_space<vmem>> -> memref<1x64x128xf32, #tpu.memory_space<vmem>>
      %dma_wait3A_489 = tpu.memref_squeeze %dma_wait3A_488 : memref<1x64x128xf32, #tpu.memory_space<vmem>> -> memref<64x128xf32, #tpu.memory_space<vmem>>
      %dma_wait3A_490 = arith.constant 0 : i32
      %dma_wait3A_491 = arith.constant 0 : i32
      %dma_wait3A_492 = tpu.memref_slice %arg3[%dma_wait3A_490, %dma_wait3A_491] : memref<64x1000000xf32, #tpu.memory_space<hbm>> -> memref<64x128xf32, #tpu.memory_space<hbm>>
      %dma_wait3A_493 = arith.constant 0 : i32
      %dma_wait3A_494 = arith.constant 0 : i32
      %dma_wait3A_495 = tpu.memref_slice %arg11[%dma_wait3A_485, %dma_wait3A_493, %dma_wait3A_494] : memref<8x64x128xf32, #tpu.memory_space<vmem>> -> memref<1x64x128xf32, #tpu.memory_space<vmem>>
      %dma_wait3A_496 = tpu.memref_squeeze %dma_wait3A_495 : memref<1x64x128xf32, #tpu.memory_space<vmem>> -> memref<64x128xf32, #tpu.memory_space<vmem>>
      %dma_wait3A_497 = arith.constant 0 : i32
      %dma_wait3A_498 = arith.constant 0 : i32
      %dma_wait3A_499 = tpu.memref_slice %arg3[%dma_wait3A_497, %dma_wait3A_498] : memref<64x1000000xf32, #tpu.memory_space<hbm>> -> memref<64x128xf32, #tpu.memory_space<hbm>>
      tpu.wait_dma2 semaphore(%arg18 : memref<!tpu.dma_semaphore, #tpu.memory_space<semaphore_mem>>) src(%dma_wait3A_499 : memref<64x128xf32, #tpu.memory_space<hbm>>) dst(%dma_wait3A_496 : memref<64x128xf32, #tpu.memory_space<vmem>>)
      %rem3A_500 = arith.constant 128 : i32
      %rem3A_501 = arith.remsi %squeeze3A_444, %rem3A_500 : i32
      %broadcast_in_dim3A_502 = arith.constant 0 : i32
      %broadcast_in_dim3A_503 = vector.broadcast %broadcast_in_dim3A_502 : i32 to vector<16xi32>
      %add3A_504 = vector.broadcast %rem3A_501 : i32 to vector<16xi32>
      %add3A_505 = arith.addi %broadcast_in_dim3A_503, %add3A_504 : vector<16xi32>
      %broadcast_in_dim3A_506 = arith.constant 0 : i32
      %broadcast_in_dim3A_507 = vector.broadcast %broadcast_in_dim3A_506 : i32 to vector<16xi32>
      %add3A_508 = arith.constant 0 : i32
      %add3A_509 = vector.broadcast %add3A_508 : i32 to vector<16xi32>
      %add3A_510 = arith.addi %broadcast_in_dim3A_507, %add3A_509 : vector<16xi32>
      %broadcast_in_dim3A_511 = arith.constant 0 : i32
      %broadcast_in_dim3A_512 = vector.broadcast %broadcast_in_dim3A_511 : i32 to vector<16xi32>
      %add3A_513 = arith.constant 1 : i32
      %add3A_514 = vector.broadcast %add3A_513 : i32 to vector<16xi32>
      %add3A_515 = arith.addi %broadcast_in_dim3A_512, %add3A_514 : vector<16xi32>
      %iota3A_516 = tpu.iota {dimensions = array<i32: 0>} : vector<16xi32>
      %add3A_517 = arith.constant 0 : i32
      %add3A_518 = vector.broadcast %add3A_517 : i32 to vector<16xi32>
      %add3A_519 = arith.addi %iota3A_516, %add3A_518 : vector<16xi32>
      %gather3A_520 = tpu.vector_load_idx %arg11[%add3A_510, %add3A_519, %add3A_505] : memref<8x64x128xf32, #tpu.memory_space<vmem>>[vector<16xi32>, vector<16xi32>, vector<16xi32>], vector<16xf32>,
      tpu.vector_store_idx %arg14[%add3A_519, %add3A_515], %gather3A_520 : memref<64x8xf32, #tpu.memory_space<vmem>>[vector<16xi32>, vector<16xi32>], vector<16xf32>,
      %iota3A_521 = tpu.iota {dimensions = array<i32: 0>} : vector<16xi32>
      %add3A_522 = arith.constant 16 : i32
      %add3A_523 = vector.broadcast %add3A_522 : i32 to vector<16xi32>
      %add3A_524 = arith.addi %iota3A_521, %add3A_523 : vector<16xi32>
      %gather3A_525 = tpu.vector_load_idx %arg11[%add3A_510, %add3A_524, %add3A_505] : memref<8x64x128xf32, #tpu.memory_space<vmem>>[vector<16xi32>, vector<16xi32>, vector<16xi32>], vector<16xf32>,
      tpu.vector_store_idx %arg14[%add3A_524, %add3A_515], %gather3A_525 : memref<64x8xf32, #tpu.memory_space<vmem>>[vector<16xi32>, vector<16xi32>], vector<16xf32>,
      %iota3A_526 = tpu.iota {dimensions = array<i32: 0>} : vector<16xi32>
      %add3A_527 = arith.constant 32 : i32
      %add3A_528 = vector.broadcast %add3A_527 : i32 to vector<16xi32>
      %add3A_529 = arith.addi %iota3A_526, %add3A_528 : vector<16xi32>
      %gather3A_530 = tpu.vector_load_idx %arg11[%add3A_510, %add3A_529, %add3A_505] : memref<8x64x128xf32, #tpu.memory_space<vmem>>[vector<16xi32>, vector<16xi32>, vector<16xi32>], vector<16xf32>,
      tpu.vector_store_idx %arg14[%add3A_529, %add3A_515], %gather3A_530 : memref<64x8xf32, #tpu.memory_space<vmem>>[vector<16xi32>, vector<16xi32>], vector<16xf32>,
      %iota3A_531 = tpu.iota {dimensions = array<i32: 0>} : vector<16xi32>
      %add3A_532 = arith.constant 48 : i32
      %add3A_533 = vector.broadcast %add3A_532 : i32 to vector<16xi32>
      %add3A_534 = arith.addi %iota3A_531, %add3A_533 : vector<16xi32>
      %gather3A_535 = tpu.vector_load_idx %arg11[%add3A_510, %add3A_534, %add3A_505] : memref<8x64x128xf32, #tpu.memory_space<vmem>>[vector<16xi32>, vector<16xi32>, vector<16xi32>], vector<16xf32>,
      tpu.vector_store_idx %arg14[%add3A_534, %add3A_515], %gather3A_535 : memref<64x8xf32, #tpu.memory_space<vmem>>[vector<16xi32>, vector<16xi32>], vector<16xf32>,
      "tpu.region"() ({
        %run_scoped3A = tpu.sem_alloc : memref<!tpu.dma_semaphore, #tpu.memory_space<semaphore_mem>>
        tpu.enqueue_dma source(%arg14 : memref<64x8xf32, #tpu.memory_space<vmem>>) target(%arg10 : memref<64x8xf32, #tpu.memory_space<hbm>>) target_semaphore(%run_scoped3A : memref<!tpu.dma_semaphore, #tpu.memory_space<semaphore_mem>>)
        tpu.wait_dma2 semaphore(%run_scoped3A : memref<!tpu.dma_semaphore, #tpu.memory_space<semaphore_mem>>) src(%arg14 : memref<64x8xf32, #tpu.memory_space<vmem>>) dst(%arg10 : memref<64x8xf32, #tpu.memory_space<hbm>>)
        tpu.yield
      }) : () -> ()
    } else {
    }
    return
  }
}

module attributes {stable_mosaic.version = 14 : i64} {
  func.func @_tc_body(%arg0: memref<64x4096xf32, #tpu.memory_space<vmem>>, %arg1: memref<64x4096xf32, #tpu.memory_space<vmem>>, %arg2: memref<64x8xf32, #tpu.memory_space<vmem>>, %arg3: memref<64x64xf32, #tpu.memory_space<vmem>>, %arg4: memref<64x8xf32, #tpu.memory_space<vmem>>, %arg5: memref<64x8xf32, #tpu.memory_space<vmem>>) attributes {dimension_semantics = [], scalar_prefetch = 0 : i64, scratch_operands = 0 : i64, tpu.core_type = #tpu.core_type<tc>} {
    %get3A = arith.constant 0 : index
    %get3A_0 = arith.constant 0 : index
    %get3A_1 = vector.load %arg3[%get3A, %get3A_0] : memref<64x64xf32, #tpu.memory_space<vmem>>, vector<64x64xf32>
    %get3A_2 = arith.constant 0 : index
    %get3A_3 = arith.constant 0 : index
    %get3A_4 = vector.load %arg4[%get3A_2, %get3A_3] : memref<64x8xf32, #tpu.memory_space<vmem>>, vector<64x1xf32>
    %iota3A = tpu.iota {dimensions = array<i32: 0>} : vector<64x64xi32>
    %jit3A = arith.constant 16 : i32
    %div3A = vector.broadcast %jit3A : i32 to vector<64x64xi32>
    %div3A_5 = arith.divsi %iota3A, %div3A : vector<64x64xi32>
    %sign3A = arith.constant 0 : i32
    %sign3A_6 = vector.broadcast %sign3A : i32 to vector<64x64xi32>
    %sign3A_7 = arith.cmpi sgt, %iota3A, %sign3A_6 : vector<64x64xi32>
    %sign3A_8 = arith.extui %sign3A_7 : vector<64x64xi1> to vector<64x64xi32>
    %sign3A_9 = arith.constant 0 : i32
    %sign3A_10 = vector.broadcast %sign3A_9 : i32 to vector<64x64xi32>
    %sign3A_11 = arith.cmpi slt, %iota3A, %sign3A_10 : vector<64x64xi32>
    %sign3A_12 = arith.extui %sign3A_11 : vector<64x64xi1> to vector<64x64xi32>
    %sign3A_13 = arith.subi %sign3A_8, %sign3A_12 : vector<64x64xi32>
    %sign3A_14 = arith.constant 0 : i32
    %sign3A_15 = arith.cmpi sgt, %jit3A, %sign3A_14 : i32
    %sign3A_16 = arith.extui %sign3A_15 : i1 to i32
    %sign3A_17 = arith.constant 0 : i32
    %sign3A_18 = arith.cmpi slt, %jit3A, %sign3A_17 : i32
    %sign3A_19 = arith.extui %sign3A_18 : i1 to i32
    %sign3A_20 = arith.subi %sign3A_16, %sign3A_19 : i32
    %ne3A = vector.broadcast %sign3A_20 : i32 to vector<64x64xi32>
    %ne3A_21 = arith.cmpi ne, %sign3A_13, %ne3A : vector<64x64xi32>
    %rem3A = vector.broadcast %jit3A : i32 to vector<64x64xi32>
    %rem3A_22 = arith.remsi %iota3A, %rem3A : vector<64x64xi32>
    %ne3A_23 = arith.constant 0 : i32
    %ne3A_24 = vector.broadcast %ne3A_23 : i32 to vector<64x64xi32>
    %ne3A_25 = arith.cmpi ne, %rem3A_22, %ne3A_24 : vector<64x64xi32>
    %and3A = arith.andi %ne3A_21, %ne3A_25 : vector<64x64xi1>
    %sub3A = arith.constant 1 : i32
    %sub3A_26 = vector.broadcast %sub3A : i32 to vector<64x64xi32>
    %sub3A_27 = arith.subi %div3A_5, %sub3A_26 : vector<64x64xi32>
    %select_n3A = arith.select %and3A, %sub3A_27, %div3A_5 : vector<64x64xi1>, vector<64x64xi32>
    %iota3A_28 = tpu.iota {dimensions = array<i32: 1>} : vector<64x64xi32>
    %jit3A_29 = arith.constant 16 : i32
    %div3A_30 = vector.broadcast %jit3A_29 : i32 to vector<64x64xi32>
    %div3A_31 = arith.divsi %iota3A_28, %div3A_30 : vector<64x64xi32>
    %sign3A_32 = arith.constant 0 : i32
    %sign3A_33 = vector.broadcast %sign3A_32 : i32 to vector<64x64xi32>
    %sign3A_34 = arith.cmpi sgt, %iota3A_28, %sign3A_33 : vector<64x64xi32>
    %sign3A_35 = arith.extui %sign3A_34 : vector<64x64xi1> to vector<64x64xi32>
    %sign3A_36 = arith.constant 0 : i32
    %sign3A_37 = vector.broadcast %sign3A_36 : i32 to vector<64x64xi32>
    %sign3A_38 = arith.cmpi slt, %iota3A_28, %sign3A_37 : vector<64x64xi32>
    %sign3A_39 = arith.extui %sign3A_38 : vector<64x64xi1> to vector<64x64xi32>
    %sign3A_40 = arith.subi %sign3A_35, %sign3A_39 : vector<64x64xi32>
    %sign3A_41 = arith.constant 0 : i32
    %sign3A_42 = arith.cmpi sgt, %jit3A_29, %sign3A_41 : i32
    %sign3A_43 = arith.extui %sign3A_42 : i1 to i32
    %sign3A_44 = arith.constant 0 : i32
    %sign3A_45 = arith.cmpi slt, %jit3A_29, %sign3A_44 : i32
    %sign3A_46 = arith.extui %sign3A_45 : i1 to i32
    %sign3A_47 = arith.subi %sign3A_43, %sign3A_46 : i32
    %ne3A_48 = vector.broadcast %sign3A_47 : i32 to vector<64x64xi32>
    %ne3A_49 = arith.cmpi ne, %sign3A_40, %ne3A_48 : vector<64x64xi32>
    %rem3A_50 = vector.broadcast %jit3A_29 : i32 to vector<64x64xi32>
    %rem3A_51 = arith.remsi %iota3A_28, %rem3A_50 : vector<64x64xi32>
    %ne3A_52 = arith.constant 0 : i32
    %ne3A_53 = vector.broadcast %ne3A_52 : i32 to vector<64x64xi32>
    %ne3A_54 = arith.cmpi ne, %rem3A_51, %ne3A_53 : vector<64x64xi32>
    %and3A_55 = arith.andi %ne3A_49, %ne3A_54 : vector<64x64xi1>
    %sub3A_56 = arith.constant 1 : i32
    %sub3A_57 = vector.broadcast %sub3A_56 : i32 to vector<64x64xi32>
    %sub3A_58 = arith.subi %div3A_31, %sub3A_57 : vector<64x64xi32>
    %select_n3A_59 = arith.select %and3A_55, %sub3A_58, %div3A_31 : vector<64x64xi1>, vector<64x64xi32>
    %eq3A = arith.cmpi eq, %select_n3A, %select_n3A_59 : vector<64x64xi32>
    %convert_element_type3A = arith.extui %eq3A : vector<64x64xi1> to vector<64x64xi32>
    %convert_element_type3A_60 = arith.sitofp %convert_element_type3A : vector<64x64xi32> to vector<64x64xf32>
    %iota3A_61 = tpu.iota {dimensions = array<i32: 0>} : vector<4x64xi32>
    %iota3A_62 = tpu.iota {dimensions = array<i32: 1>} : vector<4x64xi32>
    %jit3A_63 = arith.constant 16 : i32
    %div3A_64 = vector.broadcast %jit3A_63 : i32 to vector<4x64xi32>
    %div3A_65 = arith.divsi %iota3A_62, %div3A_64 : vector<4x64xi32>
    %sign3A_66 = arith.constant 0 : i32
    %sign3A_67 = vector.broadcast %sign3A_66 : i32 to vector<4x64xi32>
    %sign3A_68 = arith.cmpi sgt, %iota3A_62, %sign3A_67 : vector<4x64xi32>
    %sign3A_69 = arith.extui %sign3A_68 : vector<4x64xi1> to vector<4x64xi32>
    %sign3A_70 = arith.constant 0 : i32
    %sign3A_71 = vector.broadcast %sign3A_70 : i32 to vector<4x64xi32>
    %sign3A_72 = arith.cmpi slt, %iota3A_62, %sign3A_71 : vector<4x64xi32>
    %sign3A_73 = arith.extui %sign3A_72 : vector<4x64xi1> to vector<4x64xi32>
    %sign3A_74 = arith.subi %sign3A_69, %sign3A_73 : vector<4x64xi32>
    %sign3A_75 = arith.constant 0 : i32
    %sign3A_76 = arith.cmpi sgt, %jit3A_63, %sign3A_75 : i32
    %sign3A_77 = arith.extui %sign3A_76 : i1 to i32
    %sign3A_78 = arith.constant 0 : i32
    %sign3A_79 = arith.cmpi slt, %jit3A_63, %sign3A_78 : i32
    %sign3A_80 = arith.extui %sign3A_79 : i1 to i32
    %sign3A_81 = arith.subi %sign3A_77, %sign3A_80 : i32
    %ne3A_82 = vector.broadcast %sign3A_81 : i32 to vector<4x64xi32>
    %ne3A_83 = arith.cmpi ne, %sign3A_74, %ne3A_82 : vector<4x64xi32>
    %rem3A_84 = vector.broadcast %jit3A_63 : i32 to vector<4x64xi32>
    %rem3A_85 = arith.remsi %iota3A_62, %rem3A_84 : vector<4x64xi32>
    %ne3A_86 = arith.constant 0 : i32
    %ne3A_87 = vector.broadcast %ne3A_86 : i32 to vector<4x64xi32>
    %ne3A_88 = arith.cmpi ne, %rem3A_85, %ne3A_87 : vector<4x64xi32>
    %and3A_89 = arith.andi %ne3A_83, %ne3A_88 : vector<4x64xi1>
    %sub3A_90 = arith.constant 1 : i32
    %sub3A_91 = vector.broadcast %sub3A_90 : i32 to vector<4x64xi32>
    %sub3A_92 = arith.subi %div3A_65, %sub3A_91 : vector<4x64xi32>
    %select_n3A_93 = arith.select %and3A_89, %sub3A_92, %div3A_65 : vector<4x64xi1>, vector<4x64xi32>
    %eq3A_94 = arith.cmpi eq, %iota3A_61, %select_n3A_93 : vector<4x64xi32>
    %convert_element_type3A_95 = arith.extui %eq3A_94 : vector<4x64xi1> to vector<4x64xi32>
    %convert_element_type3A_96 = arith.sitofp %convert_element_type3A_95 : vector<4x64xi32> to vector<4x64xf32>
    %iota3A_97 = tpu.iota {dimensions = array<i32: 0>} : vector<64x4xi32>
    %jit3A_98 = arith.constant 16 : i32
    %div3A_99 = vector.broadcast %jit3A_98 : i32 to vector<64x4xi32>
    %div3A_100 = arith.divsi %iota3A_97, %div3A_99 : vector<64x4xi32>
    %sign3A_101 = arith.constant 0 : i32
    %sign3A_102 = vector.broadcast %sign3A_101 : i32 to vector<64x4xi32>
    %sign3A_103 = arith.cmpi sgt, %iota3A_97, %sign3A_102 : vector<64x4xi32>
    %sign3A_104 = arith.extui %sign3A_103 : vector<64x4xi1> to vector<64x4xi32>
    %sign3A_105 = arith.constant 0 : i32
    %sign3A_106 = vector.broadcast %sign3A_105 : i32 to vector<64x4xi32>
    %sign3A_107 = arith.cmpi slt, %iota3A_97, %sign3A_106 : vector<64x4xi32>
    %sign3A_108 = arith.extui %sign3A_107 : vector<64x4xi1> to vector<64x4xi32>
    %sign3A_109 = arith.subi %sign3A_104, %sign3A_108 : vector<64x4xi32>
    %sign3A_110 = arith.constant 0 : i32
    %sign3A_111 = arith.cmpi sgt, %jit3A_98, %sign3A_110 : i32
    %sign3A_112 = arith.extui %sign3A_111 : i1 to i32
    %sign3A_113 = arith.constant 0 : i32
    %sign3A_114 = arith.cmpi slt, %jit3A_98, %sign3A_113 : i32
    %sign3A_115 = arith.extui %sign3A_114 : i1 to i32
    %sign3A_116 = arith.subi %sign3A_112, %sign3A_115 : i32
    %ne3A_117 = vector.broadcast %sign3A_116 : i32 to vector<64x4xi32>
    %ne3A_118 = arith.cmpi ne, %sign3A_109, %ne3A_117 : vector<64x4xi32>
    %rem3A_119 = vector.broadcast %jit3A_98 : i32 to vector<64x4xi32>
    %rem3A_120 = arith.remsi %iota3A_97, %rem3A_119 : vector<64x4xi32>
    %ne3A_121 = arith.constant 0 : i32
    %ne3A_122 = vector.broadcast %ne3A_121 : i32 to vector<64x4xi32>
    %ne3A_123 = arith.cmpi ne, %rem3A_120, %ne3A_122 : vector<64x4xi32>
    %and3A_124 = arith.andi %ne3A_118, %ne3A_123 : vector<64x4xi1>
    %sub3A_125 = arith.constant 1 : i32
    %sub3A_126 = vector.broadcast %sub3A_125 : i32 to vector<64x4xi32>
    %sub3A_127 = arith.subi %div3A_100, %sub3A_126 : vector<64x4xi32>
    %select_n3A_128 = arith.select %and3A_124, %sub3A_127, %div3A_100 : vector<64x4xi1>, vector<64x4xi32>
    %iota3A_129 = tpu.iota {dimensions = array<i32: 1>} : vector<64x4xi32>
    %eq3A_130 = arith.cmpi eq, %select_n3A_128, %iota3A_129 : vector<64x4xi32>
    %convert_element_type3A_131 = arith.extui %eq3A_130 : vector<64x4xi1> to vector<64x4xi32>
    %convert_element_type3A_132 = arith.sitofp %convert_element_type3A_131 : vector<64x4xi32> to vector<64x4xf32>
    %get3A_133 = arith.constant 0 : index
    %get3A_134 = arith.constant 0 : index
    %get3A_135 = vector.load %arg0[%get3A_133, %get3A_134] : memref<64x4096xf32, #tpu.memory_space<vmem>>, vector<64x4096xf32>
    %dot_general3A = arith.constant dense<0.000000e+00> : vector<64x4096xf32>
    %dot_general3A_136 = tpu.matmul %get3A_1, %get3A_135, %dot_general3A {dimension_numbers = #tpu.dot_dimension_numbers<[1], [0], [0], [1], [0, 0, 1, 1], [], []>, transpose_lhs_hint = false} : vector<64x64xf32>, vector<64x4096xf32>, vector<64x4096xf32> -> vector<64x4096xf32>
    %add3A = vector.broadcast %get3A_4 : vector<64x1xf32> to vector<64x4096xf32>
    %add3A_137 = arith.addf %dot_general3A_136, %add3A : vector<64x4096xf32>
    %max3A = arith.constant 0.000000e+00 : f32
    %max3A_138 = vector.broadcast %max3A : f32 to vector<64x4096xf32>
    %max3A_139 = arith.maximumf %add3A_137, %max3A_138 : vector<64x4096xf32>
    %mul3A = arith.mulf %max3A_139, %max3A_139 : vector<64x4096xf32>
    %dot_general3A_140 = arith.constant dense<0.000000e+00> : vector<64x4096xf32>
    %dot_general3A_141 = tpu.matmul %convert_element_type3A_60, %mul3A, %dot_general3A_140 {dimension_numbers = #tpu.dot_dimension_numbers<[1], [0], [0], [1], [0, 0, 1, 1], [], []>, transpose_lhs_hint = false} : vector<64x64xf32>, vector<64x4096xf32>, vector<64x4096xf32> -> vector<64x4096xf32>
    %sqrt3A = math.sqrt %dot_general3A_141 : vector<64x4096xf32>
    %add3A_142 = arith.constant 9.99999996E-13 : f32
    %add3A_143 = vector.broadcast %add3A_142 : f32 to vector<64x4096xf32>
    %add3A_144 = arith.addf %sqrt3A, %add3A_143 : vector<64x4096xf32>
    %div3A_145 = arith.divf %max3A_139, %add3A_144 : vector<64x4096xf32>
    %get3A_146 = arith.constant 0 : index
    %get3A_147 = arith.constant 0 : index
    %get3A_148 = vector.load %arg1[%get3A_146, %get3A_147] : memref<64x4096xf32, #tpu.memory_space<vmem>>, vector<64x4096xf32>
    %dot_general3A_149 = arith.constant dense<0.000000e+00> : vector<64x4096xf32>
    %dot_general3A_150 = tpu.matmul %get3A_1, %get3A_148, %dot_general3A_149 {dimension_numbers = #tpu.dot_dimension_numbers<[1], [0], [0], [1], [0, 0, 1, 1], [], []>, transpose_lhs_hint = false} : vector<64x64xf32>, vector<64x4096xf32>, vector<64x4096xf32> -> vector<64x4096xf32>
    %add3A_151 = vector.broadcast %get3A_4 : vector<64x1xf32> to vector<64x4096xf32>
    %add3A_152 = arith.addf %dot_general3A_150, %add3A_151 : vector<64x4096xf32>
    %max3A_153 = arith.constant 0.000000e+00 : f32
    %max3A_154 = vector.broadcast %max3A_153 : f32 to vector<64x4096xf32>
    %max3A_155 = arith.maximumf %add3A_152, %max3A_154 : vector<64x4096xf32>
    %mul3A_156 = arith.mulf %max3A_155, %max3A_155 : vector<64x4096xf32>
    %dot_general3A_157 = arith.constant dense<0.000000e+00> : vector<64x4096xf32>
    %dot_general3A_158 = tpu.matmul %convert_element_type3A_60, %mul3A_156, %dot_general3A_157 {dimension_numbers = #tpu.dot_dimension_numbers<[1], [0], [0], [1], [0, 0, 1, 1], [], []>, transpose_lhs_hint = false} : vector<64x64xf32>, vector<64x4096xf32>, vector<64x4096xf32> -> vector<64x4096xf32>
    %sqrt3A_159 = math.sqrt %dot_general3A_158 : vector<64x4096xf32>
    %add3A_160 = arith.constant 9.99999996E-13 : f32
    %add3A_161 = vector.broadcast %add3A_160 : f32 to vector<64x4096xf32>
    %add3A_162 = arith.addf %sqrt3A_159, %add3A_161 : vector<64x4096xf32>
    %div3A_163 = arith.divf %max3A_155, %add3A_162 : vector<64x4096xf32>
    %get3A_164 = arith.constant 0 : index
    %get3A_165 = arith.constant 0 : index
    %get3A_166 = vector.load %arg2[%get3A_164, %get3A_165] : memref<64x8xf32, #tpu.memory_space<vmem>>, vector<64x8xf32>
    %dot_general3A_167 = arith.constant dense<0.000000e+00> : vector<64x8xf32>
    %dot_general3A_168 = tpu.matmul %get3A_1, %get3A_166, %dot_general3A_167 {dimension_numbers = #tpu.dot_dimension_numbers<[1], [0], [0], [1], [0, 0, 1, 1], [], []>, transpose_lhs_hint = false} : vector<64x64xf32>, vector<64x8xf32>, vector<64x8xf32> -> vector<64x8xf32>
    %add3A_169 = vector.broadcast %get3A_4 : vector<64x1xf32> to vector<64x8xf32>
    %add3A_170 = arith.addf %dot_general3A_168, %add3A_169 : vector<64x8xf32>
    %max3A_171 = arith.constant 0.000000e+00 : f32
    %max3A_172 = vector.broadcast %max3A_171 : f32 to vector<64x8xf32>
    %max3A_173 = arith.maximumf %add3A_170, %max3A_172 : vector<64x8xf32>
    %mul3A_174 = arith.mulf %max3A_173, %max3A_173 : vector<64x8xf32>
    %dot_general3A_175 = arith.constant dense<0.000000e+00> : vector<64x8xf32>
    %dot_general3A_176 = tpu.matmul %convert_element_type3A_60, %mul3A_174, %dot_general3A_175 {dimension_numbers = #tpu.dot_dimension_numbers<[1], [0], [0], [1], [0, 0, 1, 1], [], []>, transpose_lhs_hint = false} : vector<64x64xf32>, vector<64x8xf32>, vector<64x8xf32> -> vector<64x8xf32>
    %sqrt3A_177 = math.sqrt %dot_general3A_176 : vector<64x8xf32>
    %add3A_178 = arith.constant 9.99999996E-13 : f32
    %add3A_179 = vector.broadcast %add3A_178 : f32 to vector<64x8xf32>
    %add3A_180 = arith.addf %sqrt3A_177, %add3A_179 : vector<64x8xf32>
    %div3A_181 = arith.divf %max3A_173, %add3A_180 : vector<64x8xf32>
    %slice3A = vector.extract_strided_slice %div3A_181 {offsets = [0, 0], sizes = [64, 1], strides = [1, 1]} : vector<64x8xf32> to vector<64x1xf32>
    %slice3A_182 = vector.extract_strided_slice %div3A_181 {offsets = [0, 1], sizes = [64, 1], strides = [1, 1]} : vector<64x8xf32> to vector<64x1xf32>
    %mul3A_183 = vector.broadcast %slice3A : vector<64x1xf32> to vector<64x4096xf32>
    %mul3A_184 = arith.mulf %div3A_145, %mul3A_183 : vector<64x4096xf32>
    %dot_general3A_185 = arith.constant dense<0.000000e+00> : vector<4x4096xf32>
    %dot_general3A_186 = tpu.matmul %convert_element_type3A_96, %mul3A_184, %dot_general3A_185 {dimension_numbers = #tpu.dot_dimension_numbers<[1], [0], [0], [1], [0, 0, 1, 1], [], []>, transpose_lhs_hint = false} : vector<4x64xf32>, vector<64x4096xf32>, vector<4x4096xf32> -> vector<4x4096xf32>
    %mul3A_187 = arith.constant 1.000000e+01 : f32
    %mul3A_188 = vector.broadcast %mul3A_187 : f32 to vector<4x4096xf32>
    %mul3A_189 = arith.mulf %dot_general3A_186, %mul3A_188 : vector<4x4096xf32>
    %reduce_max3A = arith.constant dense<0xFF800000> : vector<4096xf32>
    %reduce_max3A_190 = vector.multi_reduction <maximumf>, %mul3A_189, %reduce_max3A [0] : vector<4x4096xf32> to vector<4096xf32>
    %broadcast_in_dim3A = vector.shape_cast %reduce_max3A_190 : vector<4096xf32> to vector<1x4096xf32>
    %sub3A_191 = vector.broadcast %broadcast_in_dim3A : vector<1x4096xf32> to vector<4x4096xf32>
    %sub3A_192 = arith.subf %mul3A_189, %sub3A_191 : vector<4x4096xf32>
    %exp3A = math.exp %sub3A_192 : vector<4x4096xf32>
    %reduce_sum3A = arith.constant dense<0.000000e+00> : vector<4096xf32>
    %reduce_sum3A_193 = vector.multi_reduction <add>, %exp3A, %reduce_sum3A [0] : vector<4x4096xf32> to vector<4096xf32>
    %broadcast_in_dim3A_194 = vector.shape_cast %reduce_sum3A_193 : vector<4096xf32> to vector<1x4096xf32>
    %div3A_195 = vector.broadcast %broadcast_in_dim3A_194 : vector<1x4096xf32> to vector<4x4096xf32>
    %div3A_196 = arith.divf %exp3A, %div3A_195 : vector<4x4096xf32>
    %dot_general3A_197 = arith.constant dense<0.000000e+00> : vector<64x4096xf32>
    %dot_general3A_198 = tpu.matmul %convert_element_type3A_132, %div3A_196, %dot_general3A_197 {dimension_numbers = #tpu.dot_dimension_numbers<[1], [0], [0], [1], [0, 0, 1, 1], [], []>, transpose_lhs_hint = false} : vector<64x4xf32>, vector<4x4096xf32>, vector<64x4096xf32> -> vector<64x4096xf32>
    %mul3A_199 = arith.mulf %dot_general3A_198, %div3A_145 : vector<64x4096xf32>
    %reduce_sum3A_200 = arith.constant dense<0.000000e+00> : vector<64xf32>
    %reduce_sum3A_201 = vector.multi_reduction <add>, %mul3A_199, %reduce_sum3A_200 [1] : vector<64x4096xf32> to vector<64xf32>
    %broadcast_in_dim3A_202 = vector.shape_cast %reduce_sum3A_201 : vector<64xf32> to vector<64x1xf32>
    %add3A_203 = arith.addf %slice3A, %broadcast_in_dim3A_202 : vector<64x1xf32>
    %mul3A_204 = arith.mulf %add3A_203, %add3A_203 : vector<64x1xf32>
    %dot_general3A_205 = arith.constant dense<0.000000e+00> : vector<64x1xf32>
    %dot_general3A_206 = tpu.matmul %convert_element_type3A_60, %mul3A_204, %dot_general3A_205 {dimension_numbers = #tpu.dot_dimension_numbers<[1], [0], [0], [1], [0, 0, 1, 1], [], []>, transpose_lhs_hint = false} : vector<64x64xf32>, vector<64x1xf32>, vector<64x1xf32> -> vector<64x1xf32>
    %sqrt3A_207 = math.sqrt %dot_general3A_206 : vector<64x1xf32>
    %add3A_208 = arith.constant 9.99999996E-13 : f32
    %add3A_209 = vector.broadcast %add3A_208 : f32 to vector<64x1xf32>
    %add3A_210 = arith.addf %sqrt3A_207, %add3A_209 : vector<64x1xf32>
    %div3A_211 = arith.divf %add3A_203, %add3A_210 : vector<64x1xf32>
    %mul3A_212 = vector.broadcast %slice3A_182 : vector<64x1xf32> to vector<64x4096xf32>
    %mul3A_213 = arith.mulf %div3A_163, %mul3A_212 : vector<64x4096xf32>
    %dot_general3A_214 = arith.constant dense<0.000000e+00> : vector<4x4096xf32>
    %dot_general3A_215 = tpu.matmul %convert_element_type3A_96, %mul3A_213, %dot_general3A_214 {dimension_numbers = #tpu.dot_dimension_numbers<[1], [0], [0], [1], [0, 0, 1, 1], [], []>, transpose_lhs_hint = false} : vector<4x64xf32>, vector<64x4096xf32>, vector<4x4096xf32> -> vector<4x4096xf32>
    %mul3A_216 = arith.constant 1.000000e+01 : f32
    %mul3A_217 = vector.broadcast %mul3A_216 : f32 to vector<4x4096xf32>
    %mul3A_218 = arith.mulf %dot_general3A_215, %mul3A_217 : vector<4x4096xf32>
    %reduce_max3A_219 = arith.constant dense<0xFF800000> : vector<4096xf32>
    %reduce_max3A_220 = vector.multi_reduction <maximumf>, %mul3A_218, %reduce_max3A_219 [0] : vector<4x4096xf32> to vector<4096xf32>
    %broadcast_in_dim3A_221 = vector.shape_cast %reduce_max3A_220 : vector<4096xf32> to vector<1x4096xf32>
    %sub3A_222 = vector.broadcast %broadcast_in_dim3A_221 : vector<1x4096xf32> to vector<4x4096xf32>
    %sub3A_223 = arith.subf %mul3A_218, %sub3A_222 : vector<4x4096xf32>
    %exp3A_224 = math.exp %sub3A_223 : vector<4x4096xf32>
    %reduce_sum3A_225 = arith.constant dense<0.000000e+00> : vector<4096xf32>
    %reduce_sum3A_226 = vector.multi_reduction <add>, %exp3A_224, %reduce_sum3A_225 [0] : vector<4x4096xf32> to vector<4096xf32>
    %broadcast_in_dim3A_227 = vector.shape_cast %reduce_sum3A_226 : vector<4096xf32> to vector<1x4096xf32>
    %div3A_228 = vector.broadcast %broadcast_in_dim3A_227 : vector<1x4096xf32> to vector<4x4096xf32>
    %div3A_229 = arith.divf %exp3A_224, %div3A_228 : vector<4x4096xf32>
    %dot_general3A_230 = arith.constant dense<0.000000e+00> : vector<64x4096xf32>
    %dot_general3A_231 = tpu.matmul %convert_element_type3A_132, %div3A_229, %dot_general3A_230 {dimension_numbers = #tpu.dot_dimension_numbers<[1], [0], [0], [1], [0, 0, 1, 1], [], []>, transpose_lhs_hint = false} : vector<64x4xf32>, vector<4x4096xf32>, vector<64x4096xf32> -> vector<64x4096xf32>
    %mul3A_232 = arith.mulf %dot_general3A_231, %div3A_163 : vector<64x4096xf32>
    %reduce_sum3A_233 = arith.constant dense<0.000000e+00> : vector<64xf32>
    %reduce_sum3A_234 = vector.multi_reduction <add>, %mul3A_232, %reduce_sum3A_233 [1] : vector<64x4096xf32> to vector<64xf32>
    %broadcast_in_dim3A_235 = vector.shape_cast %reduce_sum3A_234 : vector<64xf32> to vector<64x1xf32>
    %add3A_236 = arith.addf %slice3A_182, %broadcast_in_dim3A_235 : vector<64x1xf32>
    %mul3A_237 = arith.mulf %add3A_236, %add3A_236 : vector<64x1xf32>
    %dot_general3A_238 = arith.constant dense<0.000000e+00> : vector<64x1xf32>
    %dot_general3A_239 = tpu.matmul %convert_element_type3A_60, %mul3A_237, %dot_general3A_238 {dimension_numbers = #tpu.dot_dimension_numbers<[1], [0], [0], [1], [0, 0, 1, 1], [], []>, transpose_lhs_hint = false} : vector<64x64xf32>, vector<64x1xf32>, vector<64x1xf32> -> vector<64x1xf32>
    %sqrt3A_240 = math.sqrt %dot_general3A_239 : vector<64x1xf32>
    %add3A_241 = arith.constant 9.99999996E-13 : f32
    %add3A_242 = vector.broadcast %add3A_241 : f32 to vector<64x1xf32>
    %add3A_243 = arith.addf %sqrt3A_240, %add3A_242 : vector<64x1xf32>
    %div3A_244 = arith.divf %add3A_236, %add3A_243 : vector<64x1xf32>
    %mul3A_245 = vector.broadcast %div3A_211 : vector<64x1xf32> to vector<64x4096xf32>
    %mul3A_246 = arith.mulf %div3A_145, %mul3A_245 : vector<64x4096xf32>
    %dot_general3A_247 = arith.constant dense<0.000000e+00> : vector<4x4096xf32>
    %dot_general3A_248 = tpu.matmul %convert_element_type3A_96, %mul3A_246, %dot_general3A_247 {dimension_numbers = #tpu.dot_dimension_numbers<[1], [0], [0], [1], [0, 0, 1, 1], [], []>, transpose_lhs_hint = false} : vector<4x64xf32>, vector<64x4096xf32>, vector<4x4096xf32> -> vector<4x4096xf32>
    %mul3A_249 = arith.constant 1.000000e+01 : f32
    %mul3A_250 = vector.broadcast %mul3A_249 : f32 to vector<4x4096xf32>
    %mul3A_251 = arith.mulf %dot_general3A_248, %mul3A_250 : vector<4x4096xf32>
    %reduce_max3A_252 = arith.constant dense<0xFF800000> : vector<4096xf32>
    %reduce_max3A_253 = vector.multi_reduction <maximumf>, %mul3A_251, %reduce_max3A_252 [0] : vector<4x4096xf32> to vector<4096xf32>
    %broadcast_in_dim3A_254 = vector.shape_cast %reduce_max3A_253 : vector<4096xf32> to vector<1x4096xf32>
    %sub3A_255 = vector.broadcast %broadcast_in_dim3A_254 : vector<1x4096xf32> to vector<4x4096xf32>
    %sub3A_256 = arith.subf %mul3A_251, %sub3A_255 : vector<4x4096xf32>
    %exp3A_257 = math.exp %sub3A_256 : vector<4x4096xf32>
    %reduce_sum3A_258 = arith.constant dense<0.000000e+00> : vector<4096xf32>
    %reduce_sum3A_259 = vector.multi_reduction <add>, %exp3A_257, %reduce_sum3A_258 [0] : vector<4x4096xf32> to vector<4096xf32>
    %broadcast_in_dim3A_260 = vector.shape_cast %reduce_sum3A_259 : vector<4096xf32> to vector<1x4096xf32>
    %div3A_261 = vector.broadcast %broadcast_in_dim3A_260 : vector<1x4096xf32> to vector<4x4096xf32>
    %div3A_262 = arith.divf %exp3A_257, %div3A_261 : vector<4x4096xf32>
    %dot_general3A_263 = arith.constant dense<0.000000e+00> : vector<64x4096xf32>
    %dot_general3A_264 = tpu.matmul %convert_element_type3A_132, %div3A_262, %dot_general3A_263 {dimension_numbers = #tpu.dot_dimension_numbers<[1], [0], [0], [1], [0, 0, 1, 1], [], []>, transpose_lhs_hint = false} : vector<64x4xf32>, vector<4x4096xf32>, vector<64x4096xf32> -> vector<64x4096xf32>
    %mul3A_265 = arith.mulf %dot_general3A_264, %div3A_145 : vector<64x4096xf32>
    %reduce_sum3A_266 = arith.constant dense<0.000000e+00> : vector<64xf32>
    %reduce_sum3A_267 = vector.multi_reduction <add>, %mul3A_265, %reduce_sum3A_266 [1] : vector<64x4096xf32> to vector<64xf32>
    %broadcast_in_dim3A_268 = vector.shape_cast %reduce_sum3A_267 : vector<64xf32> to vector<64x1xf32>
    %add3A_269 = arith.addf %div3A_211, %broadcast_in_dim3A_268 : vector<64x1xf32>
    %mul3A_270 = arith.mulf %add3A_269, %add3A_269 : vector<64x1xf32>
    %dot_general3A_271 = arith.constant dense<0.000000e+00> : vector<64x1xf32>
    %dot_general3A_272 = tpu.matmul %convert_element_type3A_60, %mul3A_270, %dot_general3A_271 {dimension_numbers = #tpu.dot_dimension_numbers<[1], [0], [0], [1], [0, 0, 1, 1], [], []>, transpose_lhs_hint = false} : vector<64x64xf32>, vector<64x1xf32>, vector<64x1xf32> -> vector<64x1xf32>
    %sqrt3A_273 = math.sqrt %dot_general3A_272 : vector<64x1xf32>
    %add3A_274 = arith.constant 9.99999996E-13 : f32
    %add3A_275 = vector.broadcast %add3A_274 : f32 to vector<64x1xf32>
    %add3A_276 = arith.addf %sqrt3A_273, %add3A_275 : vector<64x1xf32>
    %div3A_277 = arith.divf %add3A_269, %add3A_276 : vector<64x1xf32>
    %mul3A_278 = vector.broadcast %div3A_244 : vector<64x1xf32> to vector<64x4096xf32>
    %mul3A_279 = arith.mulf %div3A_163, %mul3A_278 : vector<64x4096xf32>
    %dot_general3A_280 = arith.constant dense<0.000000e+00> : vector<4x4096xf32>
    %dot_general3A_281 = tpu.matmul %convert_element_type3A_96, %mul3A_279, %dot_general3A_280 {dimension_numbers = #tpu.dot_dimension_numbers<[1], [0], [0], [1], [0, 0, 1, 1], [], []>, transpose_lhs_hint = false} : vector<4x64xf32>, vector<64x4096xf32>, vector<4x4096xf32> -> vector<4x4096xf32>
    %mul3A_282 = arith.constant 1.000000e+01 : f32
    %mul3A_283 = vector.broadcast %mul3A_282 : f32 to vector<4x4096xf32>
    %mul3A_284 = arith.mulf %dot_general3A_281, %mul3A_283 : vector<4x4096xf32>
    %reduce_max3A_285 = arith.constant dense<0xFF800000> : vector<4096xf32>
    %reduce_max3A_286 = vector.multi_reduction <maximumf>, %mul3A_284, %reduce_max3A_285 [0] : vector<4x4096xf32> to vector<4096xf32>
    %broadcast_in_dim3A_287 = vector.shape_cast %reduce_max3A_286 : vector<4096xf32> to vector<1x4096xf32>
    %sub3A_288 = vector.broadcast %broadcast_in_dim3A_287 : vector<1x4096xf32> to vector<4x4096xf32>
    %sub3A_289 = arith.subf %mul3A_284, %sub3A_288 : vector<4x4096xf32>
    %exp3A_290 = math.exp %sub3A_289 : vector<4x4096xf32>
    %reduce_sum3A_291 = arith.constant dense<0.000000e+00> : vector<4096xf32>
    %reduce_sum3A_292 = vector.multi_reduction <add>, %exp3A_290, %reduce_sum3A_291 [0] : vector<4x4096xf32> to vector<4096xf32>
    %broadcast_in_dim3A_293 = vector.shape_cast %reduce_sum3A_292 : vector<4096xf32> to vector<1x4096xf32>
    %div3A_294 = vector.broadcast %broadcast_in_dim3A_293 : vector<1x4096xf32> to vector<4x4096xf32>
    %div3A_295 = arith.divf %exp3A_290, %div3A_294 : vector<4x4096xf32>
    %dot_general3A_296 = arith.constant dense<0.000000e+00> : vector<64x4096xf32>
    %dot_general3A_297 = tpu.matmul %convert_element_type3A_132, %div3A_295, %dot_general3A_296 {dimension_numbers = #tpu.dot_dimension_numbers<[1], [0], [0], [1], [0, 0, 1, 1], [], []>, transpose_lhs_hint = false} : vector<64x4xf32>, vector<4x4096xf32>, vector<64x4096xf32> -> vector<64x4096xf32>
    %mul3A_298 = arith.mulf %dot_general3A_297, %div3A_163 : vector<64x4096xf32>
    %reduce_sum3A_299 = arith.constant dense<0.000000e+00> : vector<64xf32>
    %reduce_sum3A_300 = vector.multi_reduction <add>, %mul3A_298, %reduce_sum3A_299 [1] : vector<64x4096xf32> to vector<64xf32>
    %broadcast_in_dim3A_301 = vector.shape_cast %reduce_sum3A_300 : vector<64xf32> to vector<64x1xf32>
    %add3A_302 = arith.addf %div3A_244, %broadcast_in_dim3A_301 : vector<64x1xf32>
    %mul3A_303 = arith.mulf %add3A_302, %add3A_302 : vector<64x1xf32>
    %dot_general3A_304 = arith.constant dense<0.000000e+00> : vector<64x1xf32>
    %dot_general3A_305 = tpu.matmul %convert_element_type3A_60, %mul3A_303, %dot_general3A_304 {dimension_numbers = #tpu.dot_dimension_numbers<[1], [0], [0], [1], [0, 0, 1, 1], [], []>, transpose_lhs_hint = false} : vector<64x64xf32>, vector<64x1xf32>, vector<64x1xf32> -> vector<64x1xf32>
    %sqrt3A_306 = math.sqrt %dot_general3A_305 : vector<64x1xf32>
    %add3A_307 = arith.constant 9.99999996E-13 : f32
    %add3A_308 = vector.broadcast %add3A_307 : f32 to vector<64x1xf32>
    %add3A_309 = arith.addf %sqrt3A_306, %add3A_308 : vector<64x1xf32>
    %div3A_310 = arith.divf %add3A_302, %add3A_309 : vector<64x1xf32>
    %mul3A_311 = vector.broadcast %div3A_277 : vector<64x1xf32> to vector<64x4096xf32>
    %mul3A_312 = arith.mulf %div3A_145, %mul3A_311 : vector<64x4096xf32>
    %dot_general3A_313 = arith.constant dense<0.000000e+00> : vector<4x4096xf32>
    %dot_general3A_314 = tpu.matmul %convert_element_type3A_96, %mul3A_312, %dot_general3A_313 {dimension_numbers = #tpu.dot_dimension_numbers<[1], [0], [0], [1], [0, 0, 1, 1], [], []>, transpose_lhs_hint = false} : vector<4x64xf32>, vector<64x4096xf32>, vector<4x4096xf32> -> vector<4x4096xf32>
    %mul3A_315 = arith.constant 1.000000e+01 : f32
    %mul3A_316 = vector.broadcast %mul3A_315 : f32 to vector<4x4096xf32>
    %mul3A_317 = arith.mulf %dot_general3A_314, %mul3A_316 : vector<4x4096xf32>
    %reduce_max3A_318 = arith.constant dense<0xFF800000> : vector<4096xf32>
    %reduce_max3A_319 = vector.multi_reduction <maximumf>, %mul3A_317, %reduce_max3A_318 [0] : vector<4x4096xf32> to vector<4096xf32>
    %broadcast_in_dim3A_320 = vector.shape_cast %reduce_max3A_319 : vector<4096xf32> to vector<1x4096xf32>
    %sub3A_321 = vector.broadcast %broadcast_in_dim3A_320 : vector<1x4096xf32> to vector<4x4096xf32>
    %sub3A_322 = arith.subf %mul3A_317, %sub3A_321 : vector<4x4096xf32>
    %exp3A_323 = math.exp %sub3A_322 : vector<4x4096xf32>
    %reduce_sum3A_324 = arith.constant dense<0.000000e+00> : vector<4096xf32>
    %reduce_sum3A_325 = vector.multi_reduction <add>, %exp3A_323, %reduce_sum3A_324 [0] : vector<4x4096xf32> to vector<4096xf32>
    %broadcast_in_dim3A_326 = vector.shape_cast %reduce_sum3A_325 : vector<4096xf32> to vector<1x4096xf32>
    %div3A_327 = vector.broadcast %broadcast_in_dim3A_326 : vector<1x4096xf32> to vector<4x4096xf32>
    %div3A_328 = arith.divf %exp3A_323, %div3A_327 : vector<4x4096xf32>
    %dot_general3A_329 = arith.constant dense<0.000000e+00> : vector<64x4096xf32>
    %dot_general3A_330 = tpu.matmul %convert_element_type3A_132, %div3A_328, %dot_general3A_329 {dimension_numbers = #tpu.dot_dimension_numbers<[1], [0], [0], [1], [0, 0, 1, 1], [], []>, transpose_lhs_hint = false} : vector<64x4xf32>, vector<4x4096xf32>, vector<64x4096xf32> -> vector<64x4096xf32>
    %mul3A_331 = arith.mulf %dot_general3A_330, %div3A_145 : vector<64x4096xf32>
    %reduce_sum3A_332 = arith.constant dense<0.000000e+00> : vector<64xf32>
    %reduce_sum3A_333 = vector.multi_reduction <add>, %mul3A_331, %reduce_sum3A_332 [1] : vector<64x4096xf32> to vector<64xf32>
    %broadcast_in_dim3A_334 = vector.shape_cast %reduce_sum3A_333 : vector<64xf32> to vector<64x1xf32>
    %add3A_335 = arith.addf %div3A_277, %broadcast_in_dim3A_334 : vector<64x1xf32>
    %mul3A_336 = arith.mulf %add3A_335, %add3A_335 : vector<64x1xf32>
    %dot_general3A_337 = arith.constant dense<0.000000e+00> : vector<64x1xf32>
    %dot_general3A_338 = tpu.matmul %convert_element_type3A_60, %mul3A_336, %dot_general3A_337 {dimension_numbers = #tpu.dot_dimension_numbers<[1], [0], [0], [1], [0, 0, 1, 1], [], []>, transpose_lhs_hint = false} : vector<64x64xf32>, vector<64x1xf32>, vector<64x1xf32> -> vector<64x1xf32>
    %sqrt3A_339 = math.sqrt %dot_general3A_338 : vector<64x1xf32>
    %add3A_340 = arith.constant 9.99999996E-13 : f32
    %add3A_341 = vector.broadcast %add3A_340 : f32 to vector<64x1xf32>
    %add3A_342 = arith.addf %sqrt3A_339, %add3A_341 : vector<64x1xf32>
    %div3A_343 = arith.divf %add3A_335, %add3A_342 : vector<64x1xf32>
    %mul3A_344 = vector.broadcast %div3A_310 : vector<64x1xf32> to vector<64x4096xf32>
    %mul3A_345 = arith.mulf %div3A_163, %mul3A_344 : vector<64x4096xf32>
    %dot_general3A_346 = arith.constant dense<0.000000e+00> : vector<4x4096xf32>
    %dot_general3A_347 = tpu.matmul %convert_element_type3A_96, %mul3A_345, %dot_general3A_346 {dimension_numbers = #tpu.dot_dimension_numbers<[1], [0], [0], [1], [0, 0, 1, 1], [], []>, transpose_lhs_hint = false} : vector<4x64xf32>, vector<64x4096xf32>, vector<4x4096xf32> -> vector<4x4096xf32>
    %mul3A_348 = arith.constant 1.000000e+01 : f32
    %mul3A_349 = vector.broadcast %mul3A_348 : f32 to vector<4x4096xf32>
    %mul3A_350 = arith.mulf %dot_general3A_347, %mul3A_349 : vector<4x4096xf32>
    %reduce_max3A_351 = arith.constant dense<0xFF800000> : vector<4096xf32>
    %reduce_max3A_352 = vector.multi_reduction <maximumf>, %mul3A_350, %reduce_max3A_351 [0] : vector<4x4096xf32> to vector<4096xf32>
    %broadcast_in_dim3A_353 = vector.shape_cast %reduce_max3A_352 : vector<4096xf32> to vector<1x4096xf32>
    %sub3A_354 = vector.broadcast %broadcast_in_dim3A_353 : vector<1x4096xf32> to vector<4x4096xf32>
    %sub3A_355 = arith.subf %mul3A_350, %sub3A_354 : vector<4x4096xf32>
    %exp3A_356 = math.exp %sub3A_355 : vector<4x4096xf32>
    %reduce_sum3A_357 = arith.constant dense<0.000000e+00> : vector<4096xf32>
    %reduce_sum3A_358 = vector.multi_reduction <add>, %exp3A_356, %reduce_sum3A_357 [0] : vector<4x4096xf32> to vector<4096xf32>
    %broadcast_in_dim3A_359 = vector.shape_cast %reduce_sum3A_358 : vector<4096xf32> to vector<1x4096xf32>
    %div3A_360 = vector.broadcast %broadcast_in_dim3A_359 : vector<1x4096xf32> to vector<4x4096xf32>
    %div3A_361 = arith.divf %exp3A_356, %div3A_360 : vector<4x4096xf32>
    %dot_general3A_362 = arith.constant dense<0.000000e+00> : vector<64x4096xf32>
    %dot_general3A_363 = tpu.matmul %convert_element_type3A_132, %div3A_361, %dot_general3A_362 {dimension_numbers = #tpu.dot_dimension_numbers<[1], [0], [0], [1], [0, 0, 1, 1], [], []>, transpose_lhs_hint = false} : vector<64x4xf32>, vector<4x4096xf32>, vector<64x4096xf32> -> vector<64x4096xf32>
    %mul3A_364 = arith.mulf %dot_general3A_363, %div3A_163 : vector<64x4096xf32>
    %reduce_sum3A_365 = arith.constant dense<0.000000e+00> : vector<64xf32>
    %reduce_sum3A_366 = vector.multi_reduction <add>, %mul3A_364, %reduce_sum3A_365 [1] : vector<64x4096xf32> to vector<64xf32>
    %broadcast_in_dim3A_367 = vector.shape_cast %reduce_sum3A_366 : vector<64xf32> to vector<64x1xf32>
    %add3A_368 = arith.addf %div3A_310, %broadcast_in_dim3A_367 : vector<64x1xf32>
    %mul3A_369 = arith.mulf %add3A_368, %add3A_368 : vector<64x1xf32>
    %dot_general3A_370 = arith.constant dense<0.000000e+00> : vector<64x1xf32>
    %dot_general3A_371 = tpu.matmul %convert_element_type3A_60, %mul3A_369, %dot_general3A_370 {dimension_numbers = #tpu.dot_dimension_numbers<[1], [0], [0], [1], [0, 0, 1, 1], [], []>, transpose_lhs_hint = false} : vector<64x64xf32>, vector<64x1xf32>, vector<64x1xf32> -> vector<64x1xf32>
    %sqrt3A_372 = math.sqrt %dot_general3A_371 : vector<64x1xf32>
    %add3A_373 = arith.constant 9.99999996E-13 : f32
    %add3A_374 = vector.broadcast %add3A_373 : f32 to vector<64x1xf32>
    %add3A_375 = arith.addf %sqrt3A_372, %add3A_374 : vector<64x1xf32>
    %div3A_376 = arith.divf %add3A_368, %add3A_375 : vector<64x1xf32>
    %mul3A_377 = arith.mulf %div3A_343, %div3A_376 : vector<64x1xf32>
    %reduce_sum3A_378 = vector.shape_cast %mul3A_377 : vector<64x1xf32> to vector<1x64x1xf32>
    %reduce_sum3A_379 = arith.constant dense<0.000000e+00> : vector<1xf32>
    %reduce_sum3A_380 = vector.multi_reduction <add>, %reduce_sum3A_378, %reduce_sum3A_379 [1, 2] : vector<1x64x1xf32> to vector<1xf32>
    %reduce_sum3A_381 = vector.shape_cast %reduce_sum3A_380 : vector<1xf32> to vector<1x1x1xf32>
    %reduce_sum3A_382 = vector.extract %reduce_sum3A_381[0, 0, 0] : f32 from vector<1x1x1xf32>
    %swap3A = arith.constant 0 : index
    %swap3A_383 = arith.constant 0 : index
    %swap3A_384 = vector.load %arg5[%swap3A, %swap3A_383] : memref<64x8xf32, #tpu.memory_space<vmem>>, vector<64x1xf32>
    tpu.vector_store %arg5[%swap3A, %swap3A_383], %div3A_343 {strides = array<i32>} : memref<64x8xf32, #tpu.memory_space<vmem>>, vector<64x1xf32>,
    %swap3A_385 = arith.constant 0 : index
    %swap3A_386 = arith.constant 1 : index
    %swap3A_387 = vector.load %arg5[%swap3A_385, %swap3A_386] : memref<64x8xf32, #tpu.memory_space<vmem>>, vector<64x1xf32>
    tpu.vector_store %arg5[%swap3A_385, %swap3A_386], %div3A_376 {strides = array<i32>} : memref<64x8xf32, #tpu.memory_space<vmem>>, vector<64x1xf32>,
    %broadcast_in_dim3A_388 = arith.constant 0.000000e+00 : f32
    %broadcast_in_dim3A_389 = vector.broadcast %broadcast_in_dim3A_388 : f32 to vector<64x1xf32>
    %add3A_390 = vector.broadcast %reduce_sum3A_382 : f32 to vector<64x1xf32>
    %add3A_391 = arith.addf %broadcast_in_dim3A_389, %add3A_390 : vector<64x1xf32>
    %swap3A_392 = arith.constant 0 : index
    %swap3A_393 = arith.constant 2 : index
    %swap3A_394 = vector.load %arg5[%swap3A_392, %swap3A_393] : memref<64x8xf32, #tpu.memory_space<vmem>>, vector<64x1xf32>
    tpu.vector_store %arg5[%swap3A_392, %swap3A_393], %add3A_391 {strides = array<i32>} : memref<64x8xf32, #tpu.memory_space<vmem>>, vector<64x1xf32>,
    %broadcast_in_dim3A_395 = arith.constant 0.000000e+00 : f32
    %broadcast_in_dim3A_396 = vector.broadcast %broadcast_in_dim3A_395 : f32 to vector<64x5xf32>
    %swap3A_397 = arith.constant 0 : index
    %swap3A_398 = arith.constant 3 : index
    %swap3A_399 = vector.load %arg5[%swap3A_397, %swap3A_398] : memref<64x8xf32, #tpu.memory_space<vmem>>, vector<64x5xf32>
    tpu.vector_store %arg5[%swap3A_397, %swap3A_398], %broadcast_in_dim3A_396 {strides = array<i32>} : memref<64x8xf32, #tpu.memory_space<vmem>>, vector<64x5xf32>,
    return
  }
}

</mosaic_0001>

<sc_bundles>
// kernel: kernel.4.cloned.1.call-start
scs
__scs_entry_jumppad:
0x0: {  	(pc) =	sbr.rel $0x88, $3  }
0x1: {  	(tag) =	ssettag $0x0;
	lr =	simm.s32 $0x1  }
0x2: {  	[smem:$0x3F99] =	sst lr;
	_ =	strace $0xD0000000  }
0x3: {  	_ = 	snop  }
0x4: {  	_ = 	snop  }
0x5: {  	_ = 	snop  }
0x6: {  	_ = 	snop  }
0x7: {  	_ = 	snop  }
__scs_overlays_trampoline_lowered:
0x8: {  	[smem:$0x3FA8] =	sst s0  }
0x9: {  	[smem:$0x3FA9] =	sst s1  }
0xa: {  	[smem:$0x3FAA] =	sst s2  }
0xb: {  	[smem:$0x3FAB] =	sst s3  }
0xc: {  	[smem:$0x3FAC] =	sst s4  }
0xd: {  	[smem:$0x3FAD] =	sst s5  }
0xe: {  	[smem:$0x3FAE] =	sst s6  }
0xf: {  	[smem:$0x3FAF] =	sst s7  }
0x10: {  	[smem:$0x3FB0] =	sst s8  }
0x11: {  	[smem:$0x3FB1] =	sst s9;
	s0 =	simm.s32 @!p0 $0x0  }
0x12: {  	s1 =	sld [smem:$0x3F97];
	s0 =	simm.s32 @p0 $0x1  }
0x13: {  	[smem:$0x3FB2] =	sst s0;
	s0 =	simm.s32 @!p1 $0x0  }
0x14: {  	s2 =	sld [smem:$0x3F96];
	s0 =	simm.s32 @p1 $0x1  }
0x15: {  	[smem:$0x3FB3] =	sst s0;
	s0 =	simm.s32 @!p2 $0x0  }
0x16: {  	s3 =	sld [smem:$0x3FDB];
	s0 =	simm.s32 @p2 $0x1  }
0x17: {  	s4 =	simm.s32 $0x1BF5;
	[smem:$0x3FB5] =	sst s0  }
0x18: {  	s0 =	sld [smem:$0x3F98];
	_ =	swait.ge [sflag:s4], $0x0  }
0x19: {  	s7 =	sld [smem:$0x3F99]  }
0x1a: {  	s8 =	sadd.s32 $0xFFFFE003, lr  }
0x1b: {  	s9 =	sadd.s32 $0xFFFFFEF7, lr;
	s5 =	simm.s32 $0xFFFFFFFF;
	p2 =	slt.u32 s8, $0xFFFFF086  }
0x1c: {  	p1 =	slt.u32 s9, $0xF7A;
	s5 =	simm.s32 @!p2 $0x0  }
0x1d: {  	s5 =	simm.s32 @p1 $0x1;
	p0 =	seq.s32 s7, s2  }
0x1e: {  	s7 =	smul.u32 @!p0 $0xF7A, s2;
	p2 =	seq.s32 @!p0 s5, $0x0  }
0x1f: {  	s9 =	smul.u32 $0xF7A, s1;
	s8 =	simm.s32 @!p0 $0x1BF5;
	p2 =	por !p2, p0  }
0x20: {  	[sflag:s8] =	ssyncset.s32 @!p0 $0xFFFFF086;
	s6 =	sadd.s32 @!p0 s3, s7;
	s7 =	simm.s32 @!p0 $0x108  }
0x21: {  	s3 =	sadd.s32 s3, s9;
	s6 =	sadd.s32 @!p0 $0x88, s6;
	s7 =	simm.s32 @p2 $0x1082  }
0x22: {  	[simem:s7], [sflag:s8] =	dma.local @!p0 [hbm:s6], $0xF7A  }
0x23: {  	s9 =	sor.u32 $0xD0000000, s2;
	s6 =	simm.s32 $0x108;
	_ =	swait.ge @!p0 [sflag:s8], $0x0  }
0x24: {  	s3 =	sadd.s32 $0x88, s3;
	s6 =	simm.s32 @!p1 $0x1082;
	[sflag:s4] =	ssyncset.s32 $0xFFFFF086  }
0x25: {  	[simem:s6], [sflag:s4] =	dma.local [hbm:s3], $0xF7A  }
0x26: {  	[smem:$0x3F99] =	sst s1;
	(tag) =	ssettag s2;
	_ =	strace s9  }
0x27: {  	s1 =	sld [smem:$0x3FA9]  }
0x28: {  	s2 =	sld [smem:$0x3FAA]  }
0x29: {  	s4 =	sld [smem:$0x3FAC]  }
0x2a: {  	p0 =	seq.s32 s5, $0x0;
	s5 =	sld [smem:$0x3FAD]  }
0x2b: {  	s6 =	sld [smem:$0x3FAE]  }
0x2c: {  	s7 =	sld [smem:$0x3FAF]  }
0x2d: {  	s3 =	simm.s32 $0x108;
	s8 =	sld [smem:$0x3FB0]  }
0x2e: {  	s3 =	simm.s32 @!p0 $0x1082;
	s9 =	sld [smem:$0x3FB1]  }
0x2f: {  	lr =	sadd.s32 s0, s3;
	s0 =	sld [smem:$0x3FA8]  }
0x30: {  	s3 =	sld [smem:$0x3FAB]  }
0x31: {  	[smem:$0x3FB4] =	sst s10  }
0x32: {  	s10 =	sld [smem:$0x3FB2];
	_ =	sdelay $0x3  }
0x33: {  	p0 =	seq.s32 s10, $0x1;
	s10 =	sld [smem:$0x3FB4];
	_ =	sdelay $0x3  }
0x34: {  	[smem:$0x3FB4] =	sst s10  }
0x35: {  	s10 =	sld [smem:$0x3FB3];
	_ =	sdelay $0x3  }
0x36: {  	p1 =	seq.s32 s10, $0x1;
	s10 =	sld [smem:$0x3FB4];
	_ =	sdelay $0x3  }
0x37: {  	[smem:$0x3FB4] =	sst s10  }
0x38: {  	s10 =	sld [smem:$0x3FB5]  }
0x39: {  	_ = 	snop;
	(pc) =	sbr.ind lr, $3  }
0x3a: {  	_ = 	snop  }
0x3b: {  	_ = 	snop  }
0x3c: {  	p2 =	seq.s32 s10, $0x1;
	s10 =	sld [smem:$0x3FB4]  }
0x3d: {  	_ =	shalt  }
0x3e: {  	_ =	shalt  }
0x3f: {  	_ =	shalt  }
0x40: {  	_ =	shalt  }
0x41: {  	_ =	shalt  }
0x42: {  	_ =	shalt  }
0x43: {  	_ =	shalt  }
0x44: {  	_ =	shalt  }
0x45: {  	_ =	shalt  }
0x46: {  	_ =	shalt  }
0x47: {  	_ =	shalt  }
0x48: {  	_ =	shalt  }
0x49: {  	_ =	shalt  }
0x4a: {  	_ =	shalt  }
0x4b: {  	_ =	shalt  }
0x4c: {  	_ =	shalt  }
0x4d: {  	_ =	shalt  }
0x4e: {  	_ =	shalt  }
0x4f: {  	_ =	shalt  }
0x50: {  	_ =	shalt  }
0x51: {  	_ =	shalt  }
0x52: {  	_ =	shalt  }
0x53: {  	_ =	shalt  }
0x54: {  	_ =	shalt  }
0x55: {  	_ =	shalt  }
0x56: {  	_ =	shalt  }
0x57: {  	_ =	shalt  }
0x58: {  	_ =	shalt  }
0x59: {  	_ =	shalt  }
0x5a: {  	_ =	shalt  }
0x5b: {  	_ =	shalt  }
0x5c: {  	_ =	shalt  }
0x5d: {  	_ =	shalt  }
0x5e: {  	_ =	shalt  }
0x5f: {  	_ =	shalt  }
0x60: {  	_ =	shalt  }
0x61: {  	_ =	shalt  }
0x62: {  	_ =	shalt  }
0x63: {  	_ =	shalt  }
0x64: {  	_ =	shalt  }
0x65: {  	_ =	shalt  }
0x66: {  	_ =	shalt  }
0x67: {  	_ =	shalt  }
0x68: {  	_ =	shalt  }
0x69: {  	_ =	shalt  }
0x6a: {  	_ =	shalt  }
0x6b: {  	_ =	shalt  }
0x6c: {  	_ =	shalt  }
0x6d: {  	_ =	shalt  }
0x6e: {  	_ =	shalt  }
0x6f: {  	_ =	shalt  }
0x70: {  	_ =	shalt  }
0x71: {  	_ =	shalt  }
0x72: {  	_ =	shalt  }
0x73: {  	_ =	shalt  }
0x74: {  	_ =	shalt  }
0x75: {  	_ =	shalt  }
0x76: {  	_ =	shalt  }
0x77: {  	_ =	shalt  }
0x78: {  	_ =	shalt  }
0x79: {  	_ =	shalt  }
0x7a: {  	_ =	shalt  }
0x7b: {  	_ =	shalt  }
0x7c: {  	_ =	shalt  }
0x7d: {  	_ =	shalt  }
0x7e: {  	_ =	shalt  }
0x7f: {  	_ =	shalt  }
0x80: {  	_ =	shalt  }
0x81: {  	_ =	shalt  }
0x82: {  	_ =	shalt  }
0x83: {  	_ =	shalt  }
0x84: {  	_ =	shalt  }
0x85: {  	_ =	shalt  }
0x86: {  	_ =	shalt  }
0x87: {  	_ =	shalt  }
.Lfunc_end0:
.L_simem_size_0:
called_computation_lowered:
.L_overlay_start_0:
0x88: {  	s2 =	sld [smem:$0x3FD9]  }
0x89: {  	s3 =	sld [smem:$0x3FFE];
	_ =	sdelay $0x1  }
0x8a: {  	s1 =	srdreg.scid  }
0x8b: {  	s0 =	sand.u32 $0x1, s1  }
0x8c: {  	s14 =	sshll.u32 s0, $0xA;
	s2 =	sadd.s32 s3, s2  }
0x8d: {  	s2 =	sadd.s32 s2, s14  }
0x8e: {  	[smem:$0x3FC0] =	sst s2  }
0x8f: {  	_ = 	snop  }
0x90: {  	s2 =	sld [smem:$0x3FC9]  }
0x91: {  	s15 =	sld [smem:$0x3FD0]  }
0x92: {  	s4 =	sld [smem:$0x3FC8]  }
0x93: {  	s5 =	sld [smem:$0x3FC3]  }
0x94: {  	s7 =	simm.s32 $0xA;
	s8 =	simm.s32 $0x10;
	s6 =	sld [smem:$0x3FC2]  }
0x95: {  	[smem:s8], [sflag:s7] =	dma.local [hbm:s15], $0x1  }
0x96: {  	_ =	swait.eq [sflag:s7], $0x1  }
0x97: {  	[sflag:s7] =	ssyncset.done $0x0  }
0x98: {  	s16 =	sld [smem:$0x11];
	[sflag:s7] =	ssyncadd.s32 $0xFFFFFFFF  }
0x99: {  	s17 =	sld [smem:$0x12];
	(tm) =	ssettm $0x1  }
0x9a: {  	s18 =	sld [smem:$0x3FFB];
	_ =	sdelay $0x3  }
0x9b: {  	_ =	strace s18  }
0x9c: {  	s8 =	sld [smem:$0x3FFC];
	_ =	sdelay $0x3  }
0x9d: {  	_ =	strace s8  }
0x9e: {  	s8 =	sld [smem:$0x3FFD];
	_ =	sdelay $0x3  }
0x9f: {  	_ =	strace s8  }
0xa0: {  	_ =	strace $0x8FFFFFFF  }
0xa1: {  	s19 =	sld [smem:$0x3FDB];
	_ =	sdelay $0x1  }
0xa2: {  	s9 =	simm.s32 $_scs_section_size  }
0xa3: {  	s10 =	simm.s32 $_size__tile_overlayer_lowered;
	s11 =	simm.s32 $_tile_overlayer_lowered  }
0xa4: {  	s22 =	simm.s32 $0x1BFF;
	s21 =	sshll.u32 s11, $0x1;
	s8 =	sadd.s32 s9, s19  }
0xa5: {  	s12 =	simm.s32 $0x0;
	s20 =	sshll.u32 s10, $0x1;
	s10 =	sadd.s32 s21, s8  }
0xa6: {  	[timem:s12], [sflag:s22] =	dma.local [hbm:s10], s20  }
0xa7: {  	_ =	swait.ge [sflag:s22], s20  }
0xa8: {  	s9 =	ssub.s32 $0x0, s20;
	[sflag:s22] =	ssyncset.done $0x0  }
0xa9: {  	[sflag:s22] =	ssyncadd.s32 s9;
	_ =	sdelay $0x1  }
0xaa: {  	s23 =	simm.s32 $0x1B8B  }
0xab: {  	_ =	swait.ge [sflag:s23], $0x1  }
0xac: {  	[sflag:s23] =	ssyncset.done $0x0  }
0xad: {  	s25 =	simm.s32 $0x1B8E;
	s24 =	sld [smem:$0x3FFE];
	[sflag:s23] =	ssyncadd.s32 $0xFFFFFFFF  }
0xae: {  	s26 =	simm.s32 $execute0_lowered;
	[smem:$0x3FD2] =	sst s25  }
0xaf: {  	s10 =	sshll.u32 s26, $0x1;
	_ =	strace $0x80000046;
	[dreg:$0x1] =	wrdreg $0xFFFFFFFF  }
0xb0: {  	s28 =	simm.s32 $_size_execute0_lowered;
	s8 =	sadd.s32 s8, s10;
	[dreg:$0x0] =	wrdreg $0x0  }
0xb1: {  	s10 =	sshll.u32 s28, $0x1;
	[dreg:$0x2] =	wrdreg s8  }
0xb2: {  	[dreg:$0x3] =	wrdreg s10  }
0xb3: {  	[dreg:$0x4] =	wrdreg $0xC0  }
0xb4: {  	_ =	task [dreg:s12], $0x5FFFF  }
0xb5: {  	[dreg:$0x1] =	wrdreg $0xFFFFFFFF  }
0xb6: {  	[dreg:$0x0] =	wrdreg $0x60  }
0xb7: {  	[dreg:$0x2] =	wrdreg s2  }
0xb8: {  	[dreg:$0x3] =	wrdreg s4  }
0xb9: {  	[dreg:$0x4] =	wrdreg s5  }
0xba: {  	[dreg:$0x5] =	wrdreg s6  }
0xbb: {  	[dreg:$0x6] =	wrdreg s16  }
0xbc: {  	[dreg:$0x7] =	wrdreg s17  }
0xbd: {  	[dreg:$0x8] =	wrdreg s24  }
0xbe: {  	[dreg:$0x9] =	wrdreg $0x9  }
0xbf: {  	_ =	task.clear_ibuf [dreg:s12], $0xAFFFF;
	_ =	strace $0x90000046  }
0xc0: {  	s29 =	simm.s32 $0x9;
	_ =	strace $0x80000048  }
0xc1: {  	_ =	swait.ge [sflag:s29], $0x1  }
0xc2: {  	[sflag:s29] =	ssyncadd.s32 $0xFFFFFFFF  }
0xc3: {  	_ =	strace $0x90000048  }
0xc4: {  	_ =	sfence  }
0xc5: {  	s30 =	sld [smem:$0x0];
	_ =	sdelay $0x2  }
0xc6: {  	s31 =	sshll.u32 s1, $0xD;
	s1 =	sshrl.u32 s1, $0x2  }
0xc7: {  	s3 =	sand.u32 $0x4000, s31;
	s1 =	sadd.s32 s1, s30  }
0xc8: {  	s0 =	sor.u32 s3, s0;
	s1 =	sshll.u32 s1, $0x11  }
0xc9: {  	s0 =	sor.u32 s1, s0  }
0xca: {  	s0 =	sadd.s32 $0x8F2B, s0  }
0xcb: {  	[sflag:s0] =	ssyncadd.remote.s32 $0x1  }
0xcc: {  	_ =	sfence.sel $0xFFFF  }
0xcd: {  	[dreg:$0x0] =	wrdreg $0xFFFFFFFF;
	(pc) =	sbr.abs _section_cstart, $3  }
0xce: {  	[dreg:$0x1] =	wrdreg $0xFFFFFFFF  }
0xcf: {  	_ =	task.clear_ibuf [dreg:s12], $0x2FFFF;
	_ =	strace $0x9FFFFFFF  }
0xd0: {  	(tm) =	ssettm $0x7FFFFFFF  }
0xd1: {  	_ =	shalt  }
tec
execute0_lowered:
.L_overlay_start_1:
0x0: {  	(tag) =	ssettag $0x1  }
0x1: {  	s0 =	rddreg [dreg:$0x0]  }
0x2: {  	s2 =	rddreg [dreg:$0x1]  }
0x3: {  	s1 =	rddreg [dreg:$0x2]  }
0x4: {  	s3 =	rddreg [dreg:$0x3];
	v0 =	vlaneseq.u32  }
0x5: {  	s4 =	rddreg [dreg:$0x6];
	v0 =	vmul.u32 $0x80, v0  }
0x6: {  	s5 =	srdreg.scid;
	s7 =	stileid.u32  }
0x7: {  	s6 =	simm.s32 $0x0;
	s15 =	simm.s32 $0x1;
	s17 =	simm.s32 $0x7A1400;
	v1 =	vor.u32 $0x800, v0;
	v2 =	vor.u32 $0x1000, v0  }
0x8: {  	s16 =	simm.s32 $0x400;
	s18 =	simm.s32 $0x8000;
	s20 =	simm.s32 $0xA000;
	v3 =	vor.u32 $0x1800, v0;
	v4 =	vor.u32 $0x8000, v0;
	v5 =	vor.u32 $0x8800, v0  }
0x9: {  	s21 =	simm.s32 $0x4000;
	s22 =	simm.s32 $0xC000;
	s23 =	simm.s32 $0x6000;
	v6 =	vor.u32 $0x9000, v0;
	v7 =	vor.u32 $0x9800, v0;
	v8 =	vor.u32 $0x2000, v0  }
0xa: {  	s24 =	simm.s32 $0xE000;
	s25 =	simm.s32 $0x10000;
	s28 =	simm.s32 $0x12000;
	v9 =	vor.u32 $0x2800, v0;
	v10 =	vor.u32 $0x3000, v0;
	v11 =	vor.u32 $0x3800, v0  }
0xb: {  	s29 =	simm.s32 $0x3;
	s5 =	sand.u32 $0x1, s5;
	s7 =	sshll.u32 s7, $0x1;
	v12 =	vor.u32 $0xA000, v0;
	v13 =	vor.u32 $0xA800, v0;
	v14 =	vor.u32 $0xB000, v0  }
0xc: {  	s31 =	simm.s32 $0x14000;
	[smem:$0x7FF] =	sst s6;
	s7 =	sor.u32 s5, s7;
	v15 =	vor.u32 $0xB800, v0;
	v16 =	vor.u32 $0x4000, v0;
	v17 =	vor.u32 $0x4800, v0  }
0xd: {  	_ =	strace $0x80000047;
	s5 =	ssub.s32 $0x2, s5;
	s8 =	sshll.u32 s7, $0x7;
	v18 =	vor.u32 $0x5000, v0;
	v19 =	vor.u32 $0x5800, v0;
	v20 =	vor.u32 $0xC000, v0  }
.Ltmp0:
0xe: {  	s26 =	sshrl.u32 s5, $0x1;
	s9 =	sshll.u32 s7, $0x4;
	v21 =	vor.u32 $0xC800, v0;
	v22 =	vor.u32 $0xD000, v0;
	v23 =	vor.u32 $0xD800, v0;
	(pc) =	sbr.rel .LBB2_1-.Ltmp0, $4  }
0xf: {  	v24 =	vor.u32 $0x6000, v0;
	v25 =	vor.u32 $0x6800, v0;
	v26 =	vor.u32 $0x7000, v0;
	p0 =	sne.s32 s7, $0x0;
	s11 =	sadd.s32 s8, s4;
	s4 =	sadd.s32 $0x10A00, s4  }
0x10: {  	v27 =	vor.u32 $0x7800, v0;
	v28 =	vor.u32 $0xE000, v0;
	v29 =	vor.u32 $0xE800, v0;
	s30 =	ssub.s32 s5, s26;
	s8 =	sadd.s32 s1, s9;
	s9 =	sadd.s32 s3, s9  }
0x11: {  	v30 =	vor.u32 $0xF000, v0;
	v31 =	vor.u32 $0xF800, v0;
	v32 =	vor.u32 $0x1, v0;
	s26 =	simm.s32 $0x2;
	s1 =	simm.s32 $0x0;
	[dreg:$0x8] =	wrdreg s4  }
0x12: {  	v33 =	vor.u32 $0x801, v0;
	v34 =	vor.u32 $0x1001, v0;
	v35 =	vor.u32 $0x1801, v0;
	s10 =	sadd.s32 $0xA00, s11;
	s11 =	sadd.s32 $0x8A00, s11;
	s12 =	smax.u32 s30, $0x1  }
.LBB2_4:
0x13: {  	[hbm4b:s10+s16] =	stream.strided.scatter [tilespmem:s25], [sflag:$0x3], $0x2000, s18, s16, $0x38;
	[tilespmem:$0x16280] =	vst v63  }
0x14: {  	_ =	swait.ge [sflag:s29], $0x2000  }
0x15: {  	[sflag:s29] =	ssyncset.done $0x0  }
.Ltmp1:
0x16: {  	[sflag:s29] =	ssyncadd.s32 $0xFFFFE000;
	(pc) =	sbr.rel @!p0 .LBB2_5-.Ltmp1, $4  }
0x17: {  	[hbm4b:s11+s16] =	stream.strided.scatter [tilespmem:s28], [sflag:$0x3], $0x2000, s18, s16, $0x38;
	[tilespmem:$0x16280] =	vst v63  }
0x18: {  	_ =	swait.ge [sflag:s29], $0x2000  }
0x19: {  	[sflag:s29] =	ssyncset.done $0x0  }
0x1a: {  	[sflag:s29] =	ssyncadd.s32 $0xFFFFE000  }
.LBB2_6:
0x1b: {  	s1 =	sadd.s32 $0x1, s1  }
0x1c: {  	p1 =	sne.s32 s1, s12  }
.Ltmp2:
0x1d: {  	_ = 	snop;
	(pc) =	sbr.rel @!p1 .LBB2_7-.Ltmp2, $1  }
0x1e: {  	_ =	sdelay $0x3  }
.LBB2_1:
0x1f: {  	s3 =	simm.s32 $0x16000  }
0x20: {  	[tilespmem:s3], [sflag:$0x3] =	stream.linear.gather [hbm4b:s8+s6], $0x80, $0x38;
	[tilespmem:$0x16280] =	vst v63  }
0x21: {  	_ =	swait.ge [sflag:s29], $0x80  }
0x22: {  	[sflag:s29] =	ssyncset.done $0x0  }
0x23: {  	s13 =	simm.s32 $0x16100;
	[sflag:s29] =	ssyncadd.s32 $0xFFFFFF80  }
0x24: {  	[tilespmem:s13], [sflag:$0x3] =	stream.linear.gather [hbm4b:s9+s6], $0x80, $0x38;
	[tilespmem:$0x16280] =	vst v63  }
0x25: {  	_ =	swait.ge [sflag:s29], $0x80  }
0x26: {  	[sflag:s29] =	ssyncset.done $0x0  }
0x27: {  	[sflag:s29] =	ssyncadd.s32 $0xFFFFFF80  }
0x28: {  	v36 =	vld [tilespmem:$0x16000];
	_ =	sdelay $0x4  }
0x29: {  	(v2sf) =	vpush v36, $0x0;
	_ =	sdelay $0xe  }
0x2a: {  	s14 =	spop (v2sf)  }
0x2b: {  	s4 =	sand.u32 $0x7F, s14  }
0x2c: {  	s5 =	sshra.s32 s14, $0x1F;
	p1 =	slt.s32 s14, $0x1;
	p2 =	sne.s32 s4, $0x0  }
0x2d: {  	s19 =	sshrl.u32 s5, $0x19;
	p1 =	por !p1, !p2  }
0x2e: {  	s4 =	simm.s32 $0x1;
	s3 =	sadd.s32 s19, s14;
	p1 =	por !p1, !p1  }
0x2f: {  	s3 =	sshrl.u32 s3, $0x7;
	s4 =	simm.s32 @!p1 $0x0  }
0x30: {  	s3 =	ssub.s32 s3, s4  }
0x31: {  	s3 =	sshll.u32 s3, $0x7  }
0x32: {  	s3 =	sand.u32 $0x1FFFFF80, s3  }
0x33: {  	s3 =	sadd.s32 s2, s3  }
0x34: {  	[tilespmem:s6], [sflag:$0x1] =	stream.strided.gather [hbm4b:s3+s16], $0x2000, s17, s16, $0x38;
	[tilespmem:$0x16280] =	vst v63  }
0x35: {  	v57 =	vld [tilespmem:$0x16100];
	_ =	sdelay $0x4  }
0x36: {  	(v2sf) =	vpush v57, $0x0;
	_ =	sdelay $0xe  }
0x37: {  	s30 =	spop (v2sf)  }
0x38: {  	s5 =	sand.u32 $0x7F, s30  }
0x39: {  	s7 =	sshra.s32 s30, $0x1F;
	p5 =	slt.s32 s30, $0x1;
	p6 =	sne.s32 s5, $0x0  }
0x3a: {  	s13 =	sshrl.u32 s7, $0x19;
	p1 =	por !p5, !p6  }
0x3b: {  	s4 =	simm.s32 $0x1;
	s3 =	sadd.s32 s13, s30;
	p1 =	por !p1, !p1  }
0x3c: {  	s3 =	sshrl.u32 s3, $0x7;
	s4 =	simm.s32 @!p1 $0x0  }
0x3d: {  	s3 =	ssub.s32 s3, s4  }
0x3e: {  	s3 =	sshll.u32 s3, $0x7  }
0x3f: {  	s3 =	sand.u32 $0x1FFFFF80, s3  }
0x40: {  	s3 =	sadd.s32 s0, s3  }
0x41: {  	[tilespmem:s18], [sflag:$0x2] =	stream.strided.gather [hbm4b:s3+s16], $0x2000, s17, s16, $0x38;
	[tilespmem:$0x16280] =	vst v63  }
0x42: {  	v58 =	vld [tilespmem:$0x16001];
	_ =	sdelay $0x4  }
0x43: {  	(v2sf) =	vpush v58, $0x0;
	_ =	sdelay $0xe  }
0x44: {  	s14 =	spop (v2sf)  }
0x45: {  	s19 =	sand.u32 $0x7F, s14  }
0x46: {  	s30 =	sshra.s32 s14, $0x1F;
	p3 =	slt.s32 s14, $0x1;
	p4 =	sne.s32 s19, $0x0  }
0x47: {  	s7 =	sshrl.u32 s30, $0x19;
	p1 =	por !p3, !p4  }
0x48: {  	s4 =	simm.s32 $0x1;
	s3 =	sadd.s32 s7, s14;
	p1 =	por !p1, !p1  }
0x49: {  	s3 =	sshrl.u32 s3, $0x7;
	s4 =	simm.s32 @!p1 $0x0  }
0x4a: {  	s3 =	ssub.s32 s3, s4  }
0x4b: {  	s3 =	sshll.u32 s3, $0x7  }
0x4c: {  	s3 =	sand.u32 $0x1FFFFF80, s3  }
0x4d: {  	s13 =	simm.s32 $0x2000;
	s3 =	sadd.s32 s2, s3  }
0x4e: {  	[tilespmem:s13], [sflag:$0x1] =	stream.strided.gather [hbm4b:s3+s16], $0x2000, s17, s16, $0x38;
	[tilespmem:$0x16280] =	vst v63  }
0x4f: {  	v59 =	vld [tilespmem:$0x16101];
	_ =	sdelay $0x4  }
0x50: {  	(v2sf) =	vpush v59, $0x0;
	_ =	sdelay $0xe  }
0x51: {  	s14 =	spop (v2sf)  }
0x52: {  	s19 =	sand.u32 $0x7F, s14  }
0x53: {  	s30 =	sshra.s32 s14, $0x1F;
	p5 =	slt.s32 s14, $0x1;
	p6 =	sne.s32 s19, $0x0  }
0x54: {  	s5 =	sshrl.u32 s30, $0x19;
	p1 =	por !p5, !p6  }
0x55: {  	s4 =	simm.s32 $0x1;
	s3 =	sadd.s32 s5, s14;
	p1 =	por !p1, !p1  }
0x56: {  	s3 =	sshrl.u32 s3, $0x7;
	s4 =	simm.s32 @!p1 $0x0  }
0x57: {  	s3 =	ssub.s32 s3, s4  }
0x58: {  	s3 =	sshll.u32 s3, $0x7  }
0x59: {  	s3 =	sand.u32 $0x1FFFFF80, s3  }
0x5a: {  	s3 =	sadd.s32 s0, s3  }
0x5b: {  	[tilespmem:s20], [sflag:$0x2] =	stream.strided.gather [hbm4b:s3+s16], $0x2000, s17, s16, $0x38;
	[tilespmem:$0x16280] =	vst v63  }
0x5c: {  	v60 =	vld [tilespmem:$0x16002];
	_ =	sdelay $0x4  }
0x5d: {  	(v2sf) =	vpush v60, $0x0;
	_ =	sdelay $0xe  }
0x5e: {  	s7 =	spop (v2sf)  }
0x5f: {  	s13 =	sand.u32 $0x7F, s7  }
0x60: {  	s14 =	sshra.s32 s7, $0x1F;
	p3 =	slt.s32 s7, $0x1;
	p4 =	sne.s32 s13, $0x0  }
0x61: {  	s19 =	sshrl.u32 s14, $0x19;
	p1 =	por !p3, !p4  }
0x62: {  	s4 =	simm.s32 $0x1;
	s3 =	sadd.s32 s19, s7;
	p1 =	por !p1, !p1  }
0x63: {  	s3 =	sshrl.u32 s3, $0x7;
	s4 =	simm.s32 @!p1 $0x0  }
0x64: {  	s3 =	ssub.s32 s3, s4  }
0x65: {  	s3 =	sshll.u32 s3, $0x7  }
0x66: {  	s3 =	sand.u32 $0x1FFFFF80, s3  }
0x67: {  	s3 =	sadd.s32 s2, s3  }
0x68: {  	[tilespmem:s21], [sflag:$0x1] =	stream.strided.gather [hbm4b:s3+s16], $0x2000, s17, s16, $0x38;
	[tilespmem:$0x16280] =	vst v63  }
0x69: {  	v61 =	vld [tilespmem:$0x16102];
	_ =	sdelay $0x4  }
0x6a: {  	(v2sf) =	vpush v61, $0x0;
	_ =	sdelay $0xe  }
0x6b: {  	s30 =	spop (v2sf)  }
0x6c: {  	s5 =	sand.u32 $0x7F, s30  }
0x6d: {  	s7 =	sshra.s32 s30, $0x1F;
	p5 =	slt.s32 s30, $0x1;
	p6 =	sne.s32 s5, $0x0  }
0x6e: {  	s13 =	sshrl.u32 s7, $0x19;
	p1 =	por !p5, !p6  }
0x6f: {  	s4 =	simm.s32 $0x1;
	s3 =	sadd.s32 s13, s30;
	p1 =	por !p1, !p1  }
0x70: {  	s3 =	sshrl.u32 s3, $0x7;
	s4 =	simm.s32 @!p1 $0x0  }
0x71: {  	s3 =	ssub.s32 s3, s4  }
0x72: {  	s3 =	sshll.u32 s3, $0x7  }
0x73: {  	s3 =	sand.u32 $0x1FFFFF80, s3  }
0x74: {  	s3 =	sadd.s32 s0, s3  }
0x75: {  	[tilespmem:s22], [sflag:$0x2] =	stream.strided.gather [hbm4b:s3+s16], $0x2000, s17, s16, $0x38;
	[tilespmem:$0x16280] =	vst v63  }
0x76: {  	v62 =	vld [tilespmem:$0x16003];
	_ =	sdelay $0x4  }
0x77: {  	(v2sf) =	vpush v62, $0x0;
	_ =	sdelay $0xe  }
0x78: {  	s14 =	spop (v2sf)  }
0x79: {  	s19 =	sand.u32 $0x7F, s14  }
0x7a: {  	s30 =	sshra.s32 s14, $0x1F;
	p3 =	slt.s32 s14, $0x1;
	p4 =	sne.s32 s19, $0x0  }
0x7b: {  	s7 =	sshrl.u32 s30, $0x19;
	p1 =	por !p3, !p4  }
0x7c: {  	s4 =	simm.s32 $0x1;
	s3 =	sadd.s32 s7, s14;
	p1 =	por !p1, !p1  }
0x7d: {  	s3 =	sshrl.u32 s3, $0x7;
	s4 =	simm.s32 @!p1 $0x0  }
0x7e: {  	s3 =	ssub.s32 s3, s4  }
0x7f: {  	s3 =	sshll.u32 s3, $0x7  }
0x80: {  	s3 =	sand.u32 $0x1FFFFF80, s3  }
0x81: {  	s3 =	sadd.s32 s2, s3  }
0x82: {  	[tilespmem:s23], [sflag:$0x1] =	stream.strided.gather [hbm4b:s3+s16], $0x2000, s17, s16, $0x38;
	[tilespmem:$0x16280] =	vst v63  }
0x83: {  	v63 =	vld [tilespmem:$0x16103];
	_ =	sdelay $0x4  }
0x84: {  	(v2sf) =	vpush v63, $0x0;
	_ =	sdelay $0xe  }
0x85: {  	s13 =	spop (v2sf)  }
0x86: {  	s14 =	sand.u32 $0x7F, s13  }
0x87: {  	s19 =	sshra.s32 s13, $0x1F;
	p5 =	slt.s32 s13, $0x1;
	p6 =	sne.s32 s14, $0x0  }
0x88: {  	s30 =	sshrl.u32 s19, $0x19;
	p1 =	por !p5, !p6  }
0x89: {  	s4 =	simm.s32 $0x1;
	s3 =	sadd.s32 s30, s13;
	p1 =	por !p1, !p1  }
0x8a: {  	s3 =	sshrl.u32 s3, $0x7;
	s4 =	simm.s32 @!p1 $0x0  }
0x8b: {  	s3 =	ssub.s32 s3, s4  }
0x8c: {  	s3 =	sshll.u32 s3, $0x7  }
0x8d: {  	s3 =	sand.u32 $0x1FFFFF80, s3  }
0x8e: {  	s3 =	sadd.s32 s0, s3  }
0x8f: {  	[tilespmem:s24], [sflag:$0x2] =	stream.strided.gather [hbm4b:s3+s16], $0x2000, s17, s16, $0x38;
	[tilespmem:$0x16280] =	vst v63  }
0x90: {  	s5 =	simm.s32 $0x16104;
	s4 =	simm.s32 $0x3;
	s3 =	simm.s32 $0x16004  }
.LBB2_2:
0x91: {  	_ =	swait.ge [sflag:s15], $0x2000  }
0x92: {  	[sflag:s15] =	ssyncset.done $0x0  }
0x93: {  	[sflag:s15] =	ssyncadd.s32 $0xFFFFE000  }
0x94: {  	v36 =	vld [tilespmem:s3+$0xFFFFFFFC];
	_ =	sdelay $0x4  }
0x95: {  	(v2sf) =	vpush v36, $0x0;
	_ =	sdelay $0xe  }
0x96: {  	s7 =	spop (v2sf)  }
0x97: {  	s30 =	sshra.s32 s7, $0x1F  }
0x98: {  	s30 =	sshrl.u32 s30, $0x19  }
0x99: {  	s30 =	sadd.s32 s30, s7  }
0x9a: {  	s30 =	sand.u32 $0xFFFFFF80, s30  }
0x9b: {  	s7 =	ssub.s32 s7, s30  }
0x9c: {  	s19 =	sadd.s32 $0xFFFFFFFD, s4;
	v57 =	vadd.s32 s7, v0  }
0x9d: {  	v37 =	vmov s19  }
0x9e: {  	v37 =	vand.u32 $0x7C, v37  }
0x9f: {  	v37 =	vbroadcast v37, $0x0;
	_ =	sdelay $0x1  }
0xa0: {  	v38 =	vor.u32 v0, v37;
	v36 =	vld.idx.msk [tilespmem:v57+s6+$0x0], $0xffff  }
0xa1: {  	v39 =	vadd.s32 s7, v1;
	_ =	sdelay $0x3  }
0xa2: {  	[tilespmem:v38+s25+$0x0] =	vst.idx.msk $0xffff, v36  }
0xa3: {  	v58 =	vor.u32 v1, v37;
	v36 =	vld.idx.msk [tilespmem:v39+s6+$0x0], $0xffff  }
0xa4: {  	v40 =	vadd.s32 s7, v2;
	_ =	sdelay $0x3  }
0xa5: {  	[tilespmem:v58+s25+$0x0] =	vst.idx.msk $0xffff, v36  }
0xa6: {  	v59 =	vor.u32 v2, v37;
	v36 =	vld.idx.msk [tilespmem:v40+s6+$0x0], $0xffff  }
0xa7: {  	v41 =	vadd.s32 s7, v3;
	_ =	sdelay $0x3  }
0xa8: {  	[tilespmem:v59+s25+$0x0] =	vst.idx.msk $0xffff, v36  }
0xa9: {  	v37 =	vor.u32 v3, v37;
	v36 =	vld.idx.msk [tilespmem:v41+s6+$0x0], $0xffff;
	_ =	sdelay $0x4  }
0xaa: {  	[tilespmem:v37+s25+$0x0] =	vst.idx.msk $0xffff, v36  }
0xab: {  	_ =	swait.ge [sflag:s26], $0x2000  }
0xac: {  	[sflag:s26] =	ssyncset.done $0x0  }
0xad: {  	[sflag:s26] =	ssyncadd.s32 $0xFFFFE000  }
0xae: {  	v60 =	vld [tilespmem:s5+$0xFFFFFFFC];
	_ =	sdelay $0x4  }
0xaf: {  	(v2sf) =	vpush v60, $0x0;
	_ =	sdelay $0xe  }
0xb0: {  	s13 =	spop (v2sf)  }
0xb1: {  	s14 =	sshra.s32 s13, $0x1F  }
0xb2: {  	s30 =	sshrl.u32 s14, $0x19  }
0xb3: {  	s30 =	sadd.s32 s30, s13  }
0xb4: {  	s30 =	sand.u32 $0xFFFFFF80, s30  }
0xb5: {  	s7 =	ssub.s32 s13, s30  }
0xb6: {  	v61 =	vadd.s32 s7, v4;
	_ =	sdelay $0x4  }
0xb7: {  	v36 =	vld.idx.msk [tilespmem:v61+s6+$0x0], $0xffff  }
0xb8: {  	v62 =	vadd.s32 s7, v5;
	_ =	sdelay $0x3  }
0xb9: {  	[tilespmem:v38+s28+$0x0] =	vst.idx.msk $0xffff, v36  }
0xba: {  	v36 =	vld.idx.msk [tilespmem:v62+s6+$0x0], $0xffff  }
0xbb: {  	v63 =	vadd.s32 s7, v6;
	_ =	sdelay $0x3  }
0xbc: {  	[tilespmem:v58+s28+$0x0] =	vst.idx.msk $0xffff, v36  }
0xbd: {  	v36 =	vld.idx.msk [tilespmem:v63+s6+$0x0], $0xffff  }
0xbe: {  	v41 =	vadd.s32 s7, v7;
	_ =	sdelay $0x3  }
0xbf: {  	[tilespmem:v59+s28+$0x0] =	vst.idx.msk $0xffff, v36  }
0xc0: {  	v36 =	vld.idx.msk [tilespmem:v41+s6+$0x0], $0xffff;
	_ =	sdelay $0x4  }
0xc1: {  	p1 =	seq.s32 s4, $0x7F;
	[tilespmem:v37+s28+$0x0] =	vst.idx.msk $0xffff, v36  }
0xc2: {  	v36 =	vld @!p1 [tilespmem:s3+$0x0];
	_ =	sdelay $0x4  }
0xc3: {  	(v2sf) =	vpush @!p1 v36, $0x0;
	_ =	sdelay $0xe  }
0xc4: {  	s7 =	spop @!p1 (v2sf)  }
0xc5: {  	s30 =	sand.u32 @!p1 $0x7F, s7  }
0xc6: {  	p2 =	slt.s32 @!p1 s7, $0x1;
	p3 =	sne.s32 @!p1 s30, $0x0  }
0xc7: {  	s30 =	sshra.s32 @!p1 s7, $0x1F;
	p2 =	por @!p1 !p2, !p3  }
0xc8: {  	s30 =	sshrl.u32 @!p1 s30, $0x19;
	p2 =	por @!p1 !p2, !p2  }
0xc9: {  	s7 =	sadd.s32 @!p1 s30, s7;
	s30 =	simm.s32 @!p1 $0x1;
	p2 =	por !p2, p1  }
0xca: {  	s7 =	sshrl.u32 @!p1 s7, $0x7;
	s30 =	simm.s32 @p2 $0x0  }
0xcb: {  	s7 =	ssub.s32 @!p1 s7, s30  }
0xcc: {  	s7 =	sshll.u32 @!p1 s7, $0x7  }
0xcd: {  	s14 =	simm.s32 @!p1 $0x0;
	s7 =	sand.u32 @!p1 $0x1FFFFF80, s7  }
0xce: {  	s30 =	simm.s32 @!p1 $0x7A1400;
	s13 =	sadd.s32 @!p1 s2, s7;
	s7 =	simm.s32 @!p1 $0x400  }
0xcf: {  	[tilespmem:s14], [sflag:$0x1] =	stream.strided.gather @!p1 [hbm4b:s13+s7], $0x2000, s30, s7, $0x38;
	[tilespmem:$0x16280] =	vst v63  }
0xd0: {  	v36 =	vld @!p1 [tilespmem:s5+$0x0];
	_ =	sdelay $0x4  }
0xd1: {  	(v2sf) =	vpush @!p1 v36, $0x0;
	_ =	sdelay $0xe  }
0xd2: {  	s13 =	spop @!p1 (v2sf)  }
0xd3: {  	s14 =	sand.u32 @!p1 $0x7F, s13  }
0xd4: {  	p2 =	slt.s32 @!p1 s13, $0x1;
	p3 =	sne.s32 @!p1 s14, $0x0  }
0xd5: {  	s14 =	sshra.s32 @!p1 s13, $0x1F;
	p2 =	por @!p1 !p2, !p3  }
0xd6: {  	s14 =	sshrl.u32 @!p1 s14, $0x19;
	p2 =	por @!p1 !p2, !p2  }
0xd7: {  	s13 =	sadd.s32 @!p1 s14, s13;
	s14 =	simm.s32 @!p1 $0x1;
	p2 =	por !p2, p1  }
0xd8: {  	s13 =	sshrl.u32 @!p1 s13, $0x7;
	s14 =	simm.s32 @p2 $0x0  }
0xd9: {  	s13 =	ssub.s32 @!p1 s13, s14  }
0xda: {  	s13 =	sshll.u32 @!p1 s13, $0x7  }
0xdb: {  	s13 =	sand.u32 @!p1 $0x1FFFFF80, s13  }
0xdc: {  	s14 =	simm.s32 @!p1 $0x8000;
	s13 =	sadd.s32 @!p1 s0, s13  }
0xdd: {  	[tilespmem:s14], [sflag:$0x2] =	stream.strided.gather @!p1 [hbm4b:s13+s7], $0x2000, s30, s7, $0x38;
	[tilespmem:$0x16280] =	vst v63  }
0xde: {  	_ =	swait.ge [sflag:s15], $0x2000  }
0xdf: {  	[sflag:s15] =	ssyncset.done $0x0  }
0xe0: {  	[sflag:s15] =	ssyncadd.s32 $0xFFFFE000  }
0xe1: {  	v42 =	vld [tilespmem:s3+$0xFFFFFFFD];
	_ =	sdelay $0x4  }
0xe2: {  	(v2sf) =	vpush v42, $0x0;
	_ =	sdelay $0xe  }
0xe3: {  	s13 =	spop (v2sf)  }
0xe4: {  	s19 =	sshra.s32 s13, $0x1F  }
0xe5: {  	s14 =	sshrl.u32 s19, $0x19  }
0xe6: {  	s14 =	sadd.s32 s14, s13  }
0xe7: {  	s14 =	sand.u32 $0xFFFFFF80, s14  }
0xe8: {  	s13 =	ssub.s32 s13, s14  }
0xe9: {  	s19 =	sadd.s32 $0xFFFFFFFE, s4;
	v43 =	vadd.s32 s13, v8  }
0xea: {  	v44 =	vmov s19  }
0xeb: {  	v37 =	vand.u32 $0x7D, v44  }
0xec: {  	v37 =	vbroadcast v37, $0x0;
	_ =	sdelay $0x1  }
0xed: {  	v45 =	vor.u32 v0, v37;
	v36 =	vld.idx.msk [tilespmem:v43+s6+$0x0], $0xffff  }
0xee: {  	v46 =	vadd.s32 s13, v9;
	_ =	sdelay $0x3  }
0xef: {  	[tilespmem:v45+s25+$0x0] =	vst.idx.msk $0xffff, v36  }
0xf0: {  	v47 =	vor.u32 v1, v37;
	v36 =	vld.idx.msk [tilespmem:v46+s6+$0x0], $0xffff  }
0xf1: {  	v48 =	vadd.s32 s13, v10;
	_ =	sdelay $0x3  }
0xf2: {  	[tilespmem:v47+s25+$0x0] =	vst.idx.msk $0xffff, v36  }
0xf3: {  	v49 =	vor.u32 v2, v37;
	v36 =	vld.idx.msk [tilespmem:v48+s6+$0x0], $0xffff  }
0xf4: {  	v50 =	vadd.s32 s13, v11;
	_ =	sdelay $0x3  }
0xf5: {  	[tilespmem:v49+s25+$0x0] =	vst.idx.msk $0xffff, v36  }
0xf6: {  	v37 =	vor.u32 v3, v37;
	v36 =	vld.idx.msk [tilespmem:v50+s6+$0x0], $0xffff;
	_ =	sdelay $0x4  }
0xf7: {  	[tilespmem:v37+s25+$0x0] =	vst.idx.msk $0xffff, v36  }
0xf8: {  	_ =	swait.ge [sflag:s26], $0x2000  }
0xf9: {  	[sflag:s26] =	ssyncset.done $0x0  }
0xfa: {  	[sflag:s26] =	ssyncadd.s32 $0xFFFFE000  }
0xfb: {  	v51 =	vld [tilespmem:s5+$0xFFFFFFFD];
	_ =	sdelay $0x4  }
0xfc: {  	(v2sf) =	vpush v51, $0x0;
	_ =	sdelay $0xe  }
0xfd: {  	s13 =	spop (v2sf)  }
0xfe: {  	s19 =	sshra.s32 s13, $0x1F  }
0xff: {  	s14 =	sshrl.u32 s19, $0x19  }
0x100: {  	s14 =	sadd.s32 s14, s13  }
0x101: {  	s14 =	sand.u32 $0xFFFFFF80, s14  }
0x102: {  	s13 =	ssub.s32 s13, s14  }
0x103: {  	v52 =	vadd.s32 s13, v12;
	_ =	sdelay $0x4  }
0x104: {  	v36 =	vld.idx.msk [tilespmem:v52+s6+$0x0], $0xffff  }
0x105: {  	v53 =	vadd.s32 s13, v13;
	_ =	sdelay $0x3  }
0x106: {  	[tilespmem:v45+s28+$0x0] =	vst.idx.msk $0xffff, v36  }
0x107: {  	v36 =	vld.idx.msk [tilespmem:v53+s6+$0x0], $0xffff  }
0x108: {  	v54 =	vadd.s32 s13, v14;
	_ =	sdelay $0x3  }
0x109: {  	[tilespmem:v47+s28+$0x0] =	vst.idx.msk $0xffff, v36  }
0x10a: {  	v36 =	vld.idx.msk [tilespmem:v54+s6+$0x0], $0xffff  }
0x10b: {  	v55 =	vadd.s32 s13, v15;
	_ =	sdelay $0x3  }
0x10c: {  	[tilespmem:v49+s28+$0x0] =	vst.idx.msk $0xffff, v36  }
0x10d: {  	v36 =	vld.idx.msk [tilespmem:v55+s6+$0x0], $0xffff;
	_ =	sdelay $0x4  }
0x10e: {  	[tilespmem:v37+s28+$0x0] =	vst.idx.msk $0xffff, v36  }
0x10f: {  	v36 =	vld @!p1 [tilespmem:s3+$0x1];
	_ =	sdelay $0x4  }
0x110: {  	(v2sf) =	vpush @!p1 v36, $0x0;
	_ =	sdelay $0xe  }
0x111: {  	s13 =	spop @!p1 (v2sf)  }
0x112: {  	s14 =	sand.u32 @!p1 $0x7F, s13  }
0x113: {  	p2 =	slt.s32 @!p1 s13, $0x1;
	p3 =	sne.s32 @!p1 s14, $0x0  }
0x114: {  	s14 =	sshra.s32 @!p1 s13, $0x1F;
	p2 =	por @!p1 !p2, !p3  }
0x115: {  	s14 =	sshrl.u32 @!p1 s14, $0x19;
	p2 =	por @!p1 !p2, !p2  }
0x116: {  	s13 =	sadd.s32 @!p1 s14, s13;
	s14 =	simm.s32 @!p1 $0x1;
	p2 =	por !p2, p1  }
0x117: {  	s13 =	sshrl.u32 @!p1 s13, $0x7;
	s14 =	simm.s32 @p2 $0x0  }
0x118: {  	s13 =	ssub.s32 @!p1 s13, s14  }
0x119: {  	s13 =	sshll.u32 @!p1 s13, $0x7  }
0x11a: {  	s13 =	sand.u32 @!p1 $0x1FFFFF80, s13  }
0x11b: {  	s14 =	simm.s32 @!p1 $0x2000;
	s13 =	sadd.s32 @!p1 s2, s13  }
0x11c: {  	[tilespmem:s14], [sflag:$0x1] =	stream.strided.gather @!p1 [hbm4b:s13+s7], $0x2000, s30, s7, $0x38;
	[tilespmem:$0x16280] =	vst v63  }
0x11d: {  	v36 =	vld @!p1 [tilespmem:s5+$0x1];
	_ =	sdelay $0x4  }
0x11e: {  	(v2sf) =	vpush @!p1 v36, $0x0;
	_ =	sdelay $0xe  }
0x11f: {  	s13 =	spop @!p1 (v2sf)  }
0x120: {  	s14 =	sand.u32 @!p1 $0x7F, s13  }
0x121: {  	p2 =	slt.s32 @!p1 s13, $0x1;
	p3 =	sne.s32 @!p1 s14, $0x0  }
0x122: {  	s14 =	sshra.s32 @!p1 s13, $0x1F;
	p2 =	por @!p1 !p2, !p3  }
0x123: {  	s14 =	sshrl.u32 @!p1 s14, $0x19;
	p2 =	por @!p1 !p2, !p2  }
0x124: {  	s13 =	sadd.s32 @!p1 s14, s13;
	s14 =	simm.s32 @!p1 $0x1;
	p2 =	por !p2, p1  }
0x125: {  	s13 =	sshrl.u32 @!p1 s13, $0x7;
	s14 =	simm.s32 @p2 $0x0  }
0x126: {  	s13 =	ssub.s32 @!p1 s13, s14  }
0x127: {  	s13 =	sshll.u32 @!p1 s13, $0x7  }
0x128: {  	s13 =	sand.u32 @!p1 $0x1FFFFF80, s13  }
0x129: {  	s14 =	simm.s32 @!p1 $0xA000;
	s13 =	sadd.s32 @!p1 s0, s13  }
0x12a: {  	[tilespmem:s14], [sflag:$0x2] =	stream.strided.gather @!p1 [hbm4b:s13+s7], $0x2000, s30, s7, $0x38;
	[tilespmem:$0x16280] =	vst v63  }
0x12b: {  	_ =	swait.ge [sflag:s15], $0x2000  }
0x12c: {  	[sflag:s15] =	ssyncset.done $0x0  }
0x12d: {  	[sflag:s15] =	ssyncadd.s32 $0xFFFFE000  }
0x12e: {  	v56 =	vld [tilespmem:s3+$0xFFFFFFFE];
	_ =	sdelay $0x4  }
0x12f: {  	(v2sf) =	vpush v56, $0x0;
	_ =	sdelay $0xe  }
0x130: {  	s13 =	spop (v2sf)  }
0x131: {  	s19 =	sshra.s32 s13, $0x1F  }
0x132: {  	s14 =	sshrl.u32 s19, $0x19  }
0x133: {  	s14 =	sadd.s32 s14, s13  }
0x134: {  	s14 =	sand.u32 $0xFFFFFF80, s14  }
0x135: {  	s13 =	ssub.s32 s13, s14  }
0x136: {  	s19 =	sadd.s32 $0xFFFFFFFF, s4;
	v57 =	vadd.s32 s13, v16  }
0x137: {  	v58 =	vmov s19  }
0x138: {  	v37 =	vand.u32 $0x7E, v58  }
0x139: {  	v37 =	vbroadcast v37, $0x0;
	_ =	sdelay $0x1  }
0x13a: {  	v59 =	vor.u32 v0, v37;
	v36 =	vld.idx.msk [tilespmem:v57+s6+$0x0], $0xffff  }
0x13b: {  	v60 =	vadd.s32 s13, v17;
	_ =	sdelay $0x3  }
0x13c: {  	[tilespmem:v59+s25+$0x0] =	vst.idx.msk $0xffff, v36  }
0x13d: {  	v61 =	vor.u32 v1, v37;
	v36 =	vld.idx.msk [tilespmem:v60+s6+$0x0], $0xffff  }
0x13e: {  	v62 =	vadd.s32 s13, v18;
	_ =	sdelay $0x3  }
0x13f: {  	[tilespmem:v61+s25+$0x0] =	vst.idx.msk $0xffff, v36  }
0x140: {  	v63 =	vor.u32 v2, v37;
	v36 =	vld.idx.msk [tilespmem:v62+s6+$0x0], $0xffff  }
0x141: {  	v44 =	vadd.s32 s13, v19;
	_ =	sdelay $0x3  }
0x142: {  	[tilespmem:v63+s25+$0x0] =	vst.idx.msk $0xffff, v36  }
0x143: {  	v37 =	vor.u32 v3, v37;
	v36 =	vld.idx.msk [tilespmem:v44+s6+$0x0], $0xffff;
	_ =	sdelay $0x4  }
0x144: {  	[tilespmem:v37+s25+$0x0] =	vst.idx.msk $0xffff, v36  }
0x145: {  	_ =	swait.ge [sflag:s26], $0x2000  }
0x146: {  	[sflag:s26] =	ssyncset.done $0x0  }
0x147: {  	[sflag:s26] =	ssyncadd.s32 $0xFFFFE000  }
0x148: {  	v45 =	vld [tilespmem:s5+$0xFFFFFFFE];
	_ =	sdelay $0x4  }
0x149: {  	(v2sf) =	vpush v45, $0x0;
	_ =	sdelay $0xe  }
0x14a: {  	s13 =	spop (v2sf)  }
0x14b: {  	s19 =	sshra.s32 s13, $0x1F  }
0x14c: {  	s14 =	sshrl.u32 s19, $0x19  }
0x14d: {  	s14 =	sadd.s32 s14, s13  }
0x14e: {  	s14 =	sand.u32 $0xFFFFFF80, s14  }
0x14f: {  	s13 =	ssub.s32 s13, s14  }
0x150: {  	v46 =	vadd.s32 s13, v20;
	_ =	sdelay $0x4  }
0x151: {  	v36 =	vld.idx.msk [tilespmem:v46+s6+$0x0], $0xffff  }
0x152: {  	v47 =	vadd.s32 s13, v21;
	_ =	sdelay $0x3  }
0x153: {  	[tilespmem:v59+s28+$0x0] =	vst.idx.msk $0xffff, v36  }
0x154: {  	v36 =	vld.idx.msk [tilespmem:v47+s6+$0x0], $0xffff  }
0x155: {  	v48 =	vadd.s32 s13, v22;
	_ =	sdelay $0x3  }
0x156: {  	[tilespmem:v61+s28+$0x0] =	vst.idx.msk $0xffff, v36  }
0x157: {  	v36 =	vld.idx.msk [tilespmem:v48+s6+$0x0], $0xffff  }
0x158: {  	v49 =	vadd.s32 s13, v23;
	_ =	sdelay $0x3  }
0x159: {  	[tilespmem:v63+s28+$0x0] =	vst.idx.msk $0xffff, v36  }
0x15a: {  	v36 =	vld.idx.msk [tilespmem:v49+s6+$0x0], $0xffff;
	_ =	sdelay $0x4  }
0x15b: {  	[tilespmem:v37+s28+$0x0] =	vst.idx.msk $0xffff, v36  }
0x15c: {  	v36 =	vld @!p1 [tilespmem:s3+$0x2];
	_ =	sdelay $0x4  }
0x15d: {  	(v2sf) =	vpush @!p1 v36, $0x0;
	_ =	sdelay $0xe  }
0x15e: {  	s13 =	spop @!p1 (v2sf)  }
0x15f: {  	s14 =	sand.u32 @!p1 $0x7F, s13  }
0x160: {  	p2 =	slt.s32 @!p1 s13, $0x1;
	p3 =	sne.s32 @!p1 s14, $0x0  }
0x161: {  	s14 =	sshra.s32 @!p1 s13, $0x1F;
	p2 =	por @!p1 !p2, !p3  }
0x162: {  	s14 =	sshrl.u32 @!p1 s14, $0x19;
	p2 =	por @!p1 !p2, !p2  }
0x163: {  	s13 =	sadd.s32 @!p1 s14, s13;
	s14 =	simm.s32 @!p1 $0x1;
	p2 =	por !p2, p1  }
0x164: {  	s13 =	sshrl.u32 @!p1 s13, $0x7;
	s14 =	simm.s32 @p2 $0x0  }
0x165: {  	s13 =	ssub.s32 @!p1 s13, s14  }
0x166: {  	s13 =	sshll.u32 @!p1 s13, $0x7  }
0x167: {  	s13 =	sand.u32 @!p1 $0x1FFFFF80, s13  }
0x168: {  	s14 =	simm.s32 @!p1 $0x4000;
	s13 =	sadd.s32 @!p1 s2, s13  }
0x169: {  	[tilespmem:s14], [sflag:$0x1] =	stream.strided.gather @!p1 [hbm4b:s13+s7], $0x2000, s30, s7, $0x38;
	[tilespmem:$0x16280] =	vst v63  }
0x16a: {  	v36 =	vld @!p1 [tilespmem:s5+$0x2];
	_ =	sdelay $0x4  }
0x16b: {  	(v2sf) =	vpush @!p1 v36, $0x0;
	_ =	sdelay $0xe  }
0x16c: {  	s13 =	spop @!p1 (v2sf)  }
0x16d: {  	s14 =	sand.u32 @!p1 $0x7F, s13  }
0x16e: {  	p2 =	slt.s32 @!p1 s13, $0x1;
	p3 =	sne.s32 @!p1 s14, $0x0  }
0x16f: {  	s14 =	sshra.s32 @!p1 s13, $0x1F;
	p2 =	por @!p1 !p2, !p3  }
0x170: {  	s14 =	sshrl.u32 @!p1 s14, $0x19;
	p2 =	por @!p1 !p2, !p2  }
0x171: {  	s19 =	simm.s32 @!p1 $0x1;
	s13 =	sadd.s32 @!p1 s14, s13;
	p2 =	por !p2, p1  }
0x172: {  	s13 =	sshrl.u32 @!p1 s13, $0x7;
	s19 =	simm.s32 @p2 $0x0  }
0x173: {  	s13 =	ssub.s32 @!p1 s13, s19  }
0x174: {  	s13 =	sshll.u32 @!p1 s13, $0x7  }
0x175: {  	s13 =	sand.u32 @!p1 $0x1FFFFF80, s13  }
0x176: {  	s14 =	simm.s32 @!p1 $0xC000;
	s13 =	sadd.s32 @!p1 s0, s13  }
0x177: {  	[tilespmem:s14], [sflag:$0x2] =	stream.strided.gather @!p1 [hbm4b:s13+s7], $0x2000, s30, s7, $0x38;
	[tilespmem:$0x16280] =	vst v63  }
0x178: {  	_ =	swait.ge [sflag:s15], $0x2000  }
0x179: {  	[sflag:s15] =	ssyncset.done $0x0  }
0x17a: {  	[sflag:s15] =	ssyncadd.s32 $0xFFFFE000  }
0x17b: {  	v50 =	vld [tilespmem:s3+$0xFFFFFFFF];
	_ =	sdelay $0x4  }
0x17c: {  	(v2sf) =	vpush v50, $0x0;
	_ =	sdelay $0xe  }
0x17d: {  	s30 =	spop (v2sf)  }
0x17e: {  	s14 =	sshra.s32 s30, $0x1F  }
0x17f: {  	s13 =	sshrl.u32 s14, $0x19  }
0x180: {  	s13 =	sadd.s32 s13, s30  }
0x181: {  	s13 =	sand.u32 $0xFFFFFF80, s13  }
0x182: {  	s7 =	ssub.s32 s30, s13  }
0x183: {  	v51 =	vadd.s32 s7, v24  }
0x184: {  	v52 =	vmov s4  }
0x185: {  	v37 =	vand.u32 $0x7F, v52  }
0x186: {  	v37 =	vbroadcast v37, $0x0;
	_ =	sdelay $0x1  }
0x187: {  	v53 =	vor.u32 v0, v37;
	v36 =	vld.idx.msk [tilespmem:v51+s6+$0x0], $0xffff  }
0x188: {  	v54 =	vadd.s32 s7, v25;
	_ =	sdelay $0x3  }
0x189: {  	[tilespmem:v53+s25+$0x0] =	vst.idx.msk $0xffff, v36  }
0x18a: {  	v55 =	vor.u32 v1, v37;
	v36 =	vld.idx.msk [tilespmem:v54+s6+$0x0], $0xffff  }
0x18b: {  	v56 =	vadd.s32 s7, v26;
	_ =	sdelay $0x3  }
0x18c: {  	[tilespmem:v55+s25+$0x0] =	vst.idx.msk $0xffff, v36  }
0x18d: {  	v57 =	vor.u32 v2, v37;
	v36 =	vld.idx.msk [tilespmem:v56+s6+$0x0], $0xffff  }
0x18e: {  	v58 =	vadd.s32 s7, v27;
	_ =	sdelay $0x3  }
0x18f: {  	[tilespmem:v57+s25+$0x0] =	vst.idx.msk $0xffff, v36  }
0x190: {  	v37 =	vor.u32 v3, v37;
	v36 =	vld.idx.msk [tilespmem:v58+s6+$0x0], $0xffff;
	_ =	sdelay $0x4  }
0x191: {  	[tilespmem:v37+s25+$0x0] =	vst.idx.msk $0xffff, v36  }
0x192: {  	_ =	swait.ge [sflag:s26], $0x2000  }
0x193: {  	[sflag:s26] =	ssyncset.done $0x0  }
0x194: {  	[sflag:s26] =	ssyncadd.s32 $0xFFFFE000  }
0x195: {  	v59 =	vld [tilespmem:s5+$0xFFFFFFFF];
	_ =	sdelay $0x4  }
0x196: {  	(v2sf) =	vpush v59, $0x0;
	_ =	sdelay $0xe  }
0x197: {  	s19 =	spop (v2sf)  }
0x198: {  	s30 =	sshra.s32 s19, $0x1F  }
0x199: {  	s13 =	sshrl.u32 s30, $0x19  }
0x19a: {  	s13 =	sadd.s32 s13, s19  }
0x19b: {  	s13 =	sand.u32 $0xFFFFFF80, s13  }
0x19c: {  	s7 =	ssub.s32 s19, s13  }
0x19d: {  	v60 =	vadd.s32 s7, v28;
	_ =	sdelay $0x4  }
0x19e: {  	v36 =	vld.idx.msk [tilespmem:v60+s6+$0x0], $0xffff  }
0x19f: {  	v61 =	vadd.s32 s7, v29;
	_ =	sdelay $0x3  }
0x1a0: {  	[tilespmem:v53+s28+$0x0] =	vst.idx.msk $0xffff, v36  }
0x1a1: {  	v36 =	vld.idx.msk [tilespmem:v61+s6+$0x0], $0xffff  }
0x1a2: {  	v62 =	vadd.s32 s7, v30;
	_ =	sdelay $0x3  }
0x1a3: {  	[tilespmem:v55+s28+$0x0] =	vst.idx.msk $0xffff, v36  }
0x1a4: {  	v36 =	vld.idx.msk [tilespmem:v62+s6+$0x0], $0xffff  }
0x1a5: {  	v63 =	vadd.s32 s7, v31;
	_ =	sdelay $0x3  }
0x1a6: {  	[tilespmem:v57+s28+$0x0] =	vst.idx.msk $0xffff, v36  }
0x1a7: {  	v36 =	vld.idx.msk [tilespmem:v63+s6+$0x0], $0xffff  }
.Ltmp3:
0x1a8: {  	_ = 	snop;
	(pc) =	sbr.rel @p1 .LBB2_4-.Ltmp3, $2  }
0x1a9: {  	_ =	sdelay $0x2  }
0x1aa: {  	[tilespmem:v37+s28+$0x0] =	vst.idx.msk $0xffff, v36  }
0x1ab: {  	v36 =	vld [tilespmem:s3+$0x3];
	_ =	sdelay $0x4  }
0x1ac: {  	(v2sf) =	vpush v36, $0x0;
	_ =	sdelay $0xe  }
0x1ad: {  	s7 =	spop (v2sf)  }
0x1ae: {  	s13 =	sand.u32 $0x7F, s7  }
0x1af: {  	s30 =	sshra.s32 s7, $0x1F;
	p2 =	slt.s32 s7, $0x1;
	p1 =	sne.s32 s13, $0x0  }
0x1b0: {  	s13 =	sshrl.u32 s30, $0x19;
	p1 =	por !p2, !p1  }
0x1b1: {  	s7 =	sadd.s32 s13, s7;
	s13 =	simm.s32 $0x1;
	p1 =	por !p1, !p1  }
0x1b2: {  	s7 =	sshrl.u32 s7, $0x7;
	s13 =	simm.s32 @!p1 $0x0  }
0x1b3: {  	s7 =	ssub.s32 s7, s13  }
0x1b4: {  	s7 =	sshll.u32 s7, $0x7  }
0x1b5: {  	s7 =	sand.u32 $0x1FFFFF80, s7  }
0x1b6: {  	s7 =	sadd.s32 s2, s7  }
0x1b7: {  	[tilespmem:s23], [sflag:$0x1] =	stream.strided.gather [hbm4b:s7+s16], $0x2000, s17, s16, $0x38;
	[tilespmem:$0x16280] =	vst v63  }
0x1b8: {  	v63 =	vld [tilespmem:s5+$0x3];
	_ =	sdelay $0x4  }
0x1b9: {  	(v2sf) =	vpush v63, $0x0;
	_ =	sdelay $0xe  }
0x1ba: {  	s14 =	spop (v2sf)  }
0x1bb: {  	s19 =	sand.u32 $0x7F, s14  }
0x1bc: {  	s30 =	sshra.s32 s14, $0x1F;
	p6 =	slt.s32 s14, $0x1;
	p5 =	sne.s32 s19, $0x0  }
0x1bd: {  	s13 =	sshrl.u32 s30, $0x19;
	p1 =	por !p6, !p5  }
0x1be: {  	s7 =	sadd.s32 s13, s14;
	s13 =	simm.s32 $0x1;
	p1 =	por !p1, !p1  }
0x1bf: {  	s7 =	sshrl.u32 s7, $0x7;
	s13 =	simm.s32 @!p1 $0x0  }
.Ltmp4:
0x1c0: {  	s7 =	ssub.s32 s7, s13;
	(pc) =	sbr.rel .LBB2_2-.Ltmp4, $4  }
0x1c1: {  	s7 =	sshll.u32 s7, $0x7  }
0x1c2: {  	s4 =	sadd.s32 $0x4, s4;
	s7 =	sand.u32 $0x1FFFFF80, s7  }
0x1c3: {  	s3 =	sadd.s32 $0x4, s3;
	s5 =	sadd.s32 $0x4, s5;
	s7 =	sadd.s32 s0, s7  }
0x1c4: {  	[tilespmem:s24], [sflag:$0x2] =	stream.strided.gather [hbm4b:s7+s16], $0x2000, s17, s16, $0x38;
	[tilespmem:$0x16280] =	vst v63  }
.LBB2_5:
0x1c5: {  	s3 =	rddreg [dreg:$0x4];
	s13 =	simm.s32 $0x16200  }
0x1c6: {  	[tilespmem:s13], [sflag:$0x3] =	stream.linear.gather [hbm4b:s3+s6], $0x80, $0x38;
	[tilespmem:$0x16280] =	vst v63  }
0x1c7: {  	_ =	swait.ge [sflag:s29], $0x80  }
0x1c8: {  	[sflag:s29] =	ssyncset.done $0x0  }
0x1c9: {  	[sflag:s29] =	ssyncadd.s32 $0xFFFFFF80  }
0x1ca: {  	v36 =	vld [tilespmem:$0x16200];
	_ =	sdelay $0x4  }
0x1cb: {  	(v2sf) =	vpush v36, $0x0;
	_ =	sdelay $0xe  }
0x1cc: {  	s30 =	spop (v2sf)  }
0x1cd: {  	s4 =	sshra.s32 s30, $0x1F  }
0x1ce: {  	s4 =	sshrl.u32 s4, $0x19  }
0x1cf: {  	s4 =	sadd.s32 s4, s30  }
0x1d0: {  	s5 =	sand.u32 $0xFFFFFF80, s4  }
0x1d1: {  	p1 =	slt.s32 s30, $0x1;
	p2 =	sne.s32 s30, s5  }
0x1d2: {  	p1 =	por !p1, !p2  }
0x1d3: {  	s7 =	simm.s32 $0x1;
	p1 =	por !p1, !p1  }
0x1d4: {  	s4 =	sshrl.u32 s4, $0x7;
	s7 =	simm.s32 @!p1 $0x0  }
0x1d5: {  	s4 =	ssub.s32 s4, s7  }
0x1d6: {  	s4 =	sshll.u32 s4, $0x7  }
0x1d7: {  	s3 =	ssub.s32 s30, s5;
	s4 =	sand.u32 $0x1FFFFF80, s4  }
0x1d8: {  	v56 =	vadd.s32 s3, v0;
	s4 =	sadd.s32 s0, s4  }
0x1d9: {  	[tilespmem:s6], [sflag:$0x1] =	stream.strided.gather [hbm4b:s4+s16], $0x2000, s17, s16, $0x38;
	[tilespmem:$0x16280] =	vst v63  }
0x1da: {  	_ =	swait.ge [sflag:s15], $0x2000  }
0x1db: {  	[sflag:s15] =	ssyncset.done $0x0  }
0x1dc: {  	[sflag:s15] =	ssyncadd.s32 $0xFFFFE000  }
0x1dd: {  	v36 =	vld.idx.msk [tilespmem:v56+s6+$0x0], $0xffff  }
0x1de: {  	v37 =	vadd.s32 s3, v1;
	_ =	sdelay $0x3  }
0x1df: {  	[tilespmem:v0+s31+$0x0] =	vst.idx.msk $0xffff, v36  }
0x1e0: {  	v36 =	vld.idx.msk [tilespmem:v37+s6+$0x0], $0xffff  }
0x1e1: {  	v57 =	vadd.s32 s3, v2;
	_ =	sdelay $0x3  }
0x1e2: {  	[tilespmem:v1+s31+$0x0] =	vst.idx.msk $0xffff, v36  }
0x1e3: {  	v36 =	vld.idx.msk [tilespmem:v57+s6+$0x0], $0xffff  }
0x1e4: {  	v58 =	vadd.s32 s3, v3;
	_ =	sdelay $0x3  }
0x1e5: {  	[tilespmem:v2+s31+$0x0] =	vst.idx.msk $0xffff, v36  }
0x1e6: {  	v36 =	vld.idx.msk [tilespmem:v58+s6+$0x0], $0xffff;
	_ =	sdelay $0x4  }
0x1e7: {  	s7 =	rddreg [dreg:$0x5];
	[tilespmem:v3+s31+$0x0] =	vst.idx.msk $0xffff, v36  }
0x1e8: {  	[tilespmem:s13], [sflag:$0x3] =	stream.linear.gather [hbm4b:s7+s6], $0x80, $0x38;
	[tilespmem:$0x16280] =	vst v63  }
0x1e9: {  	_ =	swait.ge [sflag:s29], $0x80  }
0x1ea: {  	[sflag:s29] =	ssyncset.done $0x0  }
0x1eb: {  	[sflag:s29] =	ssyncadd.s32 $0xFFFFFF80  }
0x1ec: {  	v59 =	vld [tilespmem:$0x16200];
	_ =	sdelay $0x4  }
0x1ed: {  	(v2sf) =	vpush v59, $0x0;
	_ =	sdelay $0xe  }
0x1ee: {  	s13 =	spop (v2sf)  }
0x1ef: {  	s14 =	sshra.s32 s13, $0x1F  }
0x1f0: {  	s4 =	sshrl.u32 s14, $0x19  }
0x1f1: {  	s4 =	sadd.s32 s4, s13  }
0x1f2: {  	s19 =	sand.u32 $0xFFFFFF80, s4  }
0x1f3: {  	p5 =	slt.s32 s13, $0x1;
	p6 =	sne.s32 s13, s19  }
0x1f4: {  	p1 =	por !p5, !p6  }
0x1f5: {  	s7 =	simm.s32 $0x1;
	p1 =	por !p1, !p1  }
0x1f6: {  	s4 =	sshrl.u32 s4, $0x7;
	s7 =	simm.s32 @!p1 $0x0  }
0x1f7: {  	s4 =	ssub.s32 s4, s7  }
0x1f8: {  	s4 =	sshll.u32 s4, $0x7  }
0x1f9: {  	s3 =	ssub.s32 s13, s19;
	s4 =	sand.u32 $0x1FFFFF80, s4  }
0x1fa: {  	v60 =	vadd.s32 s3, v0;
	s4 =	sadd.s32 s2, s4  }
0x1fb: {  	[tilespmem:s6], [sflag:$0x1] =	stream.strided.gather [hbm4b:s4+s16], $0x2000, s17, s16, $0x38;
	[tilespmem:$0x16280] =	vst v63  }
0x1fc: {  	_ =	swait.ge [sflag:s15], $0x2000  }
0x1fd: {  	[sflag:s15] =	ssyncset.done $0x0  }
0x1fe: {  	[sflag:s15] =	ssyncadd.s32 $0xFFFFE000  }
0x1ff: {  	v36 =	vld.idx.msk [tilespmem:v60+s6+$0x0], $0xffff  }
0x200: {  	v61 =	vadd.s32 s3, v1;
	_ =	sdelay $0x3  }
0x201: {  	[tilespmem:v32+s31+$0x0] =	vst.idx.msk $0xffff, v36  }
0x202: {  	v36 =	vld.idx.msk [tilespmem:v61+s6+$0x0], $0xffff  }
0x203: {  	v62 =	vadd.s32 s3, v2;
	_ =	sdelay $0x3  }
0x204: {  	[tilespmem:v33+s31+$0x0] =	vst.idx.msk $0xffff, v36  }
0x205: {  	v36 =	vld.idx.msk [tilespmem:v62+s6+$0x0], $0xffff  }
0x206: {  	v63 =	vadd.s32 s3, v3;
	_ =	sdelay $0x3  }
0x207: {  	[tilespmem:v34+s31+$0x0] =	vst.idx.msk $0xffff, v36  }
0x208: {  	v36 =	vld.idx.msk [tilespmem:v63+s6+$0x0], $0xffff;
	_ =	sdelay $0x4  }
.Ltmp5:
0x209: {  	s30 =	rddreg [dreg:$0x8];
	[tilespmem:v35+s31+$0x0] =	vst.idx.msk $0xffff, v36;
	(pc) =	sbr.rel .LBB2_6-.Ltmp5, $4  }
0x20a: {  	[hbm4b:s30+s6] =	stream.linear.scatter [tilespmem:s31], [sflag:$0x3], $0x2000, $0x38;
	[tilespmem:$0x16280] =	vst v63  }
0x20b: {  	_ =	swait.ge [sflag:s29], $0x2000  }
0x20c: {  	[sflag:s29] =	ssyncset.done $0x0  }
0x20d: {  	[sflag:s29] =	ssyncadd.s32 $0xFFFFE000  }
.LBB2_7:
0x20e: {  	_ =	sfence.sel $0x180000  }
0x20f: {  	[bflag:$0x0] =	sbarrier.arrive $0xFFFF  }
0x210: {  	_ =	strace $0x90000047  }
0x211: {  	s0 =	stileid.u32;
	[bflag:$0x2] =	sbarrier.arrive $0xFFFF  }
0x212: {  	p0 =	sne.s32 s0, $0x0;
	s0 =	rddreg [dreg:$0x7]  }
0x213: {  	s0 =	sadd.s32 @!p0 $0x100000, s0  }
0x214: {  	[sflag:s0] =	ssyncadd.tile.s32 @!p0 $0x1;
	_ =	shalt  }
.Lfunc_end2:
_tile_overlayer_lowered:
.L_overlay_start_2:
0x215: {  	(tag) =	ssettag $0x2  }
0x216: {  	s0 =	rddreg [dreg:$0x0];
	s2 =	stileid.u32  }
0x217: {  	s1 =	rddreg [dreg:$0x1];
	p0 =	sne.s32 s2, $0x0  }
0x218: {  	s3 =	rddreg [dreg:$0x2];
	[bflag:$0x3] =	sbarrier.arrive $0xFFFF;
	s2 =	simm.s32 @!p0 $0x1C03  }
0x219: {  	[timem:s3], [sflag:s2] =	dma.local @!p0 [hbm:s0], s1  }
0x21a: {  	s0 =	simm.s32 @!p0 $0x3  }
0x21b: {  	_ =	swait.ge @!p0 [sflag:s0], s1  }
0x21c: {  	s1 =	ssub.s32 @!p0 $0x0, s1;
	[sflag:s0] =	ssyncset.done @!p0 $0x0  }
0x21d: {  	[sflag:s0] =	ssyncadd.s32 @!p0 s1  }
0x21e: {  	[bflag:$0x3] =	sbarrier.arrive $0xFFFF  }
0x21f: {  	_ =	shalt  }

</sc_bundles>
